<compile_context>
chip_gen: v7x
topology: tpu7x:2x2x1
jax: 0.10.2.dev20260603
libtpu: 0.0.44.dev20260713+nightly
codegen_flags: <defaults>
</compile_context>

<pallas_src>
import functools

import jax
import jax.numpy as jnp
from jax import lax
from jax.experimental import pallas as pl
from jax.experimental.pallas import tpu as pltpu
from jax.experimental.pallas import tpu_sc as plsc

NC = 2
NS = 16
LANES = 16
NW = NC * NS
G = 128

_MESH = dict(core_axis_name="c", subcore_axis_name="s")


def _deg_build(n, e, ch):
    epw = e // NW
    nch = epw // ch
    stripe = (n // NS) // 8 * 8
    tail = n - stripe * NS
    assert epw * NW == e and nch * ch == epw and 0 <= tail <= 16 and tail % 8 == 0 and stripe % 16 == 0

    @functools.partial(
        pl.kernel,
        out_type=jax.ShapeDtypeStruct((NC, n, LANES), jnp.float32),
        mesh=plsc.VectorSubcoreMesh(**_MESH),
        compiler_params=pltpu.CompilerParams(use_tc_tiling_on_sc=False),
        scratch_types=[
            pltpu.VMEM((nch, ch), jnp.int32),
            pltpu.VMEM((ch, LANES), jnp.float32),
            pltpu.VMEM((16, LANES), jnp.float32),
            pltpu.VMEM_SHARED((n, LANES), jnp.float32),
            pltpu.SemaphoreType.DMA,
        ],
    )
    def deg_kernel(ei_hbm, out_hbm, didx_all, ones_v, zbuf, deg_sh, sem_d):
        c = lax.axis_index("c")
        s = lax.axis_index("s")
        w = c * NS + s
        z16 = jnp.zeros((LANES,), jnp.float32)
        o16 = jnp.ones((LANES,), jnp.float32)

        pltpu.sync_copy(ei_hbm.at[1, w], didx_all)

        @pl.loop(0, ch)
        def _(i):
            ones_v[i, :] = o16

        @pl.loop(0, 16)
        def _(i):
            zbuf[i, :] = z16

        r0 = pl.multiple_of(s * stripe, 8)

        @pl.loop(0, stripe // 16)
        def _(i):
            pltpu.sync_copy(zbuf, deg_sh.at[pl.ds(r0 + i * 16, 16)])

        @pl.when(s == NS - 1)
        def _():
            pltpu.sync_copy(zbuf.at[pl.ds(0, tail)], deg_sh.at[pl.ds(stripe * NS, tail)])

        plsc.subcore_barrier()

        @pl.loop(0, nch)
        def _(i):
            pltpu.async_copy(ones_v, deg_sh.at[didx_all.at[i]], sem_d, add=True)

            @pl.when(i >= 4)
            def _():
                pltpu.make_async_copy(ones_v, deg_sh.at[didx_all.at[0]], sem_d).wait()

        for _ in range(4):
            pltpu.make_async_copy(ones_v, deg_sh.at[didx_all.at[0]], sem_d).wait()

        plsc.subcore_barrier()
        pltpu.sync_copy(deg_sh.at[pl.ds(r0, stripe)], out_hbm.at[c, pl.ds(r0, stripe)])

        @pl.when(s == NS - 1)
        def _():
            pltpu.sync_copy(
                deg_sh.at[pl.ds(stripe * NS, tail)],
                out_hbm.at[c, pl.ds(stripe * NS, tail)],
            )

    return deg_kernel


def _edge_build(n, d, e, ch):
    epw = e // NW
    nch = epw // ch
    stripe = (n // NS) // 8 * 8
    tail = n - stripe * NS
    assert epw * NW == e and nch * ch == epw and 0 <= tail <= 16 and tail % 8 == 0 and stripe % 16 == 0

    @functools.partial(
        pl.kernel,
        out_type=jax.ShapeDtypeStruct((NC, n, d), jnp.float32),
        mesh=plsc.VectorSubcoreMesh(**_MESH),
        compiler_params=pltpu.CompilerParams(use_tc_tiling_on_sc=False),
        scratch_types=[
            pltpu.VMEM((2, nch, ch), jnp.int32),
            pltpu.VMEM((3, ch, d), jnp.float32),
            pltpu.VMEM_SHARED((n, d), jnp.float32),
            pltpu.SemaphoreType.DMA((3,)),
            pltpu.SemaphoreType.DMA((3,)),
        ],
    )
    def edge_kernel(
        hp_hbm, ei_hbm, out_hbm,
        idx_all, rows, agg_sh, sem_g, sem_s,
    ):
        c = lax.axis_index("c")
        s = lax.axis_index("s")
        w = c * NS + s
        z16 = jnp.zeros((LANES,), jnp.float32)

        pltpu.sync_copy(ei_hbm.at[:, w], idx_all)
        sidx_all = idx_all.at[0]
        didx_all = idx_all.at[1]

        pltpu.async_copy(hp_hbm.at[sidx_all.at[0]], rows.at[0], sem_g.at[0])
        pltpu.async_copy(hp_hbm.at[sidx_all.at[1]], rows.at[1], sem_g.at[1])

        @pl.loop(0, ch)
        def _(i):
            @pl.loop(0, d // LANES)
            def _(j):
                rows[2, i, pl.ds(j * LANES, LANES)] = z16

        r0 = pl.multiple_of(s * stripe, 8)

        @pl.loop(0, stripe // ch)
        def _(i):
            pltpu.sync_copy(rows.at[2], agg_sh.at[pl.ds(r0 + i * ch, ch)])

        rem = stripe - (stripe // ch) * ch
        if rem:
            pltpu.sync_copy(
                rows.at[2].at[pl.ds(0, rem)],
                agg_sh.at[pl.ds(r0 + (stripe // ch) * ch, rem)],
            )

        @pl.when(s == NS - 1)
        def _():
            pltpu.sync_copy(
                rows.at[2].at[pl.ds(0, tail)], agg_sh.at[pl.ds(stripe * NS, tail)]
            )

        plsc.subcore_barrier()

        @pl.loop(0, nch)
        def _(i):
            b = lax.rem(i, 3)
            pltpu.make_async_copy(
                hp_hbm.at[sidx_all.at[i]], rows.at[b], sem_g.at[b]
            ).wait()
            pltpu.async_copy(rows.at[b], agg_sh.at[didx_all.at[i]], sem_s.at[b], add=True)

            b2 = lax.rem(i + 2, 3)

            @pl.when(i + 2 < nch)
            def _():
                @pl.when(i > 0)
                def _():
                    pltpu.make_async_copy(
                        rows.at[b2], agg_sh.at[didx_all.at[i]], sem_s.at[b2]
                    ).wait()

                pltpu.async_copy(
                    hp_hbm.at[sidx_all.at[i + 2]], rows.at[b2], sem_g.at[b2]
                )

        for slot in range(3):
            pltpu.make_async_copy(
                rows.at[slot], agg_sh.at[didx_all.at[0]], sem_s.at[slot]
            ).wait()

        plsc.subcore_barrier()
        pltpu.sync_copy(agg_sh.at[pl.ds(r0, stripe)], out_hbm.at[c, pl.ds(r0, stripe)])

        @pl.when(s == NS - 1)
        def _():
            pltpu.sync_copy(
                agg_sh.at[pl.ds(stripe * NS, tail)],
                out_hbm.at[c, pl.ds(stripe * NS, tail)],
            )

    return edge_kernel


def _tc_matmul(x, w):
    n, d = x.shape

    def body(x_ref, w_ref, out_ref):
        out_ref[...] = jnp.dot(x_ref[...], w_ref[...], preferred_element_type=jnp.float32)

    return pl.pallas_call(
        body, out_shape=jax.ShapeDtypeStruct((n, d), jnp.float32)
    )(x, w)


def _tc_scale(hw, degs):
    n, d = hw.shape
    blk = 2000
    nb = n // blk
    assert nb * blk == n

    def body(hw_ref, deg_ref, hp_ref, dinv_ref):
        deg = deg_ref[0, :, 0:1] + deg_ref[1, :, 0:1] + 1.0
        dinv = lax.rsqrt(deg)
        hp_ref[...] = hw_ref[...] * dinv
        dinv_ref[...] = dinv

    return pl.pallas_call(
        body,
        grid=(nb,),
        in_specs=[
            pl.BlockSpec((blk, d), lambda i: (i, 0)),
            pl.BlockSpec((2, blk, LANES), lambda i: (0, i, 0)),
        ],
        out_specs=(
            pl.BlockSpec((blk, d), lambda i: (i, 0)),
            pl.BlockSpec((blk, 1), lambda i: (i, 0)),
        ),
        out_shape=(
            jax.ShapeDtypeStruct((n, d), jnp.float32),
            jax.ShapeDtypeStruct((n, 1), jnp.float32),
        ),
    )(hw, degs)


def _tc_mid(agg, hp, dinv, b, w):
    n, d = hp.shape
    blk = 2000
    nb = n // blk
    assert nb * blk == n

    def body(agg_ref, hp_ref, dinv_ref, b_ref, w_ref, out_ref):
        z = (agg_ref[0] + agg_ref[1] + hp_ref[...]) * dinv_ref[...] + b_ref[...]
        z = jnp.maximum(z, 0.0)
        out_ref[...] = (
            jnp.dot(z, w_ref[...], preferred_element_type=jnp.float32) * dinv_ref[...]
        )

    return pl.pallas_call(
        body,
        grid=(nb,),
        in_specs=[
            pl.BlockSpec((2, blk, d), lambda i: (0, i, 0)),
            pl.BlockSpec((blk, d), lambda i: (i, 0)),
            pl.BlockSpec((blk, 1), lambda i: (i, 0)),
            pl.BlockSpec((1, d), lambda i: (0, 0)),
            pl.BlockSpec((d, d), lambda i: (0, 0)),
        ],
        out_specs=pl.BlockSpec((blk, d), lambda i: (i, 0)),
        out_shape=jax.ShapeDtypeStruct((n, d), jnp.float32),
    )(agg, hp, dinv, b, w)


def _tc_final(agg, hp, dinv, b, batch2d, lw, lb):
    n, d = hp.shape

    def body(agg_ref, hp_ref, dinv_ref, b_ref, batch_ref, lw_ref, lb_ref, out_ref):
        t = (agg_ref[0] + agg_ref[1] + hp_ref[...]) * dinv_ref[...] + b_ref[...]
        gid = lax.broadcasted_iota(jnp.int32, (G, 1), 0)
        onehot = (batch_ref[...] == gid).astype(jnp.float32)
        psum = lax.dot_general(
            onehot, t, (((1,), (0,)), ((), ())), preferred_element_type=jnp.float32
        )
        cnt = lax.dot_general(
            onehot,
            jnp.ones((n, 1), jnp.float32),
            (((1,), (0,)), ((), ())),
            preferred_element_type=jnp.float32,
        )
        pooled = psum / jnp.maximum(cnt, 1.0)
        out_ref[...] = (
            jnp.dot(pooled, lw_ref[...], preferred_element_type=jnp.float32)
            + lb_ref[...]
        )

    return pl.pallas_call(
        body, out_shape=jax.ShapeDtypeStruct((G, d), jnp.float32)
    )(agg, hp, dinv, b, batch2d, lw, lb)


@functools.lru_cache(maxsize=None)
def _sc_kernels(n, d, e):
    ch = 80
    return _deg_build(n, e, ch), _edge_build(n, d, e, ch)


def kernel(x, edge_index, batch, W1, b1, W2, b2, W3, b3, linW, linb):
    n, d = x.shape
    e = edge_index.shape[1]
    ch = 80
    nch = e // NW // ch
    deg_k, edge_k = _sc_kernels(n, d, e)

    ei4 = edge_index.astype(jnp.int32).reshape(2, NW, nch, ch)

    degs = deg_k(ei4)
    hw1 = _tc_matmul(x, W1)
    hp1, dinv = _tc_scale(hw1, degs)
    agg1 = edge_k(hp1, ei4)
    hp2 = _tc_mid(agg1, hp1, dinv, b1.reshape(1, d), W2)
    agg2 = edge_k(hp2, ei4)
    hp3 = _tc_mid(agg2, hp2, dinv, b2.reshape(1, d), W3)
    agg3 = edge_k(hp3, ei4)
    return _tc_final(
        agg3, hp3, dinv, b3.reshape(1, d), batch.reshape(1, n).astype(jnp.int32),
        linW, linb.reshape(1, d),
    )

# --- scband reference (transcript-rebuilt; emitter-appended) ---
"""Pipeline reference for scband-gcn-60971355734712 (READ-ONLY COPY).

The authoritative reference and input builder live on the scoring server;
editing this copy changes nothing except your own understanding.
"""

import jax, jax.numpy as jnp
import numpy as np

N = 10000
E = 320000
D = 128
G = 128


def gcn_conv(x, edge_index, W, b, num_nodes):
    # GCNConv: h = D^{-1/2} (A + I) D^{-1/2} (x W) + b  (symmetric normalization, self-loops)
    h = x @ W
    src = edge_index[0]
    dst = edge_index[1]
    loop = jnp.arange(num_nodes, dtype=src.dtype)
    src = jnp.concatenate([src, loop])
    dst = jnp.concatenate([dst, loop])
    deg = jnp.zeros((num_nodes,), h.dtype).at[dst].add(1.0)
    dinv = jnp.where(deg > 0, 1.0 / jnp.sqrt(deg), 0.0)
    norm = dinv[src] * dinv[dst]
    msg = h[src] * norm[:, None]
    out = jnp.zeros_like(h).at[dst].add(msg)
    return out + b


def setup_inputs(seed: int = 0):
    key = jax.random.key(seed)
    ks = jax.random.split(key, 12)
    x = jax.random.normal(ks[0], (N, D), dtype=jnp.float32)
    edge_index = jax.random.randint(ks[1], (2, E), 0, N)
    batch = jnp.sort(jax.random.randint(ks[2], (N,), 0, G))
    s = 1.0 / np.sqrt(D)
    W1 = jax.random.uniform(ks[3], (D, D), jnp.float32, -s, s)
    b1 = jnp.zeros((D,), jnp.float32)
    W2 = jax.random.uniform(ks[4], (D, D), jnp.float32, -s, s)
    b2 = jnp.zeros((D,), jnp.float32)
    W3 = jax.random.uniform(ks[5], (D, D), jnp.float32, -s, s)
    b3 = jnp.zeros((D,), jnp.float32)
    linW = jax.random.uniform(ks[6], (D, D), jnp.float32, -s, s)
    linb = jax.random.uniform(ks[7], (D,), jnp.float32, -s, s)
    return {"x": x, "edge_index": edge_index, "batch": batch, "W1": W1, "b1": b1, "W2": W2, "b2": b2, "W3": W3, "b3": b3, "linW": linW, "linb": linb}


def reference(x, edge_index, batch, W1, b1, W2, b2, W3, b3, linW, linb):
    h = jax.nn.relu(gcn_conv(x, edge_index, W1, b1, N))
    h = jax.nn.relu(gcn_conv(h, edge_index, W2, b2, N))
    h = gcn_conv(h, edge_index, W3, b3, N)
    # global_mean_pool over graph ids
    s = jax.ops.segment_sum(h, batch, num_segments=G)
    cnt = jax.ops.segment_sum(jnp.ones((h.shape[0],), h.dtype), batch, num_segments=G)
    pooled = s / jnp.maximum(cnt, 1.0)[:, None]
    # dropout is identity in eval mode
    out = pooled @ linW + linb
    return out

if __name__ == "__main__":
    import jax
    _d = setup_inputs()
    print(jax.jit(kernel)(*tuple(_d.values())))

</pallas_src>

<mosaic_0001>
#map = affine_map<(d0, d1) -> (0, 0, 0, 0)>
#map1 = affine_map<(d0, d1) -> (0, 0, 0)>
module attributes {stable_mosaic.version = 14 : i64} {
  func.func @deg_kernel(%arg0: i32, %arg1: i32, %arg2: memref<2x32x125x80xi32, #tpu.memory_space<hbm>>, %arg3: memref<2x10000x16xf32, #tpu.memory_space<hbm>>, %arg4: memref<125x80xi32, #tpu.memory_space<vmem>>, %arg5: memref<80x16xf32, #tpu.memory_space<vmem>>, %arg6: memref<16x16xf32, #tpu.memory_space<vmem>>, %arg7: memref<10000x16xf32, #tpu.memory_space<vmem_shared>>, %arg8: memref<!tpu.dma_semaphore, #tpu.memory_space<semaphore_mem>>) attributes {dimension_semantics = [#tpu.dimension_semantics<core_parallel>, #tpu.dimension_semantics<subcore_parallel>], iteration_bounds = array<i64: 2, 16>, scalar_prefetch = 0 : i64, scratch_operands = 5 : i64, tpu.core_type = #tpu.core_type<sc_vector_subcore>, window_params = [{transform_indices = #map}, {transform_indices = #map1}]} {
    %mul3A = arith.constant 16 : i32
    %mul3A_0 = arith.muli %arg0, %mul3A : i32
    %add3A = arith.addi %mul3A_0, %arg1 : i32
    %broadcast_in_dim3A = arith.constant 0.000000e+00 : f32
    %broadcast_in_dim3A_1 = vector.broadcast %broadcast_in_dim3A : f32 to vector<16xf32>
    %broadcast_in_dim3A_2 = arith.constant 1.000000e+00 : f32
    %broadcast_in_dim3A_3 = vector.broadcast %broadcast_in_dim3A_2 : f32 to vector<16xf32>
    %run_scoped3A = arith.constant 1 : i32
    "tpu.region"() ({
      %run_scoped3A_60 = tpu.sem_alloc : memref<!tpu.dma_semaphore, #tpu.memory_space<semaphore_mem>>
      %dma_start3A = arith.constant 0 : i32
      %dma_start3A_61 = arith.constant 0 : i32
      %dma_start3A_62 = tpu.memref_slice %arg2[%run_scoped3A, %add3A, %dma_start3A, %dma_start3A_61] : memref<2x32x125x80xi32, #tpu.memory_space<hbm>> -> memref<1x1x125x80xi32, #tpu.memory_space<hbm>>
      %dma_start3A_63 = tpu.memref_squeeze %dma_start3A_62 : memref<1x1x125x80xi32, #tpu.memory_space<hbm>> -> memref<125x80xi32, #tpu.memory_space<hbm>>
      %dma_start3A_64 = arith.constant 0 : i32
      %dma_start3A_65 = arith.constant 0 : i32
      %dma_start3A_66 = tpu.memref_slice %arg2[%run_scoped3A, %add3A, %dma_start3A_64, %dma_start3A_65] : memref<2x32x125x80xi32, #tpu.memory_space<hbm>> -> memref<1x1x125x80xi32, #tpu.memory_space<hbm>>
      %dma_start3A_67 = tpu.memref_squeeze %dma_start3A_66 : memref<1x1x125x80xi32, #tpu.memory_space<hbm>> -> memref<125x80xi32, #tpu.memory_space<hbm>>
      tpu.enqueue_dma source(%dma_start3A_67 : memref<125x80xi32, #tpu.memory_space<hbm>>) target(%arg4 : memref<125x80xi32, #tpu.memory_space<vmem>>) target_semaphore(%run_scoped3A_60 : memref<!tpu.dma_semaphore, #tpu.memory_space<semaphore_mem>>)
      %dma_wait3A_68 = arith.constant 0 : i32
      %dma_wait3A_69 = arith.constant 0 : i32
      %dma_wait3A_70 = tpu.memref_slice %arg2[%run_scoped3A, %add3A, %dma_wait3A_68, %dma_wait3A_69] : memref<2x32x125x80xi32, #tpu.memory_space<hbm>> -> memref<1x1x125x80xi32, #tpu.memory_space<hbm>>
      %dma_wait3A_71 = tpu.memref_squeeze %dma_wait3A_70 : memref<1x1x125x80xi32, #tpu.memory_space<hbm>> -> memref<125x80xi32, #tpu.memory_space<hbm>>
      %dma_wait3A_72 = arith.constant 0 : i32
      %dma_wait3A_73 = arith.constant 0 : i32
      %dma_wait3A_74 = tpu.memref_slice %arg2[%run_scoped3A, %add3A, %dma_wait3A_72, %dma_wait3A_73] : memref<2x32x125x80xi32, #tpu.memory_space<hbm>> -> memref<1x1x125x80xi32, #tpu.memory_space<hbm>>
      %dma_wait3A_75 = tpu.memref_squeeze %dma_wait3A_74 : memref<1x1x125x80xi32, #tpu.memory_space<hbm>> -> memref<125x80xi32, #tpu.memory_space<hbm>>
      tpu.wait_dma2 semaphore(%run_scoped3A_60 : memref<!tpu.dma_semaphore, #tpu.memory_space<semaphore_mem>>) src(%dma_wait3A_75 : memref<125x80xi32, #tpu.memory_space<hbm>>) dst(%arg4 : memref<125x80xi32, #tpu.memory_space<vmem>>)
      tpu.yield
    }) : () -> ()
    %scan3A = arith.constant 0 : i32
    %scan3A_4 = arith.constant 80 : i32
    %scan3A_5 = arith.addi %scan3A, %scan3A_4 : i32
    %scan3A_6 = arith.constant 1 : i32
    scf.for %scan3A_60 = %scan3A to %scan3A_5 step %scan3A_6  : i32 {
      %mul3A_61 = arith.constant 1 : i32
      %mul3A_62 = arith.muli %scan3A_60, %mul3A_61 : i32
      %add3A_63 = arith.constant 0 : i32
      %add3A_64 = arith.addi %add3A_63, %mul3A_62 : i32
      %swap3A = arith.index_cast %add3A_64 : i32 to index
      %swap3A_65 = arith.constant 0 : index
      %swap3A_66 = tpu.vector_load %arg5[%swap3A, %swap3A_65] {strides = array<i32>} : memref<80x16xf32, #tpu.memory_space<vmem>>, vector<1x16xf32>,
      %swap3A_67 = vector.shape_cast %swap3A_66 : vector<1x16xf32> to vector<16xf32>
      %swap3A_68 = vector.shape_cast %broadcast_in_dim3A_3 : vector<16xf32> to vector<1x16xf32>
      tpu.vector_store %arg5[%swap3A, %swap3A_65], %swap3A_68 {strides = array<i32>} : memref<80x16xf32, #tpu.memory_space<vmem>>, vector<1x16xf32>,
    }
    %scan3A_7 = arith.constant 80 : i32
    %scan3A_8 = arith.constant 0 : i32
    %scan3A_9 = arith.constant 16 : i32
    %scan3A_10 = arith.addi %scan3A_8, %scan3A_9 : i32
    %scan3A_11 = arith.constant 1 : i32
    scf.for %scan3A_60 = %scan3A_8 to %scan3A_10 step %scan3A_11  : i32 {
      %mul3A_61 = arith.constant 1 : i32
      %mul3A_62 = arith.muli %scan3A_60, %mul3A_61 : i32
      %add3A_63 = arith.constant 0 : i32
      %add3A_64 = arith.addi %add3A_63, %mul3A_62 : i32
      %swap3A = arith.index_cast %add3A_64 : i32 to index
      %swap3A_65 = arith.constant 0 : index
      %swap3A_66 = tpu.vector_load %arg6[%swap3A, %swap3A_65] {strides = array<i32>} : memref<16x16xf32, #tpu.memory_space<vmem>>, vector<1x16xf32>,
      %swap3A_67 = vector.shape_cast %swap3A_66 : vector<1x16xf32> to vector<16xf32>
      %swap3A_68 = vector.shape_cast %broadcast_in_dim3A_1 : vector<16xf32> to vector<1x16xf32>
      tpu.vector_store %arg6[%swap3A, %swap3A_65], %swap3A_68 {strides = array<i32>} : memref<16x16xf32, #tpu.memory_space<vmem>>, vector<1x16xf32>,
    }
    %scan3A_12 = arith.constant 16 : i32
    %mul3A_13 = arith.constant 624 : i32
    %mul3A_14 = arith.muli %arg1, %mul3A_13 : i32
    %multiple_of3A = tpu.assume_multiple %mul3A_14, 8 : i32
    %scan3A_15 = arith.constant 0 : i32
    %scan3A_16 = arith.constant 39 : i32
    %scan3A_17 = arith.addi %scan3A_15, %scan3A_16 : i32
    %scan3A_18 = arith.constant 1 : i32
    scf.for %scan3A_60 = %scan3A_15 to %scan3A_17 step %scan3A_18  : i32 {
      %mul3A_61 = arith.constant 1 : i32
      %mul3A_62 = arith.muli %scan3A_60, %mul3A_61 : i32
      %add3A_63 = arith.constant 0 : i32
      %add3A_64 = arith.addi %add3A_63, %mul3A_62 : i32
      %mul3A_65 = arith.constant 16 : i32
      %mul3A_66 = arith.muli %add3A_64, %mul3A_65 : i32
      %add3A_67 = arith.addi %multiple_of3A, %mul3A_66 : i32
      "tpu.region"() ({
        %run_scoped3A_68 = tpu.sem_alloc : memref<!tpu.dma_semaphore, #tpu.memory_space<semaphore_mem>>
        %dma_start3A = arith.constant 0 : i32
        %dma_start3A_69 = tpu.memref_slice %arg7[%add3A_67, %dma_start3A] : memref<10000x16xf32, #tpu.memory_space<vmem_shared>> -> memref<16x16xf32, #tpu.memory_space<vmem_shared>>
        %dma_start3A_70 = arith.constant 0 : i32
        %dma_start3A_71 = tpu.memref_slice %arg7[%add3A_67, %dma_start3A_70] : memref<10000x16xf32, #tpu.memory_space<vmem_shared>> -> memref<16x16xf32, #tpu.memory_space<vmem_shared>>
        tpu.enqueue_dma source(%arg6 : memref<16x16xf32, #tpu.memory_space<vmem>>) target(%dma_start3A_71 : memref<16x16xf32, #tpu.memory_space<vmem_shared>>) target_semaphore(%run_scoped3A_68 : memref<!tpu.dma_semaphore, #tpu.memory_space<semaphore_mem>>)
        %dma_wait3A_72 = arith.constant 0 : i32
        %dma_wait3A_73 = tpu.memref_slice %arg7[%add3A_67, %dma_wait3A_72] : memref<10000x16xf32, #tpu.memory_space<vmem_shared>> -> memref<16x16xf32, #tpu.memory_space<vmem_shared>>
        %dma_wait3A_74 = arith.constant 0 : i32
        %dma_wait3A_75 = tpu.memref_slice %arg7[%add3A_67, %dma_wait3A_74] : memref<10000x16xf32, #tpu.memory_space<vmem_shared>> -> memref<16x16xf32, #tpu.memory_space<vmem_shared>>
        tpu.wait_dma2 semaphore(%run_scoped3A_68 : memref<!tpu.dma_semaphore, #tpu.memory_space<semaphore_mem>>) src(%arg6 : memref<16x16xf32, #tpu.memory_space<vmem>>) dst(%dma_wait3A_75 : memref<16x16xf32, #tpu.memory_space<vmem_shared>>)
        tpu.yield
      }) : () -> ()
    }
    %scan3A_19 = arith.constant 39 : i32
    %eq3A = arith.constant 15 : i32
    %eq3A_20 = arith.cmpi eq, %arg1, %eq3A : i32
    %convert_element_type3A = arith.extui %eq3A_20 : i1 to i32
    %cond3A = arith.constant 0 : i32
    %cond3A_21 = arith.cmpi ne, %convert_element_type3A, %cond3A : i32
    scf.if %cond3A_21 {
      "tpu.region"() ({
        %run_scoped3A_60 = tpu.sem_alloc : memref<!tpu.dma_semaphore, #tpu.memory_space<semaphore_mem>>
        %dma_start3A = arith.constant 0 : i32
        %dma_start3A_61 = arith.constant 0 : i32
        %dma_start3A_62 = tpu.memref_slice %arg6[%dma_start3A, %dma_start3A_61] : memref<16x16xf32, #tpu.memory_space<vmem>> -> memref<16x16xf32, #tpu.memory_space<vmem>>
        %dma_start3A_63 = arith.constant 9984 : i32
        %dma_start3A_64 = arith.constant 0 : i32
        %dma_start3A_65 = tpu.memref_slice %arg7[%dma_start3A_63, %dma_start3A_64] : memref<10000x16xf32, #tpu.memory_space<vmem_shared>> -> memref<16x16xf32, #tpu.memory_space<vmem_shared>>
        %dma_start3A_66 = arith.constant 9984 : i32
        %dma_start3A_67 = arith.constant 0 : i32
        %dma_start3A_68 = tpu.memref_slice %arg7[%dma_start3A_66, %dma_start3A_67] : memref<10000x16xf32, #tpu.memory_space<vmem_shared>> -> memref<16x16xf32, #tpu.memory_space<vmem_shared>>
        %dma_start3A_69 = arith.constant 0 : i32
        %dma_start3A_70 = arith.constant 0 : i32
        %dma_start3A_71 = tpu.memref_slice %arg6[%dma_start3A_69, %dma_start3A_70] : memref<16x16xf32, #tpu.memory_space<vmem>> -> memref<16x16xf32, #tpu.memory_space<vmem>>
        tpu.enqueue_dma source(%dma_start3A_71 : memref<16x16xf32, #tpu.memory_space<vmem>>) target(%dma_start3A_68 : memref<16x16xf32, #tpu.memory_space<vmem_shared>>) target_semaphore(%run_scoped3A_60 : memref<!tpu.dma_semaphore, #tpu.memory_space<semaphore_mem>>)
        %dma_wait3A_72 = arith.constant 0 : i32
        %dma_wait3A_73 = arith.constant 0 : i32
        %dma_wait3A_74 = tpu.memref_slice %arg6[%dma_wait3A_72, %dma_wait3A_73] : memref<16x16xf32, #tpu.memory_space<vmem>> -> memref<16x16xf32, #tpu.memory_space<vmem>>
        %dma_wait3A_75 = arith.constant 9984 : i32
        %dma_wait3A_76 = arith.constant 0 : i32
        %dma_wait3A_77 = tpu.memref_slice %arg7[%dma_wait3A_75, %dma_wait3A_76] : memref<10000x16xf32, #tpu.memory_space<vmem_shared>> -> memref<16x16xf32, #tpu.memory_space<vmem_shared>>
        %dma_wait3A_78 = arith.constant 9984 : i32
        %dma_wait3A_79 = arith.constant 0 : i32
        %dma_wait3A_80 = tpu.memref_slice %arg7[%dma_wait3A_78, %dma_wait3A_79] : memref<10000x16xf32, #tpu.memory_space<vmem_shared>> -> memref<16x16xf32, #tpu.memory_space<vmem_shared>>
        %dma_wait3A_81 = arith.constant 0 : i32
        %dma_wait3A_82 = arith.constant 0 : i32
        %dma_wait3A_83 = tpu.memref_slice %arg6[%dma_wait3A_81, %dma_wait3A_82] : memref<16x16xf32, #tpu.memory_space<vmem>> -> memref<16x16xf32, #tpu.memory_space<vmem>>
        tpu.wait_dma2 semaphore(%run_scoped3A_60 : memref<!tpu.dma_semaphore, #tpu.memory_space<semaphore_mem>>) src(%dma_wait3A_83 : memref<16x16xf32, #tpu.memory_space<vmem>>) dst(%dma_wait3A_80 : memref<16x16xf32, #tpu.memory_space<vmem_shared>>)
        tpu.yield
      }) : () -> ()
    } else {
    }
    %barrier3A = arith.constant 0 : index
    tpu.barrier barrier_id(%barrier3A)
    %scan3A_22 = arith.constant 0 : i32
    %scan3A_23 = arith.constant 125 : i32
    %scan3A_24 = arith.addi %scan3A_22, %scan3A_23 : i32
    %scan3A_25 = arith.constant 1 : i32
    scf.for %scan3A_60 = %scan3A_22 to %scan3A_24 step %scan3A_25  : i32 {
      %mul3A_61 = arith.constant 1 : i32
      %mul3A_62 = arith.muli %scan3A_60, %mul3A_61 : i32
      %add3A_63 = arith.constant 0 : i32
      %add3A_64 = arith.addi %add3A_63, %mul3A_62 : i32
      %dma_start3A = arith.constant 0 : i32
      %dma_start3A_65 = tpu.memref_slice %arg4[%add3A_64, %dma_start3A] : memref<125x80xi32, #tpu.memory_space<vmem>> -> memref<1x80xi32, #tpu.memory_space<vmem>>
      %dma_start3A_66 = tpu.memref_squeeze %dma_start3A_65 : memref<1x80xi32, #tpu.memory_space<vmem>> -> memref<80xi32, #tpu.memory_space<vmem>>
      %dma_start3A_67 = arith.constant 0 : i32
      %dma_start3A_68 = arith.constant 0 : i32
      %dma_start3A_69 = tpu.memref_slice %arg7[%dma_start3A_67, %dma_start3A_68] : memref<10000x16xf32, #tpu.memory_space<vmem_shared>> -> memref<10000x16xf32, #tpu.memory_space<vmem_shared>>
      tpu.enqueue_indirect_dma source(%arg5 : memref<80x16xf32, #tpu.memory_space<vmem>>) target(%dma_start3A_69 : memref<10000x16xf32, #tpu.memory_space<vmem_shared>>) offsets(%dma_start3A_66 : memref<80xi32, #tpu.memory_space<vmem>>) semaphore(%arg8 : memref<!tpu.dma_semaphore, #tpu.memory_space<semaphore_mem>>) {add = true}
      %ge3A = arith.constant 4 : i32
      %ge3A_70 = arith.cmpi sge, %add3A_64, %ge3A : i32
      %convert_element_type3A_71 = arith.extui %ge3A_70 : i1 to i32
      %cond3A_72 = arith.constant 0 : i32
      %cond3A_73 = arith.cmpi ne, %convert_element_type3A_71, %cond3A_72 : i32
      scf.if %cond3A_73 {
        %dma_wait3A_74 = arith.constant 0 : i32
        %dma_wait3A_75 = arith.constant 0 : i32
        %dma_wait3A_76 = tpu.memref_slice %arg4[%dma_wait3A_74, %dma_wait3A_75] : memref<125x80xi32, #tpu.memory_space<vmem>> -> memref<1x80xi32, #tpu.memory_space<vmem>>
        %dma_wait3A_77 = tpu.memref_squeeze %dma_wait3A_76 : memref<1x80xi32, #tpu.memory_space<vmem>> -> memref<80xi32, #tpu.memory_space<vmem>>
        %dma_wait3A_78 = arith.constant 0 : i32
        %dma_wait3A_79 = arith.constant 0 : i32
        %dma_wait3A_80 = tpu.memref_slice %arg7[%dma_wait3A_78, %dma_wait3A_79] : memref<10000x16xf32, #tpu.memory_space<vmem_shared>> -> memref<10000x16xf32, #tpu.memory_space<vmem_shared>>
        tpu.wait_indirect_dma semaphore(%arg8 : memref<!tpu.dma_semaphore, #tpu.memory_space<semaphore_mem>>) src(%arg5 : memref<80x16xf32, #tpu.memory_space<vmem>>) dst(%dma_wait3A_80 : memref<10000x16xf32, #tpu.memory_space<vmem_shared>>)
      } else {
      }
    }
    %scan3A_26 = arith.constant 125 : i32
    %dma_wait3A = arith.constant 0 : i32
    %dma_wait3A_27 = arith.constant 0 : i32
    %dma_wait3A_28 = tpu.memref_slice %arg4[%dma_wait3A, %dma_wait3A_27] : memref<125x80xi32, #tpu.memory_space<vmem>> -> memref<1x80xi32, #tpu.memory_space<vmem>>
    %dma_wait3A_29 = tpu.memref_squeeze %dma_wait3A_28 : memref<1x80xi32, #tpu.memory_space<vmem>> -> memref<80xi32, #tpu.memory_space<vmem>>
    %dma_wait3A_30 = arith.constant 0 : i32
    %dma_wait3A_31 = arith.constant 0 : i32
    %dma_wait3A_32 = tpu.memref_slice %arg7[%dma_wait3A_30, %dma_wait3A_31] : memref<10000x16xf32, #tpu.memory_space<vmem_shared>> -> memref<10000x16xf32, #tpu.memory_space<vmem_shared>>
    tpu.wait_indirect_dma semaphore(%arg8 : memref<!tpu.dma_semaphore, #tpu.memory_space<semaphore_mem>>) src(%arg5 : memref<80x16xf32, #tpu.memory_space<vmem>>) dst(%dma_wait3A_32 : memref<10000x16xf32, #tpu.memory_space<vmem_shared>>)
    %dma_wait3A_33 = arith.constant 0 : i32
    %dma_wait3A_34 = arith.constant 0 : i32
    %dma_wait3A_35 = tpu.memref_slice %arg4[%dma_wait3A_33, %dma_wait3A_34] : memref<125x80xi32, #tpu.memory_space<vmem>> -> memref<1x80xi32, #tpu.memory_space<vmem>>
    %dma_wait3A_36 = tpu.memref_squeeze %dma_wait3A_35 : memref<1x80xi32, #tpu.memory_space<vmem>> -> memref<80xi32, #tpu.memory_space<vmem>>
    %dma_wait3A_37 = arith.constant 0 : i32
    %dma_wait3A_38 = arith.constant 0 : i32
    %dma_wait3A_39 = tpu.memref_slice %arg7[%dma_wait3A_37, %dma_wait3A_38] : memref<10000x16xf32, #tpu.memory_space<vmem_shared>> -> memref<10000x16xf32, #tpu.memory_space<vmem_shared>>
    tpu.wait_indirect_dma semaphore(%arg8 : memref<!tpu.dma_semaphore, #tpu.memory_space<semaphore_mem>>) src(%arg5 : memref<80x16xf32, #tpu.memory_space<vmem>>) dst(%dma_wait3A_39 : memref<10000x16xf32, #tpu.memory_space<vmem_shared>>)
    %dma_wait3A_40 = arith.constant 0 : i32
    %dma_wait3A_41 = arith.constant 0 : i32
    %dma_wait3A_42 = tpu.memref_slice %arg4[%dma_wait3A_40, %dma_wait3A_41] : memref<125x80xi32, #tpu.memory_space<vmem>> -> memref<1x80xi32, #tpu.memory_space<vmem>>
    %dma_wait3A_43 = tpu.memref_squeeze %dma_wait3A_42 : memref<1x80xi32, #tpu.memory_space<vmem>> -> memref<80xi32, #tpu.memory_space<vmem>>
    %dma_wait3A_44 = arith.constant 0 : i32
    %dma_wait3A_45 = arith.constant 0 : i32
    %dma_wait3A_46 = tpu.memref_slice %arg7[%dma_wait3A_44, %dma_wait3A_45] : memref<10000x16xf32, #tpu.memory_space<vmem_shared>> -> memref<10000x16xf32, #tpu.memory_space<vmem_shared>>
    tpu.wait_indirect_dma semaphore(%arg8 : memref<!tpu.dma_semaphore, #tpu.memory_space<semaphore_mem>>) src(%arg5 : memref<80x16xf32, #tpu.memory_space<vmem>>) dst(%dma_wait3A_46 : memref<10000x16xf32, #tpu.memory_space<vmem_shared>>)
    %dma_wait3A_47 = arith.constant 0 : i32
    %dma_wait3A_48 = arith.constant 0 : i32
    %dma_wait3A_49 = tpu.memref_slice %arg4[%dma_wait3A_47, %dma_wait3A_48] : memref<125x80xi32, #tpu.memory_space<vmem>> -> memref<1x80xi32, #tpu.memory_space<vmem>>
    %dma_wait3A_50 = tpu.memref_squeeze %dma_wait3A_49 : memref<1x80xi32, #tpu.memory_space<vmem>> -> memref<80xi32, #tpu.memory_space<vmem>>
    %dma_wait3A_51 = arith.constant 0 : i32
    %dma_wait3A_52 = arith.constant 0 : i32
    %dma_wait3A_53 = tpu.memref_slice %arg7[%dma_wait3A_51, %dma_wait3A_52] : memref<10000x16xf32, #tpu.memory_space<vmem_shared>> -> memref<10000x16xf32, #tpu.memory_space<vmem_shared>>
    tpu.wait_indirect_dma semaphore(%arg8 : memref<!tpu.dma_semaphore, #tpu.memory_space<semaphore_mem>>) src(%arg5 : memref<80x16xf32, #tpu.memory_space<vmem>>) dst(%dma_wait3A_53 : memref<10000x16xf32, #tpu.memory_space<vmem_shared>>)
    %barrier3A_54 = arith.constant 0 : index
    tpu.barrier barrier_id(%barrier3A_54)
    "tpu.region"() ({
      %run_scoped3A_60 = tpu.sem_alloc : memref<!tpu.dma_semaphore, #tpu.memory_space<semaphore_mem>>
      %dma_start3A = arith.constant 0 : i32
      %dma_start3A_61 = tpu.memref_slice %arg3[%arg0, %multiple_of3A, %dma_start3A] : memref<2x10000x16xf32, #tpu.memory_space<hbm>> -> memref<1x624x16xf32, #tpu.memory_space<hbm>>
      %dma_start3A_62 = tpu.memref_squeeze %dma_start3A_61 : memref<1x624x16xf32, #tpu.memory_space<hbm>> -> memref<624x16xf32, #tpu.memory_space<hbm>>
      %dma_start3A_63 = arith.constant 0 : i32
      %dma_start3A_64 = tpu.memref_slice %arg7[%multiple_of3A, %dma_start3A_63] : memref<10000x16xf32, #tpu.memory_space<vmem_shared>> -> memref<624x16xf32, #tpu.memory_space<vmem_shared>>
      tpu.enqueue_dma source(%dma_start3A_64 : memref<624x16xf32, #tpu.memory_space<vmem_shared>>) target(%dma_start3A_62 : memref<624x16xf32, #tpu.memory_space<hbm>>) target_semaphore(%run_scoped3A_60 : memref<!tpu.dma_semaphore, #tpu.memory_space<semaphore_mem>>)
      %dma_wait3A_65 = arith.constant 0 : i32
      %dma_wait3A_66 = tpu.memref_slice %arg3[%arg0, %multiple_of3A, %dma_wait3A_65] : memref<2x10000x16xf32, #tpu.memory_space<hbm>> -> memref<1x624x16xf32, #tpu.memory_space<hbm>>
      %dma_wait3A_67 = tpu.memref_squeeze %dma_wait3A_66 : memref<1x624x16xf32, #tpu.memory_space<hbm>> -> memref<624x16xf32, #tpu.memory_space<hbm>>
      %dma_wait3A_68 = arith.constant 0 : i32
      %dma_wait3A_69 = tpu.memref_slice %arg7[%multiple_of3A, %dma_wait3A_68] : memref<10000x16xf32, #tpu.memory_space<vmem_shared>> -> memref<624x16xf32, #tpu.memory_space<vmem_shared>>
      tpu.wait_dma2 semaphore(%run_scoped3A_60 : memref<!tpu.dma_semaphore, #tpu.memory_space<semaphore_mem>>) src(%dma_wait3A_69 : memref<624x16xf32, #tpu.memory_space<vmem_shared>>) dst(%dma_wait3A_67 : memref<624x16xf32, #tpu.memory_space<hbm>>)
      tpu.yield
    }) : () -> ()
    %eq3A_55 = arith.constant 15 : i32
    %eq3A_56 = arith.cmpi eq, %arg1, %eq3A_55 : i32
    %convert_element_type3A_57 = arith.extui %eq3A_56 : i1 to i32
    %cond3A_58 = arith.constant 0 : i32
    %cond3A_59 = arith.cmpi ne, %convert_element_type3A_57, %cond3A_58 : i32
    scf.if %cond3A_59 {
      "tpu.region"() ({
        %run_scoped3A_60 = tpu.sem_alloc : memref<!tpu.dma_semaphore, #tpu.memory_space<semaphore_mem>>
        %dma_start3A = arith.constant 9984 : i32
        %dma_start3A_61 = arith.constant 0 : i32
        %dma_start3A_62 = tpu.memref_slice %arg3[%arg0, %dma_start3A, %dma_start3A_61] : memref<2x10000x16xf32, #tpu.memory_space<hbm>> -> memref<1x16x16xf32, #tpu.memory_space<hbm>>
        %dma_start3A_63 = tpu.memref_squeeze %dma_start3A_62 : memref<1x16x16xf32, #tpu.memory_space<hbm>> -> memref<16x16xf32, #tpu.memory_space<hbm>>
        %dma_start3A_64 = arith.constant 9984 : i32
        %dma_start3A_65 = arith.constant 0 : i32
        %dma_start3A_66 = tpu.memref_slice %arg7[%dma_start3A_64, %dma_start3A_65] : memref<10000x16xf32, #tpu.memory_space<vmem_shared>> -> memref<16x16xf32, #tpu.memory_space<vmem_shared>>
        tpu.enqueue_dma source(%dma_start3A_66 : memref<16x16xf32, #tpu.memory_space<vmem_shared>>) target(%dma_start3A_63 : memref<16x16xf32, #tpu.memory_space<hbm>>) target_semaphore(%run_scoped3A_60 : memref<!tpu.dma_semaphore, #tpu.memory_space<semaphore_mem>>)
        %dma_wait3A_67 = arith.constant 9984 : i32
        %dma_wait3A_68 = arith.constant 0 : i32
        %dma_wait3A_69 = tpu.memref_slice %arg3[%arg0, %dma_wait3A_67, %dma_wait3A_68] : memref<2x10000x16xf32, #tpu.memory_space<hbm>> -> memref<1x16x16xf32, #tpu.memory_space<hbm>>
        %dma_wait3A_70 = tpu.memref_squeeze %dma_wait3A_69 : memref<1x16x16xf32, #tpu.memory_space<hbm>> -> memref<16x16xf32, #tpu.memory_space<hbm>>
        %dma_wait3A_71 = arith.constant 9984 : i32
        %dma_wait3A_72 = arith.constant 0 : i32
        %dma_wait3A_73 = tpu.memref_slice %arg7[%dma_wait3A_71, %dma_wait3A_72] : memref<10000x16xf32, #tpu.memory_space<vmem_shared>> -> memref<16x16xf32, #tpu.memory_space<vmem_shared>>
        tpu.wait_dma2 semaphore(%run_scoped3A_60 : memref<!tpu.dma_semaphore, #tpu.memory_space<semaphore_mem>>) src(%dma_wait3A_73 : memref<16x16xf32, #tpu.memory_space<vmem_shared>>) dst(%dma_wait3A_70 : memref<16x16xf32, #tpu.memory_space<hbm>>)
        tpu.yield
      }) : () -> ()
    } else {
    }
    return
  }
}

#map = affine_map<(d0, d1) -> (0, 0)>
#map1 = affine_map<(d0, d1) -> (0, 0, 0, 0)>
#map2 = affine_map<(d0, d1) -> (0, 0, 0)>
module attributes {stable_mosaic.version = 14 : i64} {
  func.func @edge_kernel(%arg0: i32, %arg1: i32, %arg2: memref<10000x128xf32, #tpu.memory_space<hbm>>, %arg3: memref<2x32x125x80xi32, #tpu.memory_space<hbm>>, %arg4: memref<2x10000x128xf32, #tpu.memory_space<hbm>>, %arg5: memref<2x125x80xi32, #tpu.memory_space<vmem>>, %arg6: memref<3x80x128xf32, #tpu.memory_space<vmem>>, %arg7: memref<10000x128xf32, #tpu.memory_space<vmem_shared>>, %arg8: memref<3x!tpu.dma_semaphore, #tpu.memory_space<semaphore_mem>>, %arg9: memref<3x!tpu.dma_semaphore, #tpu.memory_space<semaphore_mem>>) attributes {dimension_semantics = [#tpu.dimension_semantics<core_parallel>, #tpu.dimension_semantics<subcore_parallel>], iteration_bounds = array<i64: 2, 16>, scalar_prefetch = 0 : i64, scratch_operands = 5 : i64, tpu.core_type = #tpu.core_type<sc_vector_subcore>, window_params = [{transform_indices = #map}, {transform_indices = #map1}, {transform_indices = #map2}]} {
    %mul3A = arith.constant 16 : i32
    %mul3A_0 = arith.muli %arg0, %mul3A : i32
    %add3A = arith.addi %mul3A_0, %arg1 : i32
    %broadcast_in_dim3A = arith.constant 0.000000e+00 : f32
    %broadcast_in_dim3A_1 = vector.broadcast %broadcast_in_dim3A : f32 to vector<16xf32>
    "tpu.region"() ({
      %run_scoped3A_128 = tpu.sem_alloc : memref<!tpu.dma_semaphore, #tpu.memory_space<semaphore_mem>>
      %dma_start3A_129 = arith.constant 0 : i32
      %dma_start3A_130 = arith.constant 0 : i32
      %dma_start3A_131 = arith.constant 0 : i32
      %dma_start3A_132 = tpu.memref_slice %arg3[%dma_start3A_129, %add3A, %dma_start3A_130, %dma_start3A_131] : memref<2x32x125x80xi32, #tpu.memory_space<hbm>> -> memref<2x1x125x80xi32, #tpu.memory_space<hbm>>
      %dma_start3A_133 = tpu.memref_squeeze %dma_start3A_132 : memref<2x1x125x80xi32, #tpu.memory_space<hbm>> -> memref<2x125x80xi32, #tpu.memory_space<hbm>>
      %dma_start3A_134 = arith.constant 0 : i32
      %dma_start3A_135 = arith.constant 0 : i32
      %dma_start3A_136 = arith.constant 0 : i32
      %dma_start3A_137 = tpu.memref_slice %arg3[%dma_start3A_134, %add3A, %dma_start3A_135, %dma_start3A_136] : memref<2x32x125x80xi32, #tpu.memory_space<hbm>> -> memref<2x1x125x80xi32, #tpu.memory_space<hbm>>
      %dma_start3A_138 = tpu.memref_squeeze %dma_start3A_137 : memref<2x1x125x80xi32, #tpu.memory_space<hbm>> -> memref<2x125x80xi32, #tpu.memory_space<hbm>>
      tpu.enqueue_dma source(%dma_start3A_138 : memref<2x125x80xi32, #tpu.memory_space<hbm>>) target(%arg5 : memref<2x125x80xi32, #tpu.memory_space<vmem>>) target_semaphore(%run_scoped3A_128 : memref<!tpu.dma_semaphore, #tpu.memory_space<semaphore_mem>>)
      %dma_wait3A_139 = arith.constant 0 : i32
      %dma_wait3A_140 = arith.constant 0 : i32
      %dma_wait3A_141 = arith.constant 0 : i32
      %dma_wait3A_142 = tpu.memref_slice %arg3[%dma_wait3A_139, %add3A, %dma_wait3A_140, %dma_wait3A_141] : memref<2x32x125x80xi32, #tpu.memory_space<hbm>> -> memref<2x1x125x80xi32, #tpu.memory_space<hbm>>
      %dma_wait3A_143 = tpu.memref_squeeze %dma_wait3A_142 : memref<2x1x125x80xi32, #tpu.memory_space<hbm>> -> memref<2x125x80xi32, #tpu.memory_space<hbm>>
      %dma_wait3A_144 = arith.constant 0 : i32
      %dma_wait3A_145 = arith.constant 0 : i32
      %dma_wait3A_146 = arith.constant 0 : i32
      %dma_wait3A_147 = tpu.memref_slice %arg3[%dma_wait3A_144, %add3A, %dma_wait3A_145, %dma_wait3A_146] : memref<2x32x125x80xi32, #tpu.memory_space<hbm>> -> memref<2x1x125x80xi32, #tpu.memory_space<hbm>>
      %dma_wait3A_148 = tpu.memref_squeeze %dma_wait3A_147 : memref<2x1x125x80xi32, #tpu.memory_space<hbm>> -> memref<2x125x80xi32, #tpu.memory_space<hbm>>
      tpu.wait_dma2 semaphore(%run_scoped3A_128 : memref<!tpu.dma_semaphore, #tpu.memory_space<semaphore_mem>>) src(%dma_wait3A_148 : memref<2x125x80xi32, #tpu.memory_space<hbm>>) dst(%arg5 : memref<2x125x80xi32, #tpu.memory_space<vmem>>)
      tpu.yield
    }) : () -> ()
    %dma_start3A = arith.constant 0 : i32
    %dma_start3A_2 = arith.constant 0 : i32
    %dma_start3A_3 = arith.constant 0 : i32
    %dma_start3A_4 = arith.constant 0 : i32
    %dma_start3A_5 = arith.constant 0 : i32
    %dma_start3A_6 = arith.constant 0 : i32
    %dma_start3A_7 = tpu.memref_slice %arg6[%dma_start3A_3, %dma_start3A_5, %dma_start3A_6] : memref<3x80x128xf32, #tpu.memory_space<vmem>> -> memref<1x80x128xf32, #tpu.memory_space<vmem>>
    %dma_start3A_8 = tpu.memref_squeeze %dma_start3A_7 : memref<1x80x128xf32, #tpu.memory_space<vmem>> -> memref<80x128xf32, #tpu.memory_space<vmem>>
    %dma_start3A_9 = arith.constant 0 : i32
    %dma_start3A_10 = arith.constant 0 : i32
    %dma_start3A_11 = tpu.memref_slice %arg5[%dma_start3A, %dma_start3A_9, %dma_start3A_10] : memref<2x125x80xi32, #tpu.memory_space<vmem>> -> memref<1x125x80xi32, #tpu.memory_space<vmem>>
    %dma_start3A_12 = tpu.memref_squeeze %dma_start3A_11 : memref<1x125x80xi32, #tpu.memory_space<vmem>> -> memref<125x80xi32, #tpu.memory_space<vmem>>
    %dma_start3A_13 = arith.constant 0 : i32
    %dma_start3A_14 = tpu.memref_slice %dma_start3A_12[%dma_start3A_2, %dma_start3A_13] : memref<125x80xi32, #tpu.memory_space<vmem>> -> memref<1x80xi32, #tpu.memory_space<vmem>>
    %dma_start3A_15 = tpu.memref_squeeze %dma_start3A_14 : memref<1x80xi32, #tpu.memory_space<vmem>> -> memref<80xi32, #tpu.memory_space<vmem>>
    %dma_start3A_16 = arith.constant 0 : i32
    %dma_start3A_17 = arith.constant 0 : i32
    %dma_start3A_18 = tpu.memref_slice %arg2[%dma_start3A_16, %dma_start3A_17] : memref<10000x128xf32, #tpu.memory_space<hbm>> -> memref<10000x128xf32, #tpu.memory_space<hbm>>
    %dma_start3A_19 = tpu.memref_slice %arg8[%dma_start3A_4] : memref<3x!tpu.dma_semaphore, #tpu.memory_space<semaphore_mem>> -> memref<1x!tpu.dma_semaphore, #tpu.memory_space<semaphore_mem>>
    %dma_start3A_20 = tpu.memref_squeeze %dma_start3A_19 : memref<1x!tpu.dma_semaphore, #tpu.memory_space<semaphore_mem>> -> memref<!tpu.dma_semaphore, #tpu.memory_space<semaphore_mem>>
    tpu.enqueue_indirect_dma source(%dma_start3A_18 : memref<10000x128xf32, #tpu.memory_space<hbm>>) target(%dma_start3A_8 : memref<80x128xf32, #tpu.memory_space<vmem>>) offsets(%dma_start3A_15 : memref<80xi32, #tpu.memory_space<vmem>>) semaphore(%dma_start3A_20 : memref<!tpu.dma_semaphore, #tpu.memory_space<semaphore_mem>>)
    %dma_start3A_21 = arith.constant 0 : i32
    %dma_start3A_22 = arith.constant 1 : i32
    %dma_start3A_23 = arith.constant 1 : i32
    %dma_start3A_24 = arith.constant 1 : i32
    %dma_start3A_25 = arith.constant 0 : i32
    %dma_start3A_26 = arith.constant 0 : i32
    %dma_start3A_27 = tpu.memref_slice %arg6[%dma_start3A_23, %dma_start3A_25, %dma_start3A_26] : memref<3x80x128xf32, #tpu.memory_space<vmem>> -> memref<1x80x128xf32, #tpu.memory_space<vmem>>
    %dma_start3A_28 = tpu.memref_squeeze %dma_start3A_27 : memref<1x80x128xf32, #tpu.memory_space<vmem>> -> memref<80x128xf32, #tpu.memory_space<vmem>>
    %dma_start3A_29 = arith.constant 0 : i32
    %dma_start3A_30 = arith.constant 0 : i32
    %dma_start3A_31 = tpu.memref_slice %arg5[%dma_start3A_21, %dma_start3A_29, %dma_start3A_30] : memref<2x125x80xi32, #tpu.memory_space<vmem>> -> memref<1x125x80xi32, #tpu.memory_space<vmem>>
    %dma_start3A_32 = tpu.memref_squeeze %dma_start3A_31 : memref<1x125x80xi32, #tpu.memory_space<vmem>> -> memref<125x80xi32, #tpu.memory_space<vmem>>
    %dma_start3A_33 = arith.constant 0 : i32
    %dma_start3A_34 = tpu.memref_slice %dma_start3A_32[%dma_start3A_22, %dma_start3A_33] : memref<125x80xi32, #tpu.memory_space<vmem>> -> memref<1x80xi32, #tpu.memory_space<vmem>>
    %dma_start3A_35 = tpu.memref_squeeze %dma_start3A_34 : memref<1x80xi32, #tpu.memory_space<vmem>> -> memref<80xi32, #tpu.memory_space<vmem>>
    %dma_start3A_36 = arith.constant 0 : i32
    %dma_start3A_37 = arith.constant 0 : i32
    %dma_start3A_38 = tpu.memref_slice %arg2[%dma_start3A_36, %dma_start3A_37] : memref<10000x128xf32, #tpu.memory_space<hbm>> -> memref<10000x128xf32, #tpu.memory_space<hbm>>
    %dma_start3A_39 = tpu.memref_slice %arg8[%dma_start3A_24] : memref<3x!tpu.dma_semaphore, #tpu.memory_space<semaphore_mem>> -> memref<1x!tpu.dma_semaphore, #tpu.memory_space<semaphore_mem>>
    %dma_start3A_40 = tpu.memref_squeeze %dma_start3A_39 : memref<1x!tpu.dma_semaphore, #tpu.memory_space<semaphore_mem>> -> memref<!tpu.dma_semaphore, #tpu.memory_space<semaphore_mem>>
    tpu.enqueue_indirect_dma source(%dma_start3A_38 : memref<10000x128xf32, #tpu.memory_space<hbm>>) target(%dma_start3A_28 : memref<80x128xf32, #tpu.memory_space<vmem>>) offsets(%dma_start3A_35 : memref<80xi32, #tpu.memory_space<vmem>>) semaphore(%dma_start3A_40 : memref<!tpu.dma_semaphore, #tpu.memory_space<semaphore_mem>>)
    %scan3A = arith.constant 0 : i32
    %scan3A_41 = arith.constant 80 : i32
    %scan3A_42 = arith.addi %scan3A, %scan3A_41 : i32
    %scan3A_43 = arith.constant 1 : i32
    scf.for %scan3A_128 = %scan3A to %scan3A_42 step %scan3A_43  : i32 {
      %mul3A_129 = arith.constant 1 : i32
      %mul3A_130 = arith.muli %scan3A_128, %mul3A_129 : i32
      %add3A_131 = arith.constant 0 : i32
      %add3A_132 = arith.addi %add3A_131, %mul3A_130 : i32
      %scan3A_133 = arith.constant 0 : i32
      %scan3A_134 = arith.constant 8 : i32
      %scan3A_135 = arith.addi %scan3A_133, %scan3A_134 : i32
      %scan3A_136 = arith.constant 1 : i32
      scf.for %scan3A_138 = %scan3A_133 to %scan3A_135 step %scan3A_136  : i32 {
        %mul3A_139 = arith.constant 1 : i32
        %mul3A_140 = arith.muli %scan3A_138, %mul3A_139 : i32
        %add3A_141 = arith.constant 0 : i32
        %add3A_142 = arith.addi %add3A_141, %mul3A_140 : i32
        %mul3A_143 = arith.constant 16 : i32
        %mul3A_144 = arith.muli %add3A_142, %mul3A_143 : i32
        %swap3A = arith.constant 2 : i32
        %swap3A_145 = arith.index_cast %swap3A : i32 to index
        %swap3A_146 = arith.index_cast %add3A_132 : i32 to index
        %swap3A_147 = arith.index_cast %mul3A_144 : i32 to index
        %swap3A_148 = tpu.vector_load %arg6[%swap3A_145, %swap3A_146, %swap3A_147] {strides = array<i32>} : memref<3x80x128xf32, #tpu.memory_space<vmem>>, vector<1x1x16xf32>,
        %swap3A_149 = vector.shape_cast %swap3A_148 : vector<1x1x16xf32> to vector<16xf32>
        %swap3A_150 = vector.shape_cast %broadcast_in_dim3A_1 : vector<16xf32> to vector<1x1x16xf32>
        tpu.vector_store %arg6[%swap3A_145, %swap3A_146, %swap3A_147], %swap3A_150 {strides = array<i32>} : memref<3x80x128xf32, #tpu.memory_space<vmem>>, vector<1x1x16xf32>,
      }
      %scan3A_137 = arith.constant 8 : i32
    }
    %scan3A_44 = arith.constant 80 : i32
    %mul3A_45 = arith.constant 624 : i32
    %mul3A_46 = arith.muli %arg1, %mul3A_45 : i32
    %multiple_of3A = tpu.assume_multiple %mul3A_46, 8 : i32
    %scan3A_47 = arith.constant 0 : i32
    %scan3A_48 = arith.constant 7 : i32
    %scan3A_49 = arith.addi %scan3A_47, %scan3A_48 : i32
    %scan3A_50 = arith.constant 1 : i32
    scf.for %scan3A_128 = %scan3A_47 to %scan3A_49 step %scan3A_50  : i32 {
      %mul3A_129 = arith.constant 1 : i32
      %mul3A_130 = arith.muli %scan3A_128, %mul3A_129 : i32
      %add3A_131 = arith.constant 0 : i32
      %add3A_132 = arith.addi %add3A_131, %mul3A_130 : i32
      %mul3A_133 = arith.constant 80 : i32
      %mul3A_134 = arith.muli %add3A_132, %mul3A_133 : i32
      %add3A_135 = arith.addi %multiple_of3A, %mul3A_134 : i32
      %run_scoped3A_136 = arith.constant 2 : i32
      "tpu.region"() ({
        %run_scoped3A_137 = tpu.sem_alloc : memref<!tpu.dma_semaphore, #tpu.memory_space<semaphore_mem>>
        %dma_start3A_138 = arith.constant 0 : i32
        %dma_start3A_139 = arith.constant 0 : i32
        %dma_start3A_140 = tpu.memref_slice %arg6[%run_scoped3A_136, %dma_start3A_138, %dma_start3A_139] : memref<3x80x128xf32, #tpu.memory_space<vmem>> -> memref<1x80x128xf32, #tpu.memory_space<vmem>>
        %dma_start3A_141 = tpu.memref_squeeze %dma_start3A_140 : memref<1x80x128xf32, #tpu.memory_space<vmem>> -> memref<80x128xf32, #tpu.memory_space<vmem>>
        %dma_start3A_142 = arith.constant 0 : i32
        %dma_start3A_143 = tpu.memref_slice %arg7[%add3A_135, %dma_start3A_142] : memref<10000x128xf32, #tpu.memory_space<vmem_shared>> -> memref<80x128xf32, #tpu.memory_space<vmem_shared>>
        %dma_start3A_144 = arith.constant 0 : i32
        %dma_start3A_145 = tpu.memref_slice %arg7[%add3A_135, %dma_start3A_144] : memref<10000x128xf32, #tpu.memory_space<vmem_shared>> -> memref<80x128xf32, #tpu.memory_space<vmem_shared>>
        %dma_start3A_146 = arith.constant 0 : i32
        %dma_start3A_147 = arith.constant 0 : i32
        %dma_start3A_148 = tpu.memref_slice %arg6[%run_scoped3A_136, %dma_start3A_146, %dma_start3A_147] : memref<3x80x128xf32, #tpu.memory_space<vmem>> -> memref<1x80x128xf32, #tpu.memory_space<vmem>>
        %dma_start3A_149 = tpu.memref_squeeze %dma_start3A_148 : memref<1x80x128xf32, #tpu.memory_space<vmem>> -> memref<80x128xf32, #tpu.memory_space<vmem>>
        tpu.enqueue_dma source(%dma_start3A_149 : memref<80x128xf32, #tpu.memory_space<vmem>>) target(%dma_start3A_145 : memref<80x128xf32, #tpu.memory_space<vmem_shared>>) target_semaphore(%run_scoped3A_137 : memref<!tpu.dma_semaphore, #tpu.memory_space<semaphore_mem>>)
        %dma_wait3A_150 = arith.constant 0 : i32
        %dma_wait3A_151 = arith.constant 0 : i32
        %dma_wait3A_152 = tpu.memref_slice %arg6[%run_scoped3A_136, %dma_wait3A_150, %dma_wait3A_151] : memref<3x80x128xf32, #tpu.memory_space<vmem>> -> memref<1x80x128xf32, #tpu.memory_space<vmem>>
        %dma_wait3A_153 = tpu.memref_squeeze %dma_wait3A_152 : memref<1x80x128xf32, #tpu.memory_space<vmem>> -> memref<80x128xf32, #tpu.memory_space<vmem>>
        %dma_wait3A_154 = arith.constant 0 : i32
        %dma_wait3A_155 = tpu.memref_slice %arg7[%add3A_135, %dma_wait3A_154] : memref<10000x128xf32, #tpu.memory_space<vmem_shared>> -> memref<80x128xf32, #tpu.memory_space<vmem_shared>>
        %dma_wait3A_156 = arith.constant 0 : i32
        %dma_wait3A_157 = tpu.memref_slice %arg7[%add3A_135, %dma_wait3A_156] : memref<10000x128xf32, #tpu.memory_space<vmem_shared>> -> memref<80x128xf32, #tpu.memory_space<vmem_shared>>
        %dma_wait3A_158 = arith.constant 0 : i32
        %dma_wait3A_159 = arith.constant 0 : i32
        %dma_wait3A_160 = tpu.memref_slice %arg6[%run_scoped3A_136, %dma_wait3A_158, %dma_wait3A_159] : memref<3x80x128xf32, #tpu.memory_space<vmem>> -> memref<1x80x128xf32, #tpu.memory_space<vmem>>
        %dma_wait3A_161 = tpu.memref_squeeze %dma_wait3A_160 : memref<1x80x128xf32, #tpu.memory_space<vmem>> -> memref<80x128xf32, #tpu.memory_space<vmem>>
        tpu.wait_dma2 semaphore(%run_scoped3A_137 : memref<!tpu.dma_semaphore, #tpu.memory_space<semaphore_mem>>) src(%dma_wait3A_161 : memref<80x128xf32, #tpu.memory_space<vmem>>) dst(%dma_wait3A_157 : memref<80x128xf32, #tpu.memory_space<vmem_shared>>)
        tpu.yield
      }) : () -> ()
    }
    %scan3A_51 = arith.constant 7 : i32
    %add3A_52 = arith.constant 560 : i32
    %add3A_53 = arith.addi %multiple_of3A, %add3A_52 : i32
    %run_scoped3A = arith.constant 2 : i32
    "tpu.region"() ({
      %run_scoped3A_128 = tpu.sem_alloc : memref<!tpu.dma_semaphore, #tpu.memory_space<semaphore_mem>>
      %dma_start3A_129 = arith.constant 0 : i32
      %dma_start3A_130 = arith.constant 0 : i32
      %dma_start3A_131 = tpu.memref_slice %arg6[%run_scoped3A, %dma_start3A_129, %dma_start3A_130] : memref<3x80x128xf32, #tpu.memory_space<vmem>> -> memref<1x80x128xf32, #tpu.memory_space<vmem>>
      %dma_start3A_132 = tpu.memref_squeeze %dma_start3A_131 : memref<1x80x128xf32, #tpu.memory_space<vmem>> -> memref<80x128xf32, #tpu.memory_space<vmem>>
      %dma_start3A_133 = arith.constant 0 : i32
      %dma_start3A_134 = arith.constant 0 : i32
      %dma_start3A_135 = tpu.memref_slice %dma_start3A_132[%dma_start3A_133, %dma_start3A_134] : memref<80x128xf32, #tpu.memory_space<vmem>> -> memref<64x128xf32, #tpu.memory_space<vmem>>
      %dma_start3A_136 = arith.constant 0 : i32
      %dma_start3A_137 = tpu.memref_slice %arg7[%add3A_53, %dma_start3A_136] : memref<10000x128xf32, #tpu.memory_space<vmem_shared>> -> memref<64x128xf32, #tpu.memory_space<vmem_shared>>
      %dma_start3A_138 = arith.constant 0 : i32
      %dma_start3A_139 = tpu.memref_slice %arg7[%add3A_53, %dma_start3A_138] : memref<10000x128xf32, #tpu.memory_space<vmem_shared>> -> memref<64x128xf32, #tpu.memory_space<vmem_shared>>
      %dma_start3A_140 = arith.constant 0 : i32
      %dma_start3A_141 = arith.constant 0 : i32
      %dma_start3A_142 = tpu.memref_slice %arg6[%run_scoped3A, %dma_start3A_140, %dma_start3A_141] : memref<3x80x128xf32, #tpu.memory_space<vmem>> -> memref<1x80x128xf32, #tpu.memory_space<vmem>>
      %dma_start3A_143 = tpu.memref_squeeze %dma_start3A_142 : memref<1x80x128xf32, #tpu.memory_space<vmem>> -> memref<80x128xf32, #tpu.memory_space<vmem>>
      %dma_start3A_144 = arith.constant 0 : i32
      %dma_start3A_145 = arith.constant 0 : i32
      %dma_start3A_146 = tpu.memref_slice %dma_start3A_143[%dma_start3A_144, %dma_start3A_145] : memref<80x128xf32, #tpu.memory_space<vmem>> -> memref<64x128xf32, #tpu.memory_space<vmem>>
      tpu.enqueue_dma source(%dma_start3A_146 : memref<64x128xf32, #tpu.memory_space<vmem>>) target(%dma_start3A_139 : memref<64x128xf32, #tpu.memory_space<vmem_shared>>) target_semaphore(%run_scoped3A_128 : memref<!tpu.dma_semaphore, #tpu.memory_space<semaphore_mem>>)
      %dma_wait3A_147 = arith.constant 0 : i32
      %dma_wait3A_148 = arith.constant 0 : i32
      %dma_wait3A_149 = tpu.memref_slice %arg6[%run_scoped3A, %dma_wait3A_147, %dma_wait3A_148] : memref<3x80x128xf32, #tpu.memory_space<vmem>> -> memref<1x80x128xf32, #tpu.memory_space<vmem>>
      %dma_wait3A_150 = tpu.memref_squeeze %dma_wait3A_149 : memref<1x80x128xf32, #tpu.memory_space<vmem>> -> memref<80x128xf32, #tpu.memory_space<vmem>>
      %dma_wait3A_151 = arith.constant 0 : i32
      %dma_wait3A_152 = arith.constant 0 : i32
      %dma_wait3A_153 = tpu.memref_slice %dma_wait3A_150[%dma_wait3A_151, %dma_wait3A_152] : memref<80x128xf32, #tpu.memory_space<vmem>> -> memref<64x128xf32, #tpu.memory_space<vmem>>
      %dma_wait3A_154 = arith.constant 0 : i32
      %dma_wait3A_155 = tpu.memref_slice %arg7[%add3A_53, %dma_wait3A_154] : memref<10000x128xf32, #tpu.memory_space<vmem_shared>> -> memref<64x128xf32, #tpu.memory_space<vmem_shared>>
      %dma_wait3A_156 = arith.constant 0 : i32
      %dma_wait3A_157 = tpu.memref_slice %arg7[%add3A_53, %dma_wait3A_156] : memref<10000x128xf32, #tpu.memory_space<vmem_shared>> -> memref<64x128xf32, #tpu.memory_space<vmem_shared>>
      %dma_wait3A_158 = arith.constant 0 : i32
      %dma_wait3A_159 = arith.constant 0 : i32
      %dma_wait3A_160 = tpu.memref_slice %arg6[%run_scoped3A, %dma_wait3A_158, %dma_wait3A_159] : memref<3x80x128xf32, #tpu.memory_space<vmem>> -> memref<1x80x128xf32, #tpu.memory_space<vmem>>
      %dma_wait3A_161 = tpu.memref_squeeze %dma_wait3A_160 : memref<1x80x128xf32, #tpu.memory_space<vmem>> -> memref<80x128xf32, #tpu.memory_space<vmem>>
      %dma_wait3A_162 = arith.constant 0 : i32
      %dma_wait3A_163 = arith.constant 0 : i32
      %dma_wait3A_164 = tpu.memref_slice %dma_wait3A_161[%dma_wait3A_162, %dma_wait3A_163] : memref<80x128xf32, #tpu.memory_space<vmem>> -> memref<64x128xf32, #tpu.memory_space<vmem>>
      tpu.wait_dma2 semaphore(%run_scoped3A_128 : memref<!tpu.dma_semaphore, #tpu.memory_space<semaphore_mem>>) src(%dma_wait3A_164 : memref<64x128xf32, #tpu.memory_space<vmem>>) dst(%dma_wait3A_157 : memref<64x128xf32, #tpu.memory_space<vmem_shared>>)
      tpu.yield
    }) : () -> ()
    %eq3A = arith.constant 15 : i32
    %eq3A_54 = arith.cmpi eq, %arg1, %eq3A : i32
    %convert_element_type3A = arith.extui %eq3A_54 : i1 to i32
    %cond3A = arith.constant 0 : i32
    %cond3A_55 = arith.cmpi ne, %convert_element_type3A, %cond3A : i32
    scf.if %cond3A_55 {
      %run_scoped3A_128 = arith.constant 2 : i32
      "tpu.region"() ({
        %run_scoped3A_129 = tpu.sem_alloc : memref<!tpu.dma_semaphore, #tpu.memory_space<semaphore_mem>>
        %dma_start3A_130 = arith.constant 0 : i32
        %dma_start3A_131 = arith.constant 0 : i32
        %dma_start3A_132 = tpu.memref_slice %arg6[%run_scoped3A_128, %dma_start3A_130, %dma_start3A_131] : memref<3x80x128xf32, #tpu.memory_space<vmem>> -> memref<1x80x128xf32, #tpu.memory_space<vmem>>
        %dma_start3A_133 = tpu.memref_squeeze %dma_start3A_132 : memref<1x80x128xf32, #tpu.memory_space<vmem>> -> memref<80x128xf32, #tpu.memory_space<vmem>>
        %dma_start3A_134 = arith.constant 0 : i32
        %dma_start3A_135 = arith.constant 0 : i32
        %dma_start3A_136 = tpu.memref_slice %dma_start3A_133[%dma_start3A_134, %dma_start3A_135] : memref<80x128xf32, #tpu.memory_space<vmem>> -> memref<16x128xf32, #tpu.memory_space<vmem>>
        %dma_start3A_137 = arith.constant 9984 : i32
        %dma_start3A_138 = arith.constant 0 : i32
        %dma_start3A_139 = tpu.memref_slice %arg7[%dma_start3A_137, %dma_start3A_138] : memref<10000x128xf32, #tpu.memory_space<vmem_shared>> -> memref<16x128xf32, #tpu.memory_space<vmem_shared>>
        %dma_start3A_140 = arith.constant 9984 : i32
        %dma_start3A_141 = arith.constant 0 : i32
        %dma_start3A_142 = tpu.memref_slice %arg7[%dma_start3A_140, %dma_start3A_141] : memref<10000x128xf32, #tpu.memory_space<vmem_shared>> -> memref<16x128xf32, #tpu.memory_space<vmem_shared>>
        %dma_start3A_143 = arith.constant 0 : i32
        %dma_start3A_144 = arith.constant 0 : i32
        %dma_start3A_145 = tpu.memref_slice %arg6[%run_scoped3A_128, %dma_start3A_143, %dma_start3A_144] : memref<3x80x128xf32, #tpu.memory_space<vmem>> -> memref<1x80x128xf32, #tpu.memory_space<vmem>>
        %dma_start3A_146 = tpu.memref_squeeze %dma_start3A_145 : memref<1x80x128xf32, #tpu.memory_space<vmem>> -> memref<80x128xf32, #tpu.memory_space<vmem>>
        %dma_start3A_147 = arith.constant 0 : i32
        %dma_start3A_148 = arith.constant 0 : i32
        %dma_start3A_149 = tpu.memref_slice %dma_start3A_146[%dma_start3A_147, %dma_start3A_148] : memref<80x128xf32, #tpu.memory_space<vmem>> -> memref<16x128xf32, #tpu.memory_space<vmem>>
        tpu.enqueue_dma source(%dma_start3A_149 : memref<16x128xf32, #tpu.memory_space<vmem>>) target(%dma_start3A_142 : memref<16x128xf32, #tpu.memory_space<vmem_shared>>) target_semaphore(%run_scoped3A_129 : memref<!tpu.dma_semaphore, #tpu.memory_space<semaphore_mem>>)
        %dma_wait3A_150 = arith.constant 0 : i32
        %dma_wait3A_151 = arith.constant 0 : i32
        %dma_wait3A_152 = tpu.memref_slice %arg6[%run_scoped3A_128, %dma_wait3A_150, %dma_wait3A_151] : memref<3x80x128xf32, #tpu.memory_space<vmem>> -> memref<1x80x128xf32, #tpu.memory_space<vmem>>
        %dma_wait3A_153 = tpu.memref_squeeze %dma_wait3A_152 : memref<1x80x128xf32, #tpu.memory_space<vmem>> -> memref<80x128xf32, #tpu.memory_space<vmem>>
        %dma_wait3A_154 = arith.constant 0 : i32
        %dma_wait3A_155 = arith.constant 0 : i32
        %dma_wait3A_156 = tpu.memref_slice %dma_wait3A_153[%dma_wait3A_154, %dma_wait3A_155] : memref<80x128xf32, #tpu.memory_space<vmem>> -> memref<16x128xf32, #tpu.memory_space<vmem>>
        %dma_wait3A_157 = arith.constant 9984 : i32
        %dma_wait3A_158 = arith.constant 0 : i32
        %dma_wait3A_159 = tpu.memref_slice %arg7[%dma_wait3A_157, %dma_wait3A_158] : memref<10000x128xf32, #tpu.memory_space<vmem_shared>> -> memref<16x128xf32, #tpu.memory_space<vmem_shared>>
        %dma_wait3A_160 = arith.constant 9984 : i32
        %dma_wait3A_161 = arith.constant 0 : i32
        %dma_wait3A_162 = tpu.memref_slice %arg7[%dma_wait3A_160, %dma_wait3A_161] : memref<10000x128xf32, #tpu.memory_space<vmem_shared>> -> memref<16x128xf32, #tpu.memory_space<vmem_shared>>
        %dma_wait3A_163 = arith.constant 0 : i32
        %dma_wait3A_164 = arith.constant 0 : i32
        %dma_wait3A_165 = tpu.memref_slice %arg6[%run_scoped3A_128, %dma_wait3A_163, %dma_wait3A_164] : memref<3x80x128xf32, #tpu.memory_space<vmem>> -> memref<1x80x128xf32, #tpu.memory_space<vmem>>
        %dma_wait3A_166 = tpu.memref_squeeze %dma_wait3A_165 : memref<1x80x128xf32, #tpu.memory_space<vmem>> -> memref<80x128xf32, #tpu.memory_space<vmem>>
        %dma_wait3A_167 = arith.constant 0 : i32
        %dma_wait3A_168 = arith.constant 0 : i32
        %dma_wait3A_169 = tpu.memref_slice %dma_wait3A_166[%dma_wait3A_167, %dma_wait3A_168] : memref<80x128xf32, #tpu.memory_space<vmem>> -> memref<16x128xf32, #tpu.memory_space<vmem>>
        tpu.wait_dma2 semaphore(%run_scoped3A_129 : memref<!tpu.dma_semaphore, #tpu.memory_space<semaphore_mem>>) src(%dma_wait3A_169 : memref<16x128xf32, #tpu.memory_space<vmem>>) dst(%dma_wait3A_162 : memref<16x128xf32, #tpu.memory_space<vmem_shared>>)
        tpu.yield
      }) : () -> ()
    } else {
    }
    %barrier3A = arith.constant 0 : index
    tpu.barrier barrier_id(%barrier3A)
    %scan3A_56 = arith.constant 0 : i32
    %scan3A_57 = arith.constant 1 : i32
    %scan3A_58 = arith.constant 0 : i32
    %scan3A_59 = arith.constant 125 : i32
    %scan3A_60 = arith.addi %scan3A_58, %scan3A_59 : i32
    %scan3A_61 = arith.constant 1 : i32
    scf.for %scan3A_128 = %scan3A_58 to %scan3A_60 step %scan3A_61  : i32 {
      %mul3A_129 = arith.constant 1 : i32
      %mul3A_130 = arith.muli %scan3A_128, %mul3A_129 : i32
      %add3A_131 = arith.constant 0 : i32
      %add3A_132 = arith.addi %add3A_131, %mul3A_130 : i32
      %rem3A = arith.constant 3 : i32
      %rem3A_133 = arith.remsi %add3A_132, %rem3A : i32
      %dma_wait3A_134 = arith.constant 0 : i32
      %dma_wait3A_135 = arith.constant 0 : i32
      %dma_wait3A_136 = tpu.memref_slice %arg6[%rem3A_133, %dma_wait3A_134, %dma_wait3A_135] : memref<3x80x128xf32, #tpu.memory_space<vmem>> -> memref<1x80x128xf32, #tpu.memory_space<vmem>>
      %dma_wait3A_137 = tpu.memref_squeeze %dma_wait3A_136 : memref<1x80x128xf32, #tpu.memory_space<vmem>> -> memref<80x128xf32, #tpu.memory_space<vmem>>
      %dma_wait3A_138 = arith.constant 0 : i32
      %dma_wait3A_139 = arith.constant 0 : i32
      %dma_wait3A_140 = tpu.memref_slice %arg5[%scan3A_56, %dma_wait3A_138, %dma_wait3A_139] : memref<2x125x80xi32, #tpu.memory_space<vmem>> -> memref<1x125x80xi32, #tpu.memory_space<vmem>>
      %dma_wait3A_141 = tpu.memref_squeeze %dma_wait3A_140 : memref<1x125x80xi32, #tpu.memory_space<vmem>> -> memref<125x80xi32, #tpu.memory_space<vmem>>
      %dma_wait3A_142 = arith.constant 0 : i32
      %dma_wait3A_143 = tpu.memref_slice %dma_wait3A_141[%add3A_132, %dma_wait3A_142] : memref<125x80xi32, #tpu.memory_space<vmem>> -> memref<1x80xi32, #tpu.memory_space<vmem>>
      %dma_wait3A_144 = tpu.memref_squeeze %dma_wait3A_143 : memref<1x80xi32, #tpu.memory_space<vmem>> -> memref<80xi32, #tpu.memory_space<vmem>>
      %dma_wait3A_145 = arith.constant 0 : i32
      %dma_wait3A_146 = arith.constant 0 : i32
      %dma_wait3A_147 = tpu.memref_slice %arg2[%dma_wait3A_145, %dma_wait3A_146] : memref<10000x128xf32, #tpu.memory_space<hbm>> -> memref<10000x128xf32, #tpu.memory_space<hbm>>
      %dma_wait3A_148 = tpu.memref_slice %arg8[%rem3A_133] : memref<3x!tpu.dma_semaphore, #tpu.memory_space<semaphore_mem>> -> memref<1x!tpu.dma_semaphore, #tpu.memory_space<semaphore_mem>>
      %dma_wait3A_149 = tpu.memref_squeeze %dma_wait3A_148 : memref<1x!tpu.dma_semaphore, #tpu.memory_space<semaphore_mem>> -> memref<!tpu.dma_semaphore, #tpu.memory_space<semaphore_mem>>
      tpu.wait_indirect_dma semaphore(%dma_wait3A_149 : memref<!tpu.dma_semaphore, #tpu.memory_space<semaphore_mem>>) src(%dma_wait3A_147 : memref<10000x128xf32, #tpu.memory_space<hbm>>) dst(%dma_wait3A_137 : memref<80x128xf32, #tpu.memory_space<vmem>>)
      %dma_start3A_150 = arith.constant 0 : i32
      %dma_start3A_151 = arith.constant 0 : i32
      %dma_start3A_152 = tpu.memref_slice %arg6[%rem3A_133, %dma_start3A_150, %dma_start3A_151] : memref<3x80x128xf32, #tpu.memory_space<vmem>> -> memref<1x80x128xf32, #tpu.memory_space<vmem>>
      %dma_start3A_153 = tpu.memref_squeeze %dma_start3A_152 : memref<1x80x128xf32, #tpu.memory_space<vmem>> -> memref<80x128xf32, #tpu.memory_space<vmem>>
      %dma_start3A_154 = arith.constant 0 : i32
      %dma_start3A_155 = arith.constant 0 : i32
      %dma_start3A_156 = tpu.memref_slice %arg5[%scan3A_57, %dma_start3A_154, %dma_start3A_155] : memref<2x125x80xi32, #tpu.memory_space<vmem>> -> memref<1x125x80xi32, #tpu.memory_space<vmem>>
      %dma_start3A_157 = tpu.memref_squeeze %dma_start3A_156 : memref<1x125x80xi32, #tpu.memory_space<vmem>> -> memref<125x80xi32, #tpu.memory_space<vmem>>
      %dma_start3A_158 = arith.constant 0 : i32
      %dma_start3A_159 = tpu.memref_slice %dma_start3A_157[%add3A_132, %dma_start3A_158] : memref<125x80xi32, #tpu.memory_space<vmem>> -> memref<1x80xi32, #tpu.memory_space<vmem>>
      %dma_start3A_160 = tpu.memref_squeeze %dma_start3A_159 : memref<1x80xi32, #tpu.memory_space<vmem>> -> memref<80xi32, #tpu.memory_space<vmem>>
      %dma_start3A_161 = arith.constant 0 : i32
      %dma_start3A_162 = arith.constant 0 : i32
      %dma_start3A_163 = tpu.memref_slice %arg7[%dma_start3A_161, %dma_start3A_162] : memref<10000x128xf32, #tpu.memory_space<vmem_shared>> -> memref<10000x128xf32, #tpu.memory_space<vmem_shared>>
      %dma_start3A_164 = tpu.memref_slice %arg9[%rem3A_133] : memref<3x!tpu.dma_semaphore, #tpu.memory_space<semaphore_mem>> -> memref<1x!tpu.dma_semaphore, #tpu.memory_space<semaphore_mem>>
      %dma_start3A_165 = tpu.memref_squeeze %dma_start3A_164 : memref<1x!tpu.dma_semaphore, #tpu.memory_space<semaphore_mem>> -> memref<!tpu.dma_semaphore, #tpu.memory_space<semaphore_mem>>
      tpu.enqueue_indirect_dma source(%dma_start3A_153 : memref<80x128xf32, #tpu.memory_space<vmem>>) target(%dma_start3A_163 : memref<10000x128xf32, #tpu.memory_space<vmem_shared>>) offsets(%dma_start3A_160 : memref<80xi32, #tpu.memory_space<vmem>>) semaphore(%dma_start3A_165 : memref<!tpu.dma_semaphore, #tpu.memory_space<semaphore_mem>>) {add = true}
      %add3A_166 = arith.constant 2 : i32
      %add3A_167 = arith.addi %add3A_132, %add3A_166 : i32
      %rem3A_168 = arith.constant 3 : i32
      %rem3A_169 = arith.remsi %add3A_167, %rem3A_168 : i32
      %add3A_170 = arith.constant 2 : i32
      %add3A_171 = arith.addi %add3A_132, %add3A_170 : i32
      %lt3A = arith.constant 125 : i32
      %lt3A_172 = arith.cmpi slt, %add3A_171, %lt3A : i32
      %convert_element_type3A_173 = arith.extui %lt3A_172 : i1 to i32
      %cond3A_174 = arith.constant 0 : i32
      %cond3A_175 = arith.cmpi ne, %convert_element_type3A_173, %cond3A_174 : i32
      scf.if %cond3A_175 {
        %gt3A = arith.constant 0 : i32
        %gt3A_176 = arith.cmpi sgt, %add3A_132, %gt3A : i32
        %convert_element_type3A_177 = arith.extui %gt3A_176 : i1 to i32
        %cond3A_178 = arith.constant 0 : i32
        %cond3A_179 = arith.cmpi ne, %convert_element_type3A_177, %cond3A_178 : i32
        scf.if %cond3A_179 {
          %dma_wait3A_198 = arith.constant 0 : i32
          %dma_wait3A_199 = arith.constant 0 : i32
          %dma_wait3A_200 = tpu.memref_slice %arg6[%rem3A_169, %dma_wait3A_198, %dma_wait3A_199] : memref<3x80x128xf32, #tpu.memory_space<vmem>> -> memref<1x80x128xf32, #tpu.memory_space<vmem>>
          %dma_wait3A_201 = tpu.memref_squeeze %dma_wait3A_200 : memref<1x80x128xf32, #tpu.memory_space<vmem>> -> memref<80x128xf32, #tpu.memory_space<vmem>>
          %dma_wait3A_202 = arith.constant 0 : i32
          %dma_wait3A_203 = arith.constant 0 : i32
          %dma_wait3A_204 = tpu.memref_slice %arg5[%scan3A_57, %dma_wait3A_202, %dma_wait3A_203] : memref<2x125x80xi32, #tpu.memory_space<vmem>> -> memref<1x125x80xi32, #tpu.memory_space<vmem>>
          %dma_wait3A_205 = tpu.memref_squeeze %dma_wait3A_204 : memref<1x125x80xi32, #tpu.memory_space<vmem>> -> memref<125x80xi32, #tpu.memory_space<vmem>>
          %dma_wait3A_206 = arith.constant 0 : i32
          %dma_wait3A_207 = tpu.memref_slice %dma_wait3A_205[%add3A_132, %dma_wait3A_206] : memref<125x80xi32, #tpu.memory_space<vmem>> -> memref<1x80xi32, #tpu.memory_space<vmem>>
          %dma_wait3A_208 = tpu.memref_squeeze %dma_wait3A_207 : memref<1x80xi32, #tpu.memory_space<vmem>> -> memref<80xi32, #tpu.memory_space<vmem>>
          %dma_wait3A_209 = arith.constant 0 : i32
          %dma_wait3A_210 = arith.constant 0 : i32
          %dma_wait3A_211 = tpu.memref_slice %arg7[%dma_wait3A_209, %dma_wait3A_210] : memref<10000x128xf32, #tpu.memory_space<vmem_shared>> -> memref<10000x128xf32, #tpu.memory_space<vmem_shared>>
          %dma_wait3A_212 = tpu.memref_slice %arg9[%rem3A_169] : memref<3x!tpu.dma_semaphore, #tpu.memory_space<semaphore_mem>> -> memref<1x!tpu.dma_semaphore, #tpu.memory_space<semaphore_mem>>
          %dma_wait3A_213 = tpu.memref_squeeze %dma_wait3A_212 : memref<1x!tpu.dma_semaphore, #tpu.memory_space<semaphore_mem>> -> memref<!tpu.dma_semaphore, #tpu.memory_space<semaphore_mem>>
          tpu.wait_indirect_dma semaphore(%dma_wait3A_213 : memref<!tpu.dma_semaphore, #tpu.memory_space<semaphore_mem>>) src(%dma_wait3A_201 : memref<80x128xf32, #tpu.memory_space<vmem>>) dst(%dma_wait3A_211 : memref<10000x128xf32, #tpu.memory_space<vmem_shared>>)
        } else {
        }
        %add3A_180 = arith.constant 2 : i32
        %add3A_181 = arith.addi %add3A_132, %add3A_180 : i32
        %dma_start3A_182 = arith.constant 0 : i32
        %dma_start3A_183 = arith.constant 0 : i32
        %dma_start3A_184 = tpu.memref_slice %arg6[%rem3A_169, %dma_start3A_182, %dma_start3A_183] : memref<3x80x128xf32, #tpu.memory_space<vmem>> -> memref<1x80x128xf32, #tpu.memory_space<vmem>>
        %dma_start3A_185 = tpu.memref_squeeze %dma_start3A_184 : memref<1x80x128xf32, #tpu.memory_space<vmem>> -> memref<80x128xf32, #tpu.memory_space<vmem>>
        %dma_start3A_186 = arith.constant 0 : i32
        %dma_start3A_187 = arith.constant 0 : i32
        %dma_start3A_188 = tpu.memref_slice %arg5[%scan3A_56, %dma_start3A_186, %dma_start3A_187] : memref<2x125x80xi32, #tpu.memory_space<vmem>> -> memref<1x125x80xi32, #tpu.memory_space<vmem>>
        %dma_start3A_189 = tpu.memref_squeeze %dma_start3A_188 : memref<1x125x80xi32, #tpu.memory_space<vmem>> -> memref<125x80xi32, #tpu.memory_space<vmem>>
        %dma_start3A_190 = arith.constant 0 : i32
        %dma_start3A_191 = tpu.memref_slice %dma_start3A_189[%add3A_181, %dma_start3A_190] : memref<125x80xi32, #tpu.memory_space<vmem>> -> memref<1x80xi32, #tpu.memory_space<vmem>>
        %dma_start3A_192 = tpu.memref_squeeze %dma_start3A_191 : memref<1x80xi32, #tpu.memory_space<vmem>> -> memref<80xi32, #tpu.memory_space<vmem>>
        %dma_start3A_193 = arith.constant 0 : i32
        %dma_start3A_194 = arith.constant 0 : i32
        %dma_start3A_195 = tpu.memref_slice %arg2[%dma_start3A_193, %dma_start3A_194] : memref<10000x128xf32, #tpu.memory_space<hbm>> -> memref<10000x128xf32, #tpu.memory_space<hbm>>
        %dma_start3A_196 = tpu.memref_slice %arg8[%rem3A_169] : memref<3x!tpu.dma_semaphore, #tpu.memory_space<semaphore_mem>> -> memref<1x!tpu.dma_semaphore, #tpu.memory_space<semaphore_mem>>
        %dma_start3A_197 = tpu.memref_squeeze %dma_start3A_196 : memref<1x!tpu.dma_semaphore, #tpu.memory_space<semaphore_mem>> -> memref<!tpu.dma_semaphore, #tpu.memory_space<semaphore_mem>>
        tpu.enqueue_indirect_dma source(%dma_start3A_195 : memref<10000x128xf32, #tpu.memory_space<hbm>>) target(%dma_start3A_185 : memref<80x128xf32, #tpu.memory_space<vmem>>) offsets(%dma_start3A_192 : memref<80xi32, #tpu.memory_space<vmem>>) semaphore(%dma_start3A_197 : memref<!tpu.dma_semaphore, #tpu.memory_space<semaphore_mem>>)
      } else {
      }
    }
    %scan3A_62 = arith.constant 125 : i32
    %dma_wait3A = arith.constant 0 : i32
    %dma_wait3A_63 = arith.constant 1 : i32
    %dma_wait3A_64 = arith.constant 0 : i32
    %dma_wait3A_65 = arith.constant 0 : i32
    %dma_wait3A_66 = arith.constant 0 : i32
    %dma_wait3A_67 = arith.constant 0 : i32
    %dma_wait3A_68 = tpu.memref_slice %arg6[%dma_wait3A, %dma_wait3A_66, %dma_wait3A_67] : memref<3x80x128xf32, #tpu.memory_space<vmem>> -> memref<1x80x128xf32, #tpu.memory_space<vmem>>
    %dma_wait3A_69 = tpu.memref_squeeze %dma_wait3A_68 : memref<1x80x128xf32, #tpu.memory_space<vmem>> -> memref<80x128xf32, #tpu.memory_space<vmem>>
    %dma_wait3A_70 = arith.constant 0 : i32
    %dma_wait3A_71 = arith.constant 0 : i32
    %dma_wait3A_72 = tpu.memref_slice %arg5[%dma_wait3A_63, %dma_wait3A_70, %dma_wait3A_71] : memref<2x125x80xi32, #tpu.memory_space<vmem>> -> memref<1x125x80xi32, #tpu.memory_space<vmem>>
    %dma_wait3A_73 = tpu.memref_squeeze %dma_wait3A_72 : memref<1x125x80xi32, #tpu.memory_space<vmem>> -> memref<125x80xi32, #tpu.memory_space<vmem>>
    %dma_wait3A_74 = arith.constant 0 : i32
    %dma_wait3A_75 = tpu.memref_slice %dma_wait3A_73[%dma_wait3A_64, %dma_wait3A_74] : memref<125x80xi32, #tpu.memory_space<vmem>> -> memref<1x80xi32, #tpu.memory_space<vmem>>
    %dma_wait3A_76 = tpu.memref_squeeze %dma_wait3A_75 : memref<1x80xi32, #tpu.memory_space<vmem>> -> memref<80xi32, #tpu.memory_space<vmem>>
    %dma_wait3A_77 = arith.constant 0 : i32
    %dma_wait3A_78 = arith.constant 0 : i32
    %dma_wait3A_79 = tpu.memref_slice %arg7[%dma_wait3A_77, %dma_wait3A_78] : memref<10000x128xf32, #tpu.memory_space<vmem_shared>> -> memref<10000x128xf32, #tpu.memory_space<vmem_shared>>
    %dma_wait3A_80 = tpu.memref_slice %arg9[%dma_wait3A_65] : memref<3x!tpu.dma_semaphore, #tpu.memory_space<semaphore_mem>> -> memref<1x!tpu.dma_semaphore, #tpu.memory_space<semaphore_mem>>
    %dma_wait3A_81 = tpu.memref_squeeze %dma_wait3A_80 : memref<1x!tpu.dma_semaphore, #tpu.memory_space<semaphore_mem>> -> memref<!tpu.dma_semaphore, #tpu.memory_space<semaphore_mem>>
    tpu.wait_indirect_dma semaphore(%dma_wait3A_81 : memref<!tpu.dma_semaphore, #tpu.memory_space<semaphore_mem>>) src(%dma_wait3A_69 : memref<80x128xf32, #tpu.memory_space<vmem>>) dst(%dma_wait3A_79 : memref<10000x128xf32, #tpu.memory_space<vmem_shared>>)
    %dma_wait3A_82 = arith.constant 1 : i32
    %dma_wait3A_83 = arith.constant 1 : i32
    %dma_wait3A_84 = arith.constant 0 : i32
    %dma_wait3A_85 = arith.constant 1 : i32
    %dma_wait3A_86 = arith.constant 0 : i32
    %dma_wait3A_87 = arith.constant 0 : i32
    %dma_wait3A_88 = tpu.memref_slice %arg6[%dma_wait3A_82, %dma_wait3A_86, %dma_wait3A_87] : memref<3x80x128xf32, #tpu.memory_space<vmem>> -> memref<1x80x128xf32, #tpu.memory_space<vmem>>
    %dma_wait3A_89 = tpu.memref_squeeze %dma_wait3A_88 : memref<1x80x128xf32, #tpu.memory_space<vmem>> -> memref<80x128xf32, #tpu.memory_space<vmem>>
    %dma_wait3A_90 = arith.constant 0 : i32
    %dma_wait3A_91 = arith.constant 0 : i32
    %dma_wait3A_92 = tpu.memref_slice %arg5[%dma_wait3A_83, %dma_wait3A_90, %dma_wait3A_91] : memref<2x125x80xi32, #tpu.memory_space<vmem>> -> memref<1x125x80xi32, #tpu.memory_space<vmem>>
    %dma_wait3A_93 = tpu.memref_squeeze %dma_wait3A_92 : memref<1x125x80xi32, #tpu.memory_space<vmem>> -> memref<125x80xi32, #tpu.memory_space<vmem>>
    %dma_wait3A_94 = arith.constant 0 : i32
    %dma_wait3A_95 = tpu.memref_slice %dma_wait3A_93[%dma_wait3A_84, %dma_wait3A_94] : memref<125x80xi32, #tpu.memory_space<vmem>> -> memref<1x80xi32, #tpu.memory_space<vmem>>
    %dma_wait3A_96 = tpu.memref_squeeze %dma_wait3A_95 : memref<1x80xi32, #tpu.memory_space<vmem>> -> memref<80xi32, #tpu.memory_space<vmem>>
    %dma_wait3A_97 = arith.constant 0 : i32
    %dma_wait3A_98 = arith.constant 0 : i32
    %dma_wait3A_99 = tpu.memref_slice %arg7[%dma_wait3A_97, %dma_wait3A_98] : memref<10000x128xf32, #tpu.memory_space<vmem_shared>> -> memref<10000x128xf32, #tpu.memory_space<vmem_shared>>
    %dma_wait3A_100 = tpu.memref_slice %arg9[%dma_wait3A_85] : memref<3x!tpu.dma_semaphore, #tpu.memory_space<semaphore_mem>> -> memref<1x!tpu.dma_semaphore, #tpu.memory_space<semaphore_mem>>
    %dma_wait3A_101 = tpu.memref_squeeze %dma_wait3A_100 : memref<1x!tpu.dma_semaphore, #tpu.memory_space<semaphore_mem>> -> memref<!tpu.dma_semaphore, #tpu.memory_space<semaphore_mem>>
    tpu.wait_indirect_dma semaphore(%dma_wait3A_101 : memref<!tpu.dma_semaphore, #tpu.memory_space<semaphore_mem>>) src(%dma_wait3A_89 : memref<80x128xf32, #tpu.memory_space<vmem>>) dst(%dma_wait3A_99 : memref<10000x128xf32, #tpu.memory_space<vmem_shared>>)
    %dma_wait3A_102 = arith.constant 2 : i32
    %dma_wait3A_103 = arith.constant 1 : i32
    %dma_wait3A_104 = arith.constant 0 : i32
    %dma_wait3A_105 = arith.constant 2 : i32
    %dma_wait3A_106 = arith.constant 0 : i32
    %dma_wait3A_107 = arith.constant 0 : i32
    %dma_wait3A_108 = tpu.memref_slice %arg6[%dma_wait3A_102, %dma_wait3A_106, %dma_wait3A_107] : memref<3x80x128xf32, #tpu.memory_space<vmem>> -> memref<1x80x128xf32, #tpu.memory_space<vmem>>
    %dma_wait3A_109 = tpu.memref_squeeze %dma_wait3A_108 : memref<1x80x128xf32, #tpu.memory_space<vmem>> -> memref<80x128xf32, #tpu.memory_space<vmem>>
    %dma_wait3A_110 = arith.constant 0 : i32
    %dma_wait3A_111 = arith.constant 0 : i32
    %dma_wait3A_112 = tpu.memref_slice %arg5[%dma_wait3A_103, %dma_wait3A_110, %dma_wait3A_111] : memref<2x125x80xi32, #tpu.memory_space<vmem>> -> memref<1x125x80xi32, #tpu.memory_space<vmem>>
    %dma_wait3A_113 = tpu.memref_squeeze %dma_wait3A_112 : memref<1x125x80xi32, #tpu.memory_space<vmem>> -> memref<125x80xi32, #tpu.memory_space<vmem>>
    %dma_wait3A_114 = arith.constant 0 : i32
    %dma_wait3A_115 = tpu.memref_slice %dma_wait3A_113[%dma_wait3A_104, %dma_wait3A_114] : memref<125x80xi32, #tpu.memory_space<vmem>> -> memref<1x80xi32, #tpu.memory_space<vmem>>
    %dma_wait3A_116 = tpu.memref_squeeze %dma_wait3A_115 : memref<1x80xi32, #tpu.memory_space<vmem>> -> memref<80xi32, #tpu.memory_space<vmem>>
    %dma_wait3A_117 = arith.constant 0 : i32
    %dma_wait3A_118 = arith.constant 0 : i32
    %dma_wait3A_119 = tpu.memref_slice %arg7[%dma_wait3A_117, %dma_wait3A_118] : memref<10000x128xf32, #tpu.memory_space<vmem_shared>> -> memref<10000x128xf32, #tpu.memory_space<vmem_shared>>
    %dma_wait3A_120 = tpu.memref_slice %arg9[%dma_wait3A_105] : memref<3x!tpu.dma_semaphore, #tpu.memory_space<semaphore_mem>> -> memref<1x!tpu.dma_semaphore, #tpu.memory_space<semaphore_mem>>
    %dma_wait3A_121 = tpu.memref_squeeze %dma_wait3A_120 : memref<1x!tpu.dma_semaphore, #tpu.memory_space<semaphore_mem>> -> memref<!tpu.dma_semaphore, #tpu.memory_space<semaphore_mem>>
    tpu.wait_indirect_dma semaphore(%dma_wait3A_121 : memref<!tpu.dma_semaphore, #tpu.memory_space<semaphore_mem>>) src(%dma_wait3A_109 : memref<80x128xf32, #tpu.memory_space<vmem>>) dst(%dma_wait3A_119 : memref<10000x128xf32, #tpu.memory_space<vmem_shared>>)
    %barrier3A_122 = arith.constant 0 : index
    tpu.barrier barrier_id(%barrier3A_122)
    "tpu.region"() ({
      %run_scoped3A_128 = tpu.sem_alloc : memref<!tpu.dma_semaphore, #tpu.memory_space<semaphore_mem>>
      %dma_start3A_129 = arith.constant 0 : i32
      %dma_start3A_130 = tpu.memref_slice %arg4[%arg0, %multiple_of3A, %dma_start3A_129] : memref<2x10000x128xf32, #tpu.memory_space<hbm>> -> memref<1x624x128xf32, #tpu.memory_space<hbm>>
      %dma_start3A_131 = tpu.memref_squeeze %dma_start3A_130 : memref<1x624x128xf32, #tpu.memory_space<hbm>> -> memref<624x128xf32, #tpu.memory_space<hbm>>
      %dma_start3A_132 = arith.constant 0 : i32
      %dma_start3A_133 = tpu.memref_slice %arg7[%multiple_of3A, %dma_start3A_132] : memref<10000x128xf32, #tpu.memory_space<vmem_shared>> -> memref<624x128xf32, #tpu.memory_space<vmem_shared>>
      tpu.enqueue_dma source(%dma_start3A_133 : memref<624x128xf32, #tpu.memory_space<vmem_shared>>) target(%dma_start3A_131 : memref<624x128xf32, #tpu.memory_space<hbm>>) target_semaphore(%run_scoped3A_128 : memref<!tpu.dma_semaphore, #tpu.memory_space<semaphore_mem>>)
      %dma_wait3A_134 = arith.constant 0 : i32
      %dma_wait3A_135 = tpu.memref_slice %arg4[%arg0, %multiple_of3A, %dma_wait3A_134] : memref<2x10000x128xf32, #tpu.memory_space<hbm>> -> memref<1x624x128xf32, #tpu.memory_space<hbm>>
      %dma_wait3A_136 = tpu.memref_squeeze %dma_wait3A_135 : memref<1x624x128xf32, #tpu.memory_space<hbm>> -> memref<624x128xf32, #tpu.memory_space<hbm>>
      %dma_wait3A_137 = arith.constant 0 : i32
      %dma_wait3A_138 = tpu.memref_slice %arg7[%multiple_of3A, %dma_wait3A_137] : memref<10000x128xf32, #tpu.memory_space<vmem_shared>> -> memref<624x128xf32, #tpu.memory_space<vmem_shared>>
      tpu.wait_dma2 semaphore(%run_scoped3A_128 : memref<!tpu.dma_semaphore, #tpu.memory_space<semaphore_mem>>) src(%dma_wait3A_138 : memref<624x128xf32, #tpu.memory_space<vmem_shared>>) dst(%dma_wait3A_136 : memref<624x128xf32, #tpu.memory_space<hbm>>)
      tpu.yield
    }) : () -> ()
    %eq3A_123 = arith.constant 15 : i32
    %eq3A_124 = arith.cmpi eq, %arg1, %eq3A_123 : i32
    %convert_element_type3A_125 = arith.extui %eq3A_124 : i1 to i32
    %cond3A_126 = arith.constant 0 : i32
    %cond3A_127 = arith.cmpi ne, %convert_element_type3A_125, %cond3A_126 : i32
    scf.if %cond3A_127 {
      "tpu.region"() ({
        %run_scoped3A_128 = tpu.sem_alloc : memref<!tpu.dma_semaphore, #tpu.memory_space<semaphore_mem>>
        %dma_start3A_129 = arith.constant 9984 : i32
        %dma_start3A_130 = arith.constant 0 : i32
        %dma_start3A_131 = tpu.memref_slice %arg4[%arg0, %dma_start3A_129, %dma_start3A_130] : memref<2x10000x128xf32, #tpu.memory_space<hbm>> -> memref<1x16x128xf32, #tpu.memory_space<hbm>>
        %dma_start3A_132 = tpu.memref_squeeze %dma_start3A_131 : memref<1x16x128xf32, #tpu.memory_space<hbm>> -> memref<16x128xf32, #tpu.memory_space<hbm>>
        %dma_start3A_133 = arith.constant 9984 : i32
        %dma_start3A_134 = arith.constant 0 : i32
        %dma_start3A_135 = tpu.memref_slice %arg7[%dma_start3A_133, %dma_start3A_134] : memref<10000x128xf32, #tpu.memory_space<vmem_shared>> -> memref<16x128xf32, #tpu.memory_space<vmem_shared>>
        tpu.enqueue_dma source(%dma_start3A_135 : memref<16x128xf32, #tpu.memory_space<vmem_shared>>) target(%dma_start3A_132 : memref<16x128xf32, #tpu.memory_space<hbm>>) target_semaphore(%run_scoped3A_128 : memref<!tpu.dma_semaphore, #tpu.memory_space<semaphore_mem>>)
        %dma_wait3A_136 = arith.constant 9984 : i32
        %dma_wait3A_137 = arith.constant 0 : i32
        %dma_wait3A_138 = tpu.memref_slice %arg4[%arg0, %dma_wait3A_136, %dma_wait3A_137] : memref<2x10000x128xf32, #tpu.memory_space<hbm>> -> memref<1x16x128xf32, #tpu.memory_space<hbm>>
        %dma_wait3A_139 = tpu.memref_squeeze %dma_wait3A_138 : memref<1x16x128xf32, #tpu.memory_space<hbm>> -> memref<16x128xf32, #tpu.memory_space<hbm>>
        %dma_wait3A_140 = arith.constant 9984 : i32
        %dma_wait3A_141 = arith.constant 0 : i32
        %dma_wait3A_142 = tpu.memref_slice %arg7[%dma_wait3A_140, %dma_wait3A_141] : memref<10000x128xf32, #tpu.memory_space<vmem_shared>> -> memref<16x128xf32, #tpu.memory_space<vmem_shared>>
        tpu.wait_dma2 semaphore(%run_scoped3A_128 : memref<!tpu.dma_semaphore, #tpu.memory_space<semaphore_mem>>) src(%dma_wait3A_142 : memref<16x128xf32, #tpu.memory_space<vmem_shared>>) dst(%dma_wait3A_139 : memref<16x128xf32, #tpu.memory_space<hbm>>)
        tpu.yield
      }) : () -> ()
    } else {
    }
    return
  }
}

#map = affine_map<(d0, d1) -> (0, 0)>
#map1 = affine_map<(d0, d1) -> (0, 0, 0, 0)>
#map2 = affine_map<(d0, d1) -> (0, 0, 0)>
module attributes {stable_mosaic.version = 14 : i64} {
  func.func @edge_kernel(%arg0: i32, %arg1: i32, %arg2: memref<10000x128xf32, #tpu.memory_space<hbm>>, %arg3: memref<2x32x125x80xi32, #tpu.memory_space<hbm>>, %arg4: memref<2x10000x128xf32, #tpu.memory_space<hbm>>, %arg5: memref<2x125x80xi32, #tpu.memory_space<vmem>>, %arg6: memref<3x80x128xf32, #tpu.memory_space<vmem>>, %arg7: memref<10000x128xf32, #tpu.memory_space<vmem_shared>>, %arg8: memref<3x!tpu.dma_semaphore, #tpu.memory_space<semaphore_mem>>, %arg9: memref<3x!tpu.dma_semaphore, #tpu.memory_space<semaphore_mem>>) attributes {dimension_semantics = [#tpu.dimension_semantics<core_parallel>, #tpu.dimension_semantics<subcore_parallel>], iteration_bounds = array<i64: 2, 16>, scalar_prefetch = 0 : i64, scratch_operands = 5 : i64, tpu.core_type = #tpu.core_type<sc_vector_subcore>, window_params = [{transform_indices = #map}, {transform_indices = #map1}, {transform_indices = #map2}]} {
    %mul3A = arith.constant 16 : i32
    %mul3A_0 = arith.muli %arg0, %mul3A : i32
    %add3A = arith.addi %mul3A_0, %arg1 : i32
    %broadcast_in_dim3A = arith.constant 0.000000e+00 : f32
    %broadcast_in_dim3A_1 = vector.broadcast %broadcast_in_dim3A : f32 to vector<16xf32>
    "tpu.region"() ({
      %run_scoped3A_128 = tpu.sem_alloc : memref<!tpu.dma_semaphore, #tpu.memory_space<semaphore_mem>>
      %dma_start3A_129 = arith.constant 0 : i32
      %dma_start3A_130 = arith.constant 0 : i32
      %dma_start3A_131 = arith.constant 0 : i32
      %dma_start3A_132 = tpu.memref_slice %arg3[%dma_start3A_129, %add3A, %dma_start3A_130, %dma_start3A_131] : memref<2x32x125x80xi32, #tpu.memory_space<hbm>> -> memref<2x1x125x80xi32, #tpu.memory_space<hbm>>
      %dma_start3A_133 = tpu.memref_squeeze %dma_start3A_132 : memref<2x1x125x80xi32, #tpu.memory_space<hbm>> -> memref<2x125x80xi32, #tpu.memory_space<hbm>>
      %dma_start3A_134 = arith.constant 0 : i32
      %dma_start3A_135 = arith.constant 0 : i32
      %dma_start3A_136 = arith.constant 0 : i32
      %dma_start3A_137 = tpu.memref_slice %arg3[%dma_start3A_134, %add3A, %dma_start3A_135, %dma_start3A_136] : memref<2x32x125x80xi32, #tpu.memory_space<hbm>> -> memref<2x1x125x80xi32, #tpu.memory_space<hbm>>
      %dma_start3A_138 = tpu.memref_squeeze %dma_start3A_137 : memref<2x1x125x80xi32, #tpu.memory_space<hbm>> -> memref<2x125x80xi32, #tpu.memory_space<hbm>>
      tpu.enqueue_dma source(%dma_start3A_138 : memref<2x125x80xi32, #tpu.memory_space<hbm>>) target(%arg5 : memref<2x125x80xi32, #tpu.memory_space<vmem>>) target_semaphore(%run_scoped3A_128 : memref<!tpu.dma_semaphore, #tpu.memory_space<semaphore_mem>>)
      %dma_wait3A_139 = arith.constant 0 : i32
      %dma_wait3A_140 = arith.constant 0 : i32
      %dma_wait3A_141 = arith.constant 0 : i32
      %dma_wait3A_142 = tpu.memref_slice %arg3[%dma_wait3A_139, %add3A, %dma_wait3A_140, %dma_wait3A_141] : memref<2x32x125x80xi32, #tpu.memory_space<hbm>> -> memref<2x1x125x80xi32, #tpu.memory_space<hbm>>
      %dma_wait3A_143 = tpu.memref_squeeze %dma_wait3A_142 : memref<2x1x125x80xi32, #tpu.memory_space<hbm>> -> memref<2x125x80xi32, #tpu.memory_space<hbm>>
      %dma_wait3A_144 = arith.constant 0 : i32
      %dma_wait3A_145 = arith.constant 0 : i32
      %dma_wait3A_146 = arith.constant 0 : i32
      %dma_wait3A_147 = tpu.memref_slice %arg3[%dma_wait3A_144, %add3A, %dma_wait3A_145, %dma_wait3A_146] : memref<2x32x125x80xi32, #tpu.memory_space<hbm>> -> memref<2x1x125x80xi32, #tpu.memory_space<hbm>>
      %dma_wait3A_148 = tpu.memref_squeeze %dma_wait3A_147 : memref<2x1x125x80xi32, #tpu.memory_space<hbm>> -> memref<2x125x80xi32, #tpu.memory_space<hbm>>
      tpu.wait_dma2 semaphore(%run_scoped3A_128 : memref<!tpu.dma_semaphore, #tpu.memory_space<semaphore_mem>>) src(%dma_wait3A_148 : memref<2x125x80xi32, #tpu.memory_space<hbm>>) dst(%arg5 : memref<2x125x80xi32, #tpu.memory_space<vmem>>)
      tpu.yield
    }) : () -> ()
    %dma_start3A = arith.constant 0 : i32
    %dma_start3A_2 = arith.constant 0 : i32
    %dma_start3A_3 = arith.constant 0 : i32
    %dma_start3A_4 = arith.constant 0 : i32
    %dma_start3A_5 = arith.constant 0 : i32
    %dma_start3A_6 = arith.constant 0 : i32
    %dma_start3A_7 = tpu.memref_slice %arg6[%dma_start3A_3, %dma_start3A_5, %dma_start3A_6] : memref<3x80x128xf32, #tpu.memory_space<vmem>> -> memref<1x80x128xf32, #tpu.memory_space<vmem>>
    %dma_start3A_8 = tpu.memref_squeeze %dma_start3A_7 : memref<1x80x128xf32, #tpu.memory_space<vmem>> -> memref<80x128xf32, #tpu.memory_space<vmem>>
    %dma_start3A_9 = arith.constant 0 : i32
    %dma_start3A_10 = arith.constant 0 : i32
    %dma_start3A_11 = tpu.memref_slice %arg5[%dma_start3A, %dma_start3A_9, %dma_start3A_10] : memref<2x125x80xi32, #tpu.memory_space<vmem>> -> memref<1x125x80xi32, #tpu.memory_space<vmem>>
    %dma_start3A_12 = tpu.memref_squeeze %dma_start3A_11 : memref<1x125x80xi32, #tpu.memory_space<vmem>> -> memref<125x80xi32, #tpu.memory_space<vmem>>
    %dma_start3A_13 = arith.constant 0 : i32
    %dma_start3A_14 = tpu.memref_slice %dma_start3A_12[%dma_start3A_2, %dma_start3A_13] : memref<125x80xi32, #tpu.memory_space<vmem>> -> memref<1x80xi32, #tpu.memory_space<vmem>>
    %dma_start3A_15 = tpu.memref_squeeze %dma_start3A_14 : memref<1x80xi32, #tpu.memory_space<vmem>> -> memref<80xi32, #tpu.memory_space<vmem>>
    %dma_start3A_16 = arith.constant 0 : i32
    %dma_start3A_17 = arith.constant 0 : i32
    %dma_start3A_18 = tpu.memref_slice %arg2[%dma_start3A_16, %dma_start3A_17] : memref<10000x128xf32, #tpu.memory_space<hbm>> -> memref<10000x128xf32, #tpu.memory_space<hbm>>
    %dma_start3A_19 = tpu.memref_slice %arg8[%dma_start3A_4] : memref<3x!tpu.dma_semaphore, #tpu.memory_space<semaphore_mem>> -> memref<1x!tpu.dma_semaphore, #tpu.memory_space<semaphore_mem>>
    %dma_start3A_20 = tpu.memref_squeeze %dma_start3A_19 : memref<1x!tpu.dma_semaphore, #tpu.memory_space<semaphore_mem>> -> memref<!tpu.dma_semaphore, #tpu.memory_space<semaphore_mem>>
    tpu.enqueue_indirect_dma source(%dma_start3A_18 : memref<10000x128xf32, #tpu.memory_space<hbm>>) target(%dma_start3A_8 : memref<80x128xf32, #tpu.memory_space<vmem>>) offsets(%dma_start3A_15 : memref<80xi32, #tpu.memory_space<vmem>>) semaphore(%dma_start3A_20 : memref<!tpu.dma_semaphore, #tpu.memory_space<semaphore_mem>>)
    %dma_start3A_21 = arith.constant 0 : i32
    %dma_start3A_22 = arith.constant 1 : i32
    %dma_start3A_23 = arith.constant 1 : i32
    %dma_start3A_24 = arith.constant 1 : i32
    %dma_start3A_25 = arith.constant 0 : i32
    %dma_start3A_26 = arith.constant 0 : i32
    %dma_start3A_27 = tpu.memref_slice %arg6[%dma_start3A_23, %dma_start3A_25, %dma_start3A_26] : memref<3x80x128xf32, #tpu.memory_space<vmem>> -> memref<1x80x128xf32, #tpu.memory_space<vmem>>
    %dma_start3A_28 = tpu.memref_squeeze %dma_start3A_27 : memref<1x80x128xf32, #tpu.memory_space<vmem>> -> memref<80x128xf32, #tpu.memory_space<vmem>>
    %dma_start3A_29 = arith.constant 0 : i32
    %dma_start3A_30 = arith.constant 0 : i32
    %dma_start3A_31 = tpu.memref_slice %arg5[%dma_start3A_21, %dma_start3A_29, %dma_start3A_30] : memref<2x125x80xi32, #tpu.memory_space<vmem>> -> memref<1x125x80xi32, #tpu.memory_space<vmem>>
    %dma_start3A_32 = tpu.memref_squeeze %dma_start3A_31 : memref<1x125x80xi32, #tpu.memory_space<vmem>> -> memref<125x80xi32, #tpu.memory_space<vmem>>
    %dma_start3A_33 = arith.constant 0 : i32
    %dma_start3A_34 = tpu.memref_slice %dma_start3A_32[%dma_start3A_22, %dma_start3A_33] : memref<125x80xi32, #tpu.memory_space<vmem>> -> memref<1x80xi32, #tpu.memory_space<vmem>>
    %dma_start3A_35 = tpu.memref_squeeze %dma_start3A_34 : memref<1x80xi32, #tpu.memory_space<vmem>> -> memref<80xi32, #tpu.memory_space<vmem>>
    %dma_start3A_36 = arith.constant 0 : i32
    %dma_start3A_37 = arith.constant 0 : i32
    %dma_start3A_38 = tpu.memref_slice %arg2[%dma_start3A_36, %dma_start3A_37] : memref<10000x128xf32, #tpu.memory_space<hbm>> -> memref<10000x128xf32, #tpu.memory_space<hbm>>
    %dma_start3A_39 = tpu.memref_slice %arg8[%dma_start3A_24] : memref<3x!tpu.dma_semaphore, #tpu.memory_space<semaphore_mem>> -> memref<1x!tpu.dma_semaphore, #tpu.memory_space<semaphore_mem>>
    %dma_start3A_40 = tpu.memref_squeeze %dma_start3A_39 : memref<1x!tpu.dma_semaphore, #tpu.memory_space<semaphore_mem>> -> memref<!tpu.dma_semaphore, #tpu.memory_space<semaphore_mem>>
    tpu.enqueue_indirect_dma source(%dma_start3A_38 : memref<10000x128xf32, #tpu.memory_space<hbm>>) target(%dma_start3A_28 : memref<80x128xf32, #tpu.memory_space<vmem>>) offsets(%dma_start3A_35 : memref<80xi32, #tpu.memory_space<vmem>>) semaphore(%dma_start3A_40 : memref<!tpu.dma_semaphore, #tpu.memory_space<semaphore_mem>>)
    %scan3A = arith.constant 0 : i32
    %scan3A_41 = arith.constant 80 : i32
    %scan3A_42 = arith.addi %scan3A, %scan3A_41 : i32
    %scan3A_43 = arith.constant 1 : i32
    scf.for %scan3A_128 = %scan3A to %scan3A_42 step %scan3A_43  : i32 {
      %mul3A_129 = arith.constant 1 : i32
      %mul3A_130 = arith.muli %scan3A_128, %mul3A_129 : i32
      %add3A_131 = arith.constant 0 : i32
      %add3A_132 = arith.addi %add3A_131, %mul3A_130 : i32
      %scan3A_133 = arith.constant 0 : i32
      %scan3A_134 = arith.constant 8 : i32
      %scan3A_135 = arith.addi %scan3A_133, %scan3A_134 : i32
      %scan3A_136 = arith.constant 1 : i32
      scf.for %scan3A_138 = %scan3A_133 to %scan3A_135 step %scan3A_136  : i32 {
        %mul3A_139 = arith.constant 1 : i32
        %mul3A_140 = arith.muli %scan3A_138, %mul3A_139 : i32
        %add3A_141 = arith.constant 0 : i32
        %add3A_142 = arith.addi %add3A_141, %mul3A_140 : i32
        %mul3A_143 = arith.constant 16 : i32
        %mul3A_144 = arith.muli %add3A_142, %mul3A_143 : i32
        %swap3A = arith.constant 2 : i32
        %swap3A_145 = arith.index_cast %swap3A : i32 to index
        %swap3A_146 = arith.index_cast %add3A_132 : i32 to index
        %swap3A_147 = arith.index_cast %mul3A_144 : i32 to index
        %swap3A_148 = tpu.vector_load %arg6[%swap3A_145, %swap3A_146, %swap3A_147] {strides = array<i32>} : memref<3x80x128xf32, #tpu.memory_space<vmem>>, vector<1x1x16xf32>,
        %swap3A_149 = vector.shape_cast %swap3A_148 : vector<1x1x16xf32> to vector<16xf32>
        %swap3A_150 = vector.shape_cast %broadcast_in_dim3A_1 : vector<16xf32> to vector<1x1x16xf32>
        tpu.vector_store %arg6[%swap3A_145, %swap3A_146, %swap3A_147], %swap3A_150 {strides = array<i32>} : memref<3x80x128xf32, #tpu.memory_space<vmem>>, vector<1x1x16xf32>,
      }
      %scan3A_137 = arith.constant 8 : i32
    }
    %scan3A_44 = arith.constant 80 : i32
    %mul3A_45 = arith.constant 624 : i32
    %mul3A_46 = arith.muli %arg1, %mul3A_45 : i32
    %multiple_of3A = tpu.assume_multiple %mul3A_46, 8 : i32
    %scan3A_47 = arith.constant 0 : i32
    %scan3A_48 = arith.constant 7 : i32
    %scan3A_49 = arith.addi %scan3A_47, %scan3A_48 : i32
    %scan3A_50 = arith.constant 1 : i32
    scf.for %scan3A_128 = %scan3A_47 to %scan3A_49 step %scan3A_50  : i32 {
      %mul3A_129 = arith.constant 1 : i32
      %mul3A_130 = arith.muli %scan3A_128, %mul3A_129 : i32
      %add3A_131 = arith.constant 0 : i32
      %add3A_132 = arith.addi %add3A_131, %mul3A_130 : i32
      %mul3A_133 = arith.constant 80 : i32
      %mul3A_134 = arith.muli %add3A_132, %mul3A_133 : i32
      %add3A_135 = arith.addi %multiple_of3A, %mul3A_134 : i32
      %run_scoped3A_136 = arith.constant 2 : i32
      "tpu.region"() ({
        %run_scoped3A_137 = tpu.sem_alloc : memref<!tpu.dma_semaphore, #tpu.memory_space<semaphore_mem>>
        %dma_start3A_138 = arith.constant 0 : i32
        %dma_start3A_139 = arith.constant 0 : i32
        %dma_start3A_140 = tpu.memref_slice %arg6[%run_scoped3A_136, %dma_start3A_138, %dma_start3A_139] : memref<3x80x128xf32, #tpu.memory_space<vmem>> -> memref<1x80x128xf32, #tpu.memory_space<vmem>>
        %dma_start3A_141 = tpu.memref_squeeze %dma_start3A_140 : memref<1x80x128xf32, #tpu.memory_space<vmem>> -> memref<80x128xf32, #tpu.memory_space<vmem>>
        %dma_start3A_142 = arith.constant 0 : i32
        %dma_start3A_143 = tpu.memref_slice %arg7[%add3A_135, %dma_start3A_142] : memref<10000x128xf32, #tpu.memory_space<vmem_shared>> -> memref<80x128xf32, #tpu.memory_space<vmem_shared>>
        %dma_start3A_144 = arith.constant 0 : i32
        %dma_start3A_145 = tpu.memref_slice %arg7[%add3A_135, %dma_start3A_144] : memref<10000x128xf32, #tpu.memory_space<vmem_shared>> -> memref<80x128xf32, #tpu.memory_space<vmem_shared>>
        %dma_start3A_146 = arith.constant 0 : i32
        %dma_start3A_147 = arith.constant 0 : i32
        %dma_start3A_148 = tpu.memref_slice %arg6[%run_scoped3A_136, %dma_start3A_146, %dma_start3A_147] : memref<3x80x128xf32, #tpu.memory_space<vmem>> -> memref<1x80x128xf32, #tpu.memory_space<vmem>>
        %dma_start3A_149 = tpu.memref_squeeze %dma_start3A_148 : memref<1x80x128xf32, #tpu.memory_space<vmem>> -> memref<80x128xf32, #tpu.memory_space<vmem>>
        tpu.enqueue_dma source(%dma_start3A_149 : memref<80x128xf32, #tpu.memory_space<vmem>>) target(%dma_start3A_145 : memref<80x128xf32, #tpu.memory_space<vmem_shared>>) target_semaphore(%run_scoped3A_137 : memref<!tpu.dma_semaphore, #tpu.memory_space<semaphore_mem>>)
        %dma_wait3A_150 = arith.constant 0 : i32
        %dma_wait3A_151 = arith.constant 0 : i32
        %dma_wait3A_152 = tpu.memref_slice %arg6[%run_scoped3A_136, %dma_wait3A_150, %dma_wait3A_151] : memref<3x80x128xf32, #tpu.memory_space<vmem>> -> memref<1x80x128xf32, #tpu.memory_space<vmem>>
        %dma_wait3A_153 = tpu.memref_squeeze %dma_wait3A_152 : memref<1x80x128xf32, #tpu.memory_space<vmem>> -> memref<80x128xf32, #tpu.memory_space<vmem>>
        %dma_wait3A_154 = arith.constant 0 : i32
        %dma_wait3A_155 = tpu.memref_slice %arg7[%add3A_135, %dma_wait3A_154] : memref<10000x128xf32, #tpu.memory_space<vmem_shared>> -> memref<80x128xf32, #tpu.memory_space<vmem_shared>>
        %dma_wait3A_156 = arith.constant 0 : i32
        %dma_wait3A_157 = tpu.memref_slice %arg7[%add3A_135, %dma_wait3A_156] : memref<10000x128xf32, #tpu.memory_space<vmem_shared>> -> memref<80x128xf32, #tpu.memory_space<vmem_shared>>
        %dma_wait3A_158 = arith.constant 0 : i32
        %dma_wait3A_159 = arith.constant 0 : i32
        %dma_wait3A_160 = tpu.memref_slice %arg6[%run_scoped3A_136, %dma_wait3A_158, %dma_wait3A_159] : memref<3x80x128xf32, #tpu.memory_space<vmem>> -> memref<1x80x128xf32, #tpu.memory_space<vmem>>
        %dma_wait3A_161 = tpu.memref_squeeze %dma_wait3A_160 : memref<1x80x128xf32, #tpu.memory_space<vmem>> -> memref<80x128xf32, #tpu.memory_space<vmem>>
        tpu.wait_dma2 semaphore(%run_scoped3A_137 : memref<!tpu.dma_semaphore, #tpu.memory_space<semaphore_mem>>) src(%dma_wait3A_161 : memref<80x128xf32, #tpu.memory_space<vmem>>) dst(%dma_wait3A_157 : memref<80x128xf32, #tpu.memory_space<vmem_shared>>)
        tpu.yield
      }) : () -> ()
    }
    %scan3A_51 = arith.constant 7 : i32
    %add3A_52 = arith.constant 560 : i32
    %add3A_53 = arith.addi %multiple_of3A, %add3A_52 : i32
    %run_scoped3A = arith.constant 2 : i32
    "tpu.region"() ({
      %run_scoped3A_128 = tpu.sem_alloc : memref<!tpu.dma_semaphore, #tpu.memory_space<semaphore_mem>>
      %dma_start3A_129 = arith.constant 0 : i32
      %dma_start3A_130 = arith.constant 0 : i32
      %dma_start3A_131 = tpu.memref_slice %arg6[%run_scoped3A, %dma_start3A_129, %dma_start3A_130] : memref<3x80x128xf32, #tpu.memory_space<vmem>> -> memref<1x80x128xf32, #tpu.memory_space<vmem>>
      %dma_start3A_132 = tpu.memref_squeeze %dma_start3A_131 : memref<1x80x128xf32, #tpu.memory_space<vmem>> -> memref<80x128xf32, #tpu.memory_space<vmem>>
      %dma_start3A_133 = arith.constant 0 : i32
      %dma_start3A_134 = arith.constant 0 : i32
      %dma_start3A_135 = tpu.memref_slice %dma_start3A_132[%dma_start3A_133, %dma_start3A_134] : memref<80x128xf32, #tpu.memory_space<vmem>> -> memref<64x128xf32, #tpu.memory_space<vmem>>
      %dma_start3A_136 = arith.constant 0 : i32
      %dma_start3A_137 = tpu.memref_slice %arg7[%add3A_53, %dma_start3A_136] : memref<10000x128xf32, #tpu.memory_space<vmem_shared>> -> memref<64x128xf32, #tpu.memory_space<vmem_shared>>
      %dma_start3A_138 = arith.constant 0 : i32
      %dma_start3A_139 = tpu.memref_slice %arg7[%add3A_53, %dma_start3A_138] : memref<10000x128xf32, #tpu.memory_space<vmem_shared>> -> memref<64x128xf32, #tpu.memory_space<vmem_shared>>
      %dma_start3A_140 = arith.constant 0 : i32
      %dma_start3A_141 = arith.constant 0 : i32
      %dma_start3A_142 = tpu.memref_slice %arg6[%run_scoped3A, %dma_start3A_140, %dma_start3A_141] : memref<3x80x128xf32, #tpu.memory_space<vmem>> -> memref<1x80x128xf32, #tpu.memory_space<vmem>>
      %dma_start3A_143 = tpu.memref_squeeze %dma_start3A_142 : memref<1x80x128xf32, #tpu.memory_space<vmem>> -> memref<80x128xf32, #tpu.memory_space<vmem>>
      %dma_start3A_144 = arith.constant 0 : i32
      %dma_start3A_145 = arith.constant 0 : i32
      %dma_start3A_146 = tpu.memref_slice %dma_start3A_143[%dma_start3A_144, %dma_start3A_145] : memref<80x128xf32, #tpu.memory_space<vmem>> -> memref<64x128xf32, #tpu.memory_space<vmem>>
      tpu.enqueue_dma source(%dma_start3A_146 : memref<64x128xf32, #tpu.memory_space<vmem>>) target(%dma_start3A_139 : memref<64x128xf32, #tpu.memory_space<vmem_shared>>) target_semaphore(%run_scoped3A_128 : memref<!tpu.dma_semaphore, #tpu.memory_space<semaphore_mem>>)
      %dma_wait3A_147 = arith.constant 0 : i32
      %dma_wait3A_148 = arith.constant 0 : i32
      %dma_wait3A_149 = tpu.memref_slice %arg6[%run_scoped3A, %dma_wait3A_147, %dma_wait3A_148] : memref<3x80x128xf32, #tpu.memory_space<vmem>> -> memref<1x80x128xf32, #tpu.memory_space<vmem>>
      %dma_wait3A_150 = tpu.memref_squeeze %dma_wait3A_149 : memref<1x80x128xf32, #tpu.memory_space<vmem>> -> memref<80x128xf32, #tpu.memory_space<vmem>>
      %dma_wait3A_151 = arith.constant 0 : i32
      %dma_wait3A_152 = arith.constant 0 : i32
      %dma_wait3A_153 = tpu.memref_slice %dma_wait3A_150[%dma_wait3A_151, %dma_wait3A_152] : memref<80x128xf32, #tpu.memory_space<vmem>> -> memref<64x128xf32, #tpu.memory_space<vmem>>
      %dma_wait3A_154 = arith.constant 0 : i32
      %dma_wait3A_155 = tpu.memref_slice %arg7[%add3A_53, %dma_wait3A_154] : memref<10000x128xf32, #tpu.memory_space<vmem_shared>> -> memref<64x128xf32, #tpu.memory_space<vmem_shared>>
      %dma_wait3A_156 = arith.constant 0 : i32
      %dma_wait3A_157 = tpu.memref_slice %arg7[%add3A_53, %dma_wait3A_156] : memref<10000x128xf32, #tpu.memory_space<vmem_shared>> -> memref<64x128xf32, #tpu.memory_space<vmem_shared>>
      %dma_wait3A_158 = arith.constant 0 : i32
      %dma_wait3A_159 = arith.constant 0 : i32
      %dma_wait3A_160 = tpu.memref_slice %arg6[%run_scoped3A, %dma_wait3A_158, %dma_wait3A_159] : memref<3x80x128xf32, #tpu.memory_space<vmem>> -> memref<1x80x128xf32, #tpu.memory_space<vmem>>
      %dma_wait3A_161 = tpu.memref_squeeze %dma_wait3A_160 : memref<1x80x128xf32, #tpu.memory_space<vmem>> -> memref<80x128xf32, #tpu.memory_space<vmem>>
      %dma_wait3A_162 = arith.constant 0 : i32
      %dma_wait3A_163 = arith.constant 0 : i32
      %dma_wait3A_164 = tpu.memref_slice %dma_wait3A_161[%dma_wait3A_162, %dma_wait3A_163] : memref<80x128xf32, #tpu.memory_space<vmem>> -> memref<64x128xf32, #tpu.memory_space<vmem>>
      tpu.wait_dma2 semaphore(%run_scoped3A_128 : memref<!tpu.dma_semaphore, #tpu.memory_space<semaphore_mem>>) src(%dma_wait3A_164 : memref<64x128xf32, #tpu.memory_space<vmem>>) dst(%dma_wait3A_157 : memref<64x128xf32, #tpu.memory_space<vmem_shared>>)
      tpu.yield
    }) : () -> ()
    %eq3A = arith.constant 15 : i32
    %eq3A_54 = arith.cmpi eq, %arg1, %eq3A : i32
    %convert_element_type3A = arith.extui %eq3A_54 : i1 to i32
    %cond3A = arith.constant 0 : i32
    %cond3A_55 = arith.cmpi ne, %convert_element_type3A, %cond3A : i32
    scf.if %cond3A_55 {
      %run_scoped3A_128 = arith.constant 2 : i32
      "tpu.region"() ({
        %run_scoped3A_129 = tpu.sem_alloc : memref<!tpu.dma_semaphore, #tpu.memory_space<semaphore_mem>>
        %dma_start3A_130 = arith.constant 0 : i32
        %dma_start3A_131 = arith.constant 0 : i32
        %dma_start3A_132 = tpu.memref_slice %arg6[%run_scoped3A_128, %dma_start3A_130, %dma_start3A_131] : memref<3x80x128xf32, #tpu.memory_space<vmem>> -> memref<1x80x128xf32, #tpu.memory_space<vmem>>
        %dma_start3A_133 = tpu.memref_squeeze %dma_start3A_132 : memref<1x80x128xf32, #tpu.memory_space<vmem>> -> memref<80x128xf32, #tpu.memory_space<vmem>>
        %dma_start3A_134 = arith.constant 0 : i32
        %dma_start3A_135 = arith.constant 0 : i32
        %dma_start3A_136 = tpu.memref_slice %dma_start3A_133[%dma_start3A_134, %dma_start3A_135] : memref<80x128xf32, #tpu.memory_space<vmem>> -> memref<16x128xf32, #tpu.memory_space<vmem>>
        %dma_start3A_137 = arith.constant 9984 : i32
        %dma_start3A_138 = arith.constant 0 : i32
        %dma_start3A_139 = tpu.memref_slice %arg7[%dma_start3A_137, %dma_start3A_138] : memref<10000x128xf32, #tpu.memory_space<vmem_shared>> -> memref<16x128xf32, #tpu.memory_space<vmem_shared>>
        %dma_start3A_140 = arith.constant 9984 : i32
        %dma_start3A_141 = arith.constant 0 : i32
        %dma_start3A_142 = tpu.memref_slice %arg7[%dma_start3A_140, %dma_start3A_141] : memref<10000x128xf32, #tpu.memory_space<vmem_shared>> -> memref<16x128xf32, #tpu.memory_space<vmem_shared>>
        %dma_start3A_143 = arith.constant 0 : i32
        %dma_start3A_144 = arith.constant 0 : i32
        %dma_start3A_145 = tpu.memref_slice %arg6[%run_scoped3A_128, %dma_start3A_143, %dma_start3A_144] : memref<3x80x128xf32, #tpu.memory_space<vmem>> -> memref<1x80x128xf32, #tpu.memory_space<vmem>>
        %dma_start3A_146 = tpu.memref_squeeze %dma_start3A_145 : memref<1x80x128xf32, #tpu.memory_space<vmem>> -> memref<80x128xf32, #tpu.memory_space<vmem>>
        %dma_start3A_147 = arith.constant 0 : i32
        %dma_start3A_148 = arith.constant 0 : i32
        %dma_start3A_149 = tpu.memref_slice %dma_start3A_146[%dma_start3A_147, %dma_start3A_148] : memref<80x128xf32, #tpu.memory_space<vmem>> -> memref<16x128xf32, #tpu.memory_space<vmem>>
        tpu.enqueue_dma source(%dma_start3A_149 : memref<16x128xf32, #tpu.memory_space<vmem>>) target(%dma_start3A_142 : memref<16x128xf32, #tpu.memory_space<vmem_shared>>) target_semaphore(%run_scoped3A_129 : memref<!tpu.dma_semaphore, #tpu.memory_space<semaphore_mem>>)
        %dma_wait3A_150 = arith.constant 0 : i32
        %dma_wait3A_151 = arith.constant 0 : i32
        %dma_wait3A_152 = tpu.memref_slice %arg6[%run_scoped3A_128, %dma_wait3A_150, %dma_wait3A_151] : memref<3x80x128xf32, #tpu.memory_space<vmem>> -> memref<1x80x128xf32, #tpu.memory_space<vmem>>
        %dma_wait3A_153 = tpu.memref_squeeze %dma_wait3A_152 : memref<1x80x128xf32, #tpu.memory_space<vmem>> -> memref<80x128xf32, #tpu.memory_space<vmem>>
        %dma_wait3A_154 = arith.constant 0 : i32
        %dma_wait3A_155 = arith.constant 0 : i32
        %dma_wait3A_156 = tpu.memref_slice %dma_wait3A_153[%dma_wait3A_154, %dma_wait3A_155] : memref<80x128xf32, #tpu.memory_space<vmem>> -> memref<16x128xf32, #tpu.memory_space<vmem>>
        %dma_wait3A_157 = arith.constant 9984 : i32
        %dma_wait3A_158 = arith.constant 0 : i32
        %dma_wait3A_159 = tpu.memref_slice %arg7[%dma_wait3A_157, %dma_wait3A_158] : memref<10000x128xf32, #tpu.memory_space<vmem_shared>> -> memref<16x128xf32, #tpu.memory_space<vmem_shared>>
        %dma_wait3A_160 = arith.constant 9984 : i32
        %dma_wait3A_161 = arith.constant 0 : i32
        %dma_wait3A_162 = tpu.memref_slice %arg7[%dma_wait3A_160, %dma_wait3A_161] : memref<10000x128xf32, #tpu.memory_space<vmem_shared>> -> memref<16x128xf32, #tpu.memory_space<vmem_shared>>
        %dma_wait3A_163 = arith.constant 0 : i32
        %dma_wait3A_164 = arith.constant 0 : i32
        %dma_wait3A_165 = tpu.memref_slice %arg6[%run_scoped3A_128, %dma_wait3A_163, %dma_wait3A_164] : memref<3x80x128xf32, #tpu.memory_space<vmem>> -> memref<1x80x128xf32, #tpu.memory_space<vmem>>
        %dma_wait3A_166 = tpu.memref_squeeze %dma_wait3A_165 : memref<1x80x128xf32, #tpu.memory_space<vmem>> -> memref<80x128xf32, #tpu.memory_space<vmem>>
        %dma_wait3A_167 = arith.constant 0 : i32
        %dma_wait3A_168 = arith.constant 0 : i32
        %dma_wait3A_169 = tpu.memref_slice %dma_wait3A_166[%dma_wait3A_167, %dma_wait3A_168] : memref<80x128xf32, #tpu.memory_space<vmem>> -> memref<16x128xf32, #tpu.memory_space<vmem>>
        tpu.wait_dma2 semaphore(%run_scoped3A_129 : memref<!tpu.dma_semaphore, #tpu.memory_space<semaphore_mem>>) src(%dma_wait3A_169 : memref<16x128xf32, #tpu.memory_space<vmem>>) dst(%dma_wait3A_162 : memref<16x128xf32, #tpu.memory_space<vmem_shared>>)
        tpu.yield
      }) : () -> ()
    } else {
    }
    %barrier3A = arith.constant 0 : index
    tpu.barrier barrier_id(%barrier3A)
    %scan3A_56 = arith.constant 0 : i32
    %scan3A_57 = arith.constant 1 : i32
    %scan3A_58 = arith.constant 0 : i32
    %scan3A_59 = arith.constant 125 : i32
    %scan3A_60 = arith.addi %scan3A_58, %scan3A_59 : i32
    %scan3A_61 = arith.constant 1 : i32
    scf.for %scan3A_128 = %scan3A_58 to %scan3A_60 step %scan3A_61  : i32 {
      %mul3A_129 = arith.constant 1 : i32
      %mul3A_130 = arith.muli %scan3A_128, %mul3A_129 : i32
      %add3A_131 = arith.constant 0 : i32
      %add3A_132 = arith.addi %add3A_131, %mul3A_130 : i32
      %rem3A = arith.constant 3 : i32
      %rem3A_133 = arith.remsi %add3A_132, %rem3A : i32
      %dma_wait3A_134 = arith.constant 0 : i32
      %dma_wait3A_135 = arith.constant 0 : i32
      %dma_wait3A_136 = tpu.memref_slice %arg6[%rem3A_133, %dma_wait3A_134, %dma_wait3A_135] : memref<3x80x128xf32, #tpu.memory_space<vmem>> -> memref<1x80x128xf32, #tpu.memory_space<vmem>>
      %dma_wait3A_137 = tpu.memref_squeeze %dma_wait3A_136 : memref<1x80x128xf32, #tpu.memory_space<vmem>> -> memref<80x128xf32, #tpu.memory_space<vmem>>
      %dma_wait3A_138 = arith.constant 0 : i32
      %dma_wait3A_139 = arith.constant 0 : i32
      %dma_wait3A_140 = tpu.memref_slice %arg5[%scan3A_56, %dma_wait3A_138, %dma_wait3A_139] : memref<2x125x80xi32, #tpu.memory_space<vmem>> -> memref<1x125x80xi32, #tpu.memory_space<vmem>>
      %dma_wait3A_141 = tpu.memref_squeeze %dma_wait3A_140 : memref<1x125x80xi32, #tpu.memory_space<vmem>> -> memref<125x80xi32, #tpu.memory_space<vmem>>
      %dma_wait3A_142 = arith.constant 0 : i32
      %dma_wait3A_143 = tpu.memref_slice %dma_wait3A_141[%add3A_132, %dma_wait3A_142] : memref<125x80xi32, #tpu.memory_space<vmem>> -> memref<1x80xi32, #tpu.memory_space<vmem>>
      %dma_wait3A_144 = tpu.memref_squeeze %dma_wait3A_143 : memref<1x80xi32, #tpu.memory_space<vmem>> -> memref<80xi32, #tpu.memory_space<vmem>>
      %dma_wait3A_145 = arith.constant 0 : i32
      %dma_wait3A_146 = arith.constant 0 : i32
      %dma_wait3A_147 = tpu.memref_slice %arg2[%dma_wait3A_145, %dma_wait3A_146] : memref<10000x128xf32, #tpu.memory_space<hbm>> -> memref<10000x128xf32, #tpu.memory_space<hbm>>
      %dma_wait3A_148 = tpu.memref_slice %arg8[%rem3A_133] : memref<3x!tpu.dma_semaphore, #tpu.memory_space<semaphore_mem>> -> memref<1x!tpu.dma_semaphore, #tpu.memory_space<semaphore_mem>>
      %dma_wait3A_149 = tpu.memref_squeeze %dma_wait3A_148 : memref<1x!tpu.dma_semaphore, #tpu.memory_space<semaphore_mem>> -> memref<!tpu.dma_semaphore, #tpu.memory_space<semaphore_mem>>
      tpu.wait_indirect_dma semaphore(%dma_wait3A_149 : memref<!tpu.dma_semaphore, #tpu.memory_space<semaphore_mem>>) src(%dma_wait3A_147 : memref<10000x128xf32, #tpu.memory_space<hbm>>) dst(%dma_wait3A_137 : memref<80x128xf32, #tpu.memory_space<vmem>>)
      %dma_start3A_150 = arith.constant 0 : i32
      %dma_start3A_151 = arith.constant 0 : i32
      %dma_start3A_152 = tpu.memref_slice %arg6[%rem3A_133, %dma_start3A_150, %dma_start3A_151] : memref<3x80x128xf32, #tpu.memory_space<vmem>> -> memref<1x80x128xf32, #tpu.memory_space<vmem>>
      %dma_start3A_153 = tpu.memref_squeeze %dma_start3A_152 : memref<1x80x128xf32, #tpu.memory_space<vmem>> -> memref<80x128xf32, #tpu.memory_space<vmem>>
      %dma_start3A_154 = arith.constant 0 : i32
      %dma_start3A_155 = arith.constant 0 : i32
      %dma_start3A_156 = tpu.memref_slice %arg5[%scan3A_57, %dma_start3A_154, %dma_start3A_155] : memref<2x125x80xi32, #tpu.memory_space<vmem>> -> memref<1x125x80xi32, #tpu.memory_space<vmem>>
      %dma_start3A_157 = tpu.memref_squeeze %dma_start3A_156 : memref<1x125x80xi32, #tpu.memory_space<vmem>> -> memref<125x80xi32, #tpu.memory_space<vmem>>
      %dma_start3A_158 = arith.constant 0 : i32
      %dma_start3A_159 = tpu.memref_slice %dma_start3A_157[%add3A_132, %dma_start3A_158] : memref<125x80xi32, #tpu.memory_space<vmem>> -> memref<1x80xi32, #tpu.memory_space<vmem>>
      %dma_start3A_160 = tpu.memref_squeeze %dma_start3A_159 : memref<1x80xi32, #tpu.memory_space<vmem>> -> memref<80xi32, #tpu.memory_space<vmem>>
      %dma_start3A_161 = arith.constant 0 : i32
      %dma_start3A_162 = arith.constant 0 : i32
      %dma_start3A_163 = tpu.memref_slice %arg7[%dma_start3A_161, %dma_start3A_162] : memref<10000x128xf32, #tpu.memory_space<vmem_shared>> -> memref<10000x128xf32, #tpu.memory_space<vmem_shared>>
      %dma_start3A_164 = tpu.memref_slice %arg9[%rem3A_133] : memref<3x!tpu.dma_semaphore, #tpu.memory_space<semaphore_mem>> -> memref<1x!tpu.dma_semaphore, #tpu.memory_space<semaphore_mem>>
      %dma_start3A_165 = tpu.memref_squeeze %dma_start3A_164 : memref<1x!tpu.dma_semaphore, #tpu.memory_space<semaphore_mem>> -> memref<!tpu.dma_semaphore, #tpu.memory_space<semaphore_mem>>
      tpu.enqueue_indirect_dma source(%dma_start3A_153 : memref<80x128xf32, #tpu.memory_space<vmem>>) target(%dma_start3A_163 : memref<10000x128xf32, #tpu.memory_space<vmem_shared>>) offsets(%dma_start3A_160 : memref<80xi32, #tpu.memory_space<vmem>>) semaphore(%dma_start3A_165 : memref<!tpu.dma_semaphore, #tpu.memory_space<semaphore_mem>>) {add = true}
      %add3A_166 = arith.constant 2 : i32
      %add3A_167 = arith.addi %add3A_132, %add3A_166 : i32
      %rem3A_168 = arith.constant 3 : i32
      %rem3A_169 = arith.remsi %add3A_167, %rem3A_168 : i32
      %add3A_170 = arith.constant 2 : i32
      %add3A_171 = arith.addi %add3A_132, %add3A_170 : i32
      %lt3A = arith.constant 125 : i32
      %lt3A_172 = arith.cmpi slt, %add3A_171, %lt3A : i32
      %convert_element_type3A_173 = arith.extui %lt3A_172 : i1 to i32
      %cond3A_174 = arith.constant 0 : i32
      %cond3A_175 = arith.cmpi ne, %convert_element_type3A_173, %cond3A_174 : i32
      scf.if %cond3A_175 {
        %gt3A = arith.constant 0 : i32
        %gt3A_176 = arith.cmpi sgt, %add3A_132, %gt3A : i32
        %convert_element_type3A_177 = arith.extui %gt3A_176 : i1 to i32
        %cond3A_178 = arith.constant 0 : i32
        %cond3A_179 = arith.cmpi ne, %convert_element_type3A_177, %cond3A_178 : i32
        scf.if %cond3A_179 {
          %dma_wait3A_198 = arith.constant 0 : i32
          %dma_wait3A_199 = arith.constant 0 : i32
          %dma_wait3A_200 = tpu.memref_slice %arg6[%rem3A_169, %dma_wait3A_198, %dma_wait3A_199] : memref<3x80x128xf32, #tpu.memory_space<vmem>> -> memref<1x80x128xf32, #tpu.memory_space<vmem>>
          %dma_wait3A_201 = tpu.memref_squeeze %dma_wait3A_200 : memref<1x80x128xf32, #tpu.memory_space<vmem>> -> memref<80x128xf32, #tpu.memory_space<vmem>>
          %dma_wait3A_202 = arith.constant 0 : i32
          %dma_wait3A_203 = arith.constant 0 : i32
          %dma_wait3A_204 = tpu.memref_slice %arg5[%scan3A_57, %dma_wait3A_202, %dma_wait3A_203] : memref<2x125x80xi32, #tpu.memory_space<vmem>> -> memref<1x125x80xi32, #tpu.memory_space<vmem>>
          %dma_wait3A_205 = tpu.memref_squeeze %dma_wait3A_204 : memref<1x125x80xi32, #tpu.memory_space<vmem>> -> memref<125x80xi32, #tpu.memory_space<vmem>>
          %dma_wait3A_206 = arith.constant 0 : i32
          %dma_wait3A_207 = tpu.memref_slice %dma_wait3A_205[%add3A_132, %dma_wait3A_206] : memref<125x80xi32, #tpu.memory_space<vmem>> -> memref<1x80xi32, #tpu.memory_space<vmem>>
          %dma_wait3A_208 = tpu.memref_squeeze %dma_wait3A_207 : memref<1x80xi32, #tpu.memory_space<vmem>> -> memref<80xi32, #tpu.memory_space<vmem>>
          %dma_wait3A_209 = arith.constant 0 : i32
          %dma_wait3A_210 = arith.constant 0 : i32
          %dma_wait3A_211 = tpu.memref_slice %arg7[%dma_wait3A_209, %dma_wait3A_210] : memref<10000x128xf32, #tpu.memory_space<vmem_shared>> -> memref<10000x128xf32, #tpu.memory_space<vmem_shared>>
          %dma_wait3A_212 = tpu.memref_slice %arg9[%rem3A_169] : memref<3x!tpu.dma_semaphore, #tpu.memory_space<semaphore_mem>> -> memref<1x!tpu.dma_semaphore, #tpu.memory_space<semaphore_mem>>
          %dma_wait3A_213 = tpu.memref_squeeze %dma_wait3A_212 : memref<1x!tpu.dma_semaphore, #tpu.memory_space<semaphore_mem>> -> memref<!tpu.dma_semaphore, #tpu.memory_space<semaphore_mem>>
          tpu.wait_indirect_dma semaphore(%dma_wait3A_213 : memref<!tpu.dma_semaphore, #tpu.memory_space<semaphore_mem>>) src(%dma_wait3A_201 : memref<80x128xf32, #tpu.memory_space<vmem>>) dst(%dma_wait3A_211 : memref<10000x128xf32, #tpu.memory_space<vmem_shared>>)
        } else {
        }
        %add3A_180 = arith.constant 2 : i32
        %add3A_181 = arith.addi %add3A_132, %add3A_180 : i32
        %dma_start3A_182 = arith.constant 0 : i32
        %dma_start3A_183 = arith.constant 0 : i32
        %dma_start3A_184 = tpu.memref_slice %arg6[%rem3A_169, %dma_start3A_182, %dma_start3A_183] : memref<3x80x128xf32, #tpu.memory_space<vmem>> -> memref<1x80x128xf32, #tpu.memory_space<vmem>>
        %dma_start3A_185 = tpu.memref_squeeze %dma_start3A_184 : memref<1x80x128xf32, #tpu.memory_space<vmem>> -> memref<80x128xf32, #tpu.memory_space<vmem>>
        %dma_start3A_186 = arith.constant 0 : i32
        %dma_start3A_187 = arith.constant 0 : i32
        %dma_start3A_188 = tpu.memref_slice %arg5[%scan3A_56, %dma_start3A_186, %dma_start3A_187] : memref<2x125x80xi32, #tpu.memory_space<vmem>> -> memref<1x125x80xi32, #tpu.memory_space<vmem>>
        %dma_start3A_189 = tpu.memref_squeeze %dma_start3A_188 : memref<1x125x80xi32, #tpu.memory_space<vmem>> -> memref<125x80xi32, #tpu.memory_space<vmem>>
        %dma_start3A_190 = arith.constant 0 : i32
        %dma_start3A_191 = tpu.memref_slice %dma_start3A_189[%add3A_181, %dma_start3A_190] : memref<125x80xi32, #tpu.memory_space<vmem>> -> memref<1x80xi32, #tpu.memory_space<vmem>>
        %dma_start3A_192 = tpu.memref_squeeze %dma_start3A_191 : memref<1x80xi32, #tpu.memory_space<vmem>> -> memref<80xi32, #tpu.memory_space<vmem>>
        %dma_start3A_193 = arith.constant 0 : i32
        %dma_start3A_194 = arith.constant 0 : i32
        %dma_start3A_195 = tpu.memref_slice %arg2[%dma_start3A_193, %dma_start3A_194] : memref<10000x128xf32, #tpu.memory_space<hbm>> -> memref<10000x128xf32, #tpu.memory_space<hbm>>
        %dma_start3A_196 = tpu.memref_slice %arg8[%rem3A_169] : memref<3x!tpu.dma_semaphore, #tpu.memory_space<semaphore_mem>> -> memref<1x!tpu.dma_semaphore, #tpu.memory_space<semaphore_mem>>
        %dma_start3A_197 = tpu.memref_squeeze %dma_start3A_196 : memref<1x!tpu.dma_semaphore, #tpu.memory_space<semaphore_mem>> -> memref<!tpu.dma_semaphore, #tpu.memory_space<semaphore_mem>>
        tpu.enqueue_indirect_dma source(%dma_start3A_195 : memref<10000x128xf32, #tpu.memory_space<hbm>>) target(%dma_start3A_185 : memref<80x128xf32, #tpu.memory_space<vmem>>) offsets(%dma_start3A_192 : memref<80xi32, #tpu.memory_space<vmem>>) semaphore(%dma_start3A_197 : memref<!tpu.dma_semaphore, #tpu.memory_space<semaphore_mem>>)
      } else {
      }
    }
    %scan3A_62 = arith.constant 125 : i32
    %dma_wait3A = arith.constant 0 : i32
    %dma_wait3A_63 = arith.constant 1 : i32
    %dma_wait3A_64 = arith.constant 0 : i32
    %dma_wait3A_65 = arith.constant 0 : i32
    %dma_wait3A_66 = arith.constant 0 : i32
    %dma_wait3A_67 = arith.constant 0 : i32
    %dma_wait3A_68 = tpu.memref_slice %arg6[%dma_wait3A, %dma_wait3A_66, %dma_wait3A_67] : memref<3x80x128xf32, #tpu.memory_space<vmem>> -> memref<1x80x128xf32, #tpu.memory_space<vmem>>
    %dma_wait3A_69 = tpu.memref_squeeze %dma_wait3A_68 : memref<1x80x128xf32, #tpu.memory_space<vmem>> -> memref<80x128xf32, #tpu.memory_space<vmem>>
    %dma_wait3A_70 = arith.constant 0 : i32
    %dma_wait3A_71 = arith.constant 0 : i32
    %dma_wait3A_72 = tpu.memref_slice %arg5[%dma_wait3A_63, %dma_wait3A_70, %dma_wait3A_71] : memref<2x125x80xi32, #tpu.memory_space<vmem>> -> memref<1x125x80xi32, #tpu.memory_space<vmem>>
    %dma_wait3A_73 = tpu.memref_squeeze %dma_wait3A_72 : memref<1x125x80xi32, #tpu.memory_space<vmem>> -> memref<125x80xi32, #tpu.memory_space<vmem>>
    %dma_wait3A_74 = arith.constant 0 : i32
    %dma_wait3A_75 = tpu.memref_slice %dma_wait3A_73[%dma_wait3A_64, %dma_wait3A_74] : memref<125x80xi32, #tpu.memory_space<vmem>> -> memref<1x80xi32, #tpu.memory_space<vmem>>
    %dma_wait3A_76 = tpu.memref_squeeze %dma_wait3A_75 : memref<1x80xi32, #tpu.memory_space<vmem>> -> memref<80xi32, #tpu.memory_space<vmem>>
    %dma_wait3A_77 = arith.constant 0 : i32
    %dma_wait3A_78 = arith.constant 0 : i32
    %dma_wait3A_79 = tpu.memref_slice %arg7[%dma_wait3A_77, %dma_wait3A_78] : memref<10000x128xf32, #tpu.memory_space<vmem_shared>> -> memref<10000x128xf32, #tpu.memory_space<vmem_shared>>
    %dma_wait3A_80 = tpu.memref_slice %arg9[%dma_wait3A_65] : memref<3x!tpu.dma_semaphore, #tpu.memory_space<semaphore_mem>> -> memref<1x!tpu.dma_semaphore, #tpu.memory_space<semaphore_mem>>
    %dma_wait3A_81 = tpu.memref_squeeze %dma_wait3A_80 : memref<1x!tpu.dma_semaphore, #tpu.memory_space<semaphore_mem>> -> memref<!tpu.dma_semaphore, #tpu.memory_space<semaphore_mem>>
    tpu.wait_indirect_dma semaphore(%dma_wait3A_81 : memref<!tpu.dma_semaphore, #tpu.memory_space<semaphore_mem>>) src(%dma_wait3A_69 : memref<80x128xf32, #tpu.memory_space<vmem>>) dst(%dma_wait3A_79 : memref<10000x128xf32, #tpu.memory_space<vmem_shared>>)
    %dma_wait3A_82 = arith.constant 1 : i32
    %dma_wait3A_83 = arith.constant 1 : i32
    %dma_wait3A_84 = arith.constant 0 : i32
    %dma_wait3A_85 = arith.constant 1 : i32
    %dma_wait3A_86 = arith.constant 0 : i32
    %dma_wait3A_87 = arith.constant 0 : i32
    %dma_wait3A_88 = tpu.memref_slice %arg6[%dma_wait3A_82, %dma_wait3A_86, %dma_wait3A_87] : memref<3x80x128xf32, #tpu.memory_space<vmem>> -> memref<1x80x128xf32, #tpu.memory_space<vmem>>
    %dma_wait3A_89 = tpu.memref_squeeze %dma_wait3A_88 : memref<1x80x128xf32, #tpu.memory_space<vmem>> -> memref<80x128xf32, #tpu.memory_space<vmem>>
    %dma_wait3A_90 = arith.constant 0 : i32
    %dma_wait3A_91 = arith.constant 0 : i32
    %dma_wait3A_92 = tpu.memref_slice %arg5[%dma_wait3A_83, %dma_wait3A_90, %dma_wait3A_91] : memref<2x125x80xi32, #tpu.memory_space<vmem>> -> memref<1x125x80xi32, #tpu.memory_space<vmem>>
    %dma_wait3A_93 = tpu.memref_squeeze %dma_wait3A_92 : memref<1x125x80xi32, #tpu.memory_space<vmem>> -> memref<125x80xi32, #tpu.memory_space<vmem>>
    %dma_wait3A_94 = arith.constant 0 : i32
    %dma_wait3A_95 = tpu.memref_slice %dma_wait3A_93[%dma_wait3A_84, %dma_wait3A_94] : memref<125x80xi32, #tpu.memory_space<vmem>> -> memref<1x80xi32, #tpu.memory_space<vmem>>
    %dma_wait3A_96 = tpu.memref_squeeze %dma_wait3A_95 : memref<1x80xi32, #tpu.memory_space<vmem>> -> memref<80xi32, #tpu.memory_space<vmem>>
    %dma_wait3A_97 = arith.constant 0 : i32
    %dma_wait3A_98 = arith.constant 0 : i32
    %dma_wait3A_99 = tpu.memref_slice %arg7[%dma_wait3A_97, %dma_wait3A_98] : memref<10000x128xf32, #tpu.memory_space<vmem_shared>> -> memref<10000x128xf32, #tpu.memory_space<vmem_shared>>
    %dma_wait3A_100 = tpu.memref_slice %arg9[%dma_wait3A_85] : memref<3x!tpu.dma_semaphore, #tpu.memory_space<semaphore_mem>> -> memref<1x!tpu.dma_semaphore, #tpu.memory_space<semaphore_mem>>
    %dma_wait3A_101 = tpu.memref_squeeze %dma_wait3A_100 : memref<1x!tpu.dma_semaphore, #tpu.memory_space<semaphore_mem>> -> memref<!tpu.dma_semaphore, #tpu.memory_space<semaphore_mem>>
    tpu.wait_indirect_dma semaphore(%dma_wait3A_101 : memref<!tpu.dma_semaphore, #tpu.memory_space<semaphore_mem>>) src(%dma_wait3A_89 : memref<80x128xf32, #tpu.memory_space<vmem>>) dst(%dma_wait3A_99 : memref<10000x128xf32, #tpu.memory_space<vmem_shared>>)
    %dma_wait3A_102 = arith.constant 2 : i32
    %dma_wait3A_103 = arith.constant 1 : i32
    %dma_wait3A_104 = arith.constant 0 : i32
    %dma_wait3A_105 = arith.constant 2 : i32
    %dma_wait3A_106 = arith.constant 0 : i32
    %dma_wait3A_107 = arith.constant 0 : i32
    %dma_wait3A_108 = tpu.memref_slice %arg6[%dma_wait3A_102, %dma_wait3A_106, %dma_wait3A_107] : memref<3x80x128xf32, #tpu.memory_space<vmem>> -> memref<1x80x128xf32, #tpu.memory_space<vmem>>
    %dma_wait3A_109 = tpu.memref_squeeze %dma_wait3A_108 : memref<1x80x128xf32, #tpu.memory_space<vmem>> -> memref<80x128xf32, #tpu.memory_space<vmem>>
    %dma_wait3A_110 = arith.constant 0 : i32
    %dma_wait3A_111 = arith.constant 0 : i32
    %dma_wait3A_112 = tpu.memref_slice %arg5[%dma_wait3A_103, %dma_wait3A_110, %dma_wait3A_111] : memref<2x125x80xi32, #tpu.memory_space<vmem>> -> memref<1x125x80xi32, #tpu.memory_space<vmem>>
    %dma_wait3A_113 = tpu.memref_squeeze %dma_wait3A_112 : memref<1x125x80xi32, #tpu.memory_space<vmem>> -> memref<125x80xi32, #tpu.memory_space<vmem>>
    %dma_wait3A_114 = arith.constant 0 : i32
    %dma_wait3A_115 = tpu.memref_slice %dma_wait3A_113[%dma_wait3A_104, %dma_wait3A_114] : memref<125x80xi32, #tpu.memory_space<vmem>> -> memref<1x80xi32, #tpu.memory_space<vmem>>
    %dma_wait3A_116 = tpu.memref_squeeze %dma_wait3A_115 : memref<1x80xi32, #tpu.memory_space<vmem>> -> memref<80xi32, #tpu.memory_space<vmem>>
    %dma_wait3A_117 = arith.constant 0 : i32
    %dma_wait3A_118 = arith.constant 0 : i32
    %dma_wait3A_119 = tpu.memref_slice %arg7[%dma_wait3A_117, %dma_wait3A_118] : memref<10000x128xf32, #tpu.memory_space<vmem_shared>> -> memref<10000x128xf32, #tpu.memory_space<vmem_shared>>
    %dma_wait3A_120 = tpu.memref_slice %arg9[%dma_wait3A_105] : memref<3x!tpu.dma_semaphore, #tpu.memory_space<semaphore_mem>> -> memref<1x!tpu.dma_semaphore, #tpu.memory_space<semaphore_mem>>
    %dma_wait3A_121 = tpu.memref_squeeze %dma_wait3A_120 : memref<1x!tpu.dma_semaphore, #tpu.memory_space<semaphore_mem>> -> memref<!tpu.dma_semaphore, #tpu.memory_space<semaphore_mem>>
    tpu.wait_indirect_dma semaphore(%dma_wait3A_121 : memref<!tpu.dma_semaphore, #tpu.memory_space<semaphore_mem>>) src(%dma_wait3A_109 : memref<80x128xf32, #tpu.memory_space<vmem>>) dst(%dma_wait3A_119 : memref<10000x128xf32, #tpu.memory_space<vmem_shared>>)
    %barrier3A_122 = arith.constant 0 : index
    tpu.barrier barrier_id(%barrier3A_122)
    "tpu.region"() ({
      %run_scoped3A_128 = tpu.sem_alloc : memref<!tpu.dma_semaphore, #tpu.memory_space<semaphore_mem>>
      %dma_start3A_129 = arith.constant 0 : i32
      %dma_start3A_130 = tpu.memref_slice %arg4[%arg0, %multiple_of3A, %dma_start3A_129] : memref<2x10000x128xf32, #tpu.memory_space<hbm>> -> memref<1x624x128xf32, #tpu.memory_space<hbm>>
      %dma_start3A_131 = tpu.memref_squeeze %dma_start3A_130 : memref<1x624x128xf32, #tpu.memory_space<hbm>> -> memref<624x128xf32, #tpu.memory_space<hbm>>
      %dma_start3A_132 = arith.constant 0 : i32
      %dma_start3A_133 = tpu.memref_slice %arg7[%multiple_of3A, %dma_start3A_132] : memref<10000x128xf32, #tpu.memory_space<vmem_shared>> -> memref<624x128xf32, #tpu.memory_space<vmem_shared>>
      tpu.enqueue_dma source(%dma_start3A_133 : memref<624x128xf32, #tpu.memory_space<vmem_shared>>) target(%dma_start3A_131 : memref<624x128xf32, #tpu.memory_space<hbm>>) target_semaphore(%run_scoped3A_128 : memref<!tpu.dma_semaphore, #tpu.memory_space<semaphore_mem>>)
      %dma_wait3A_134 = arith.constant 0 : i32
      %dma_wait3A_135 = tpu.memref_slice %arg4[%arg0, %multiple_of3A, %dma_wait3A_134] : memref<2x10000x128xf32, #tpu.memory_space<hbm>> -> memref<1x624x128xf32, #tpu.memory_space<hbm>>
      %dma_wait3A_136 = tpu.memref_squeeze %dma_wait3A_135 : memref<1x624x128xf32, #tpu.memory_space<hbm>> -> memref<624x128xf32, #tpu.memory_space<hbm>>
      %dma_wait3A_137 = arith.constant 0 : i32
      %dma_wait3A_138 = tpu.memref_slice %arg7[%multiple_of3A, %dma_wait3A_137] : memref<10000x128xf32, #tpu.memory_space<vmem_shared>> -> memref<624x128xf32, #tpu.memory_space<vmem_shared>>
      tpu.wait_dma2 semaphore(%run_scoped3A_128 : memref<!tpu.dma_semaphore, #tpu.memory_space<semaphore_mem>>) src(%dma_wait3A_138 : memref<624x128xf32, #tpu.memory_space<vmem_shared>>) dst(%dma_wait3A_136 : memref<624x128xf32, #tpu.memory_space<hbm>>)
      tpu.yield
    }) : () -> ()
    %eq3A_123 = arith.constant 15 : i32
    %eq3A_124 = arith.cmpi eq, %arg1, %eq3A_123 : i32
    %convert_element_type3A_125 = arith.extui %eq3A_124 : i1 to i32
    %cond3A_126 = arith.constant 0 : i32
    %cond3A_127 = arith.cmpi ne, %convert_element_type3A_125, %cond3A_126 : i32
    scf.if %cond3A_127 {
      "tpu.region"() ({
        %run_scoped3A_128 = tpu.sem_alloc : memref<!tpu.dma_semaphore, #tpu.memory_space<semaphore_mem>>
        %dma_start3A_129 = arith.constant 9984 : i32
        %dma_start3A_130 = arith.constant 0 : i32
        %dma_start3A_131 = tpu.memref_slice %arg4[%arg0, %dma_start3A_129, %dma_start3A_130] : memref<2x10000x128xf32, #tpu.memory_space<hbm>> -> memref<1x16x128xf32, #tpu.memory_space<hbm>>
        %dma_start3A_132 = tpu.memref_squeeze %dma_start3A_131 : memref<1x16x128xf32, #tpu.memory_space<hbm>> -> memref<16x128xf32, #tpu.memory_space<hbm>>
        %dma_start3A_133 = arith.constant 9984 : i32
        %dma_start3A_134 = arith.constant 0 : i32
        %dma_start3A_135 = tpu.memref_slice %arg7[%dma_start3A_133, %dma_start3A_134] : memref<10000x128xf32, #tpu.memory_space<vmem_shared>> -> memref<16x128xf32, #tpu.memory_space<vmem_shared>>
        tpu.enqueue_dma source(%dma_start3A_135 : memref<16x128xf32, #tpu.memory_space<vmem_shared>>) target(%dma_start3A_132 : memref<16x128xf32, #tpu.memory_space<hbm>>) target_semaphore(%run_scoped3A_128 : memref<!tpu.dma_semaphore, #tpu.memory_space<semaphore_mem>>)
        %dma_wait3A_136 = arith.constant 9984 : i32
        %dma_wait3A_137 = arith.constant 0 : i32
        %dma_wait3A_138 = tpu.memref_slice %arg4[%arg0, %dma_wait3A_136, %dma_wait3A_137] : memref<2x10000x128xf32, #tpu.memory_space<hbm>> -> memref<1x16x128xf32, #tpu.memory_space<hbm>>
        %dma_wait3A_139 = tpu.memref_squeeze %dma_wait3A_138 : memref<1x16x128xf32, #tpu.memory_space<hbm>> -> memref<16x128xf32, #tpu.memory_space<hbm>>
        %dma_wait3A_140 = arith.constant 9984 : i32
        %dma_wait3A_141 = arith.constant 0 : i32
        %dma_wait3A_142 = tpu.memref_slice %arg7[%dma_wait3A_140, %dma_wait3A_141] : memref<10000x128xf32, #tpu.memory_space<vmem_shared>> -> memref<16x128xf32, #tpu.memory_space<vmem_shared>>
        tpu.wait_dma2 semaphore(%run_scoped3A_128 : memref<!tpu.dma_semaphore, #tpu.memory_space<semaphore_mem>>) src(%dma_wait3A_142 : memref<16x128xf32, #tpu.memory_space<vmem_shared>>) dst(%dma_wait3A_139 : memref<16x128xf32, #tpu.memory_space<hbm>>)
        tpu.yield
      }) : () -> ()
    } else {
    }
    return
  }
}

#map = affine_map<(d0, d1) -> (0, 0)>
#map1 = affine_map<(d0, d1) -> (0, 0, 0, 0)>
#map2 = affine_map<(d0, d1) -> (0, 0, 0)>
module attributes {stable_mosaic.version = 14 : i64} {
  func.func @edge_kernel(%arg0: i32, %arg1: i32, %arg2: memref<10000x128xf32, #tpu.memory_space<hbm>>, %arg3: memref<2x32x125x80xi32, #tpu.memory_space<hbm>>, %arg4: memref<2x10000x128xf32, #tpu.memory_space<hbm>>, %arg5: memref<2x125x80xi32, #tpu.memory_space<vmem>>, %arg6: memref<3x80x128xf32, #tpu.memory_space<vmem>>, %arg7: memref<10000x128xf32, #tpu.memory_space<vmem_shared>>, %arg8: memref<3x!tpu.dma_semaphore, #tpu.memory_space<semaphore_mem>>, %arg9: memref<3x!tpu.dma_semaphore, #tpu.memory_space<semaphore_mem>>) attributes {dimension_semantics = [#tpu.dimension_semantics<core_parallel>, #tpu.dimension_semantics<subcore_parallel>], iteration_bounds = array<i64: 2, 16>, scalar_prefetch = 0 : i64, scratch_operands = 5 : i64, tpu.core_type = #tpu.core_type<sc_vector_subcore>, window_params = [{transform_indices = #map}, {transform_indices = #map1}, {transform_indices = #map2}]} {
    %mul3A = arith.constant 16 : i32
    %mul3A_0 = arith.muli %arg0, %mul3A : i32
    %add3A = arith.addi %mul3A_0, %arg1 : i32
    %broadcast_in_dim3A = arith.constant 0.000000e+00 : f32
    %broadcast_in_dim3A_1 = vector.broadcast %broadcast_in_dim3A : f32 to vector<16xf32>
    "tpu.region"() ({
      %run_scoped3A_128 = tpu.sem_alloc : memref<!tpu.dma_semaphore, #tpu.memory_space<semaphore_mem>>
      %dma_start3A_129 = arith.constant 0 : i32
      %dma_start3A_130 = arith.constant 0 : i32
      %dma_start3A_131 = arith.constant 0 : i32
      %dma_start3A_132 = tpu.memref_slice %arg3[%dma_start3A_129, %add3A, %dma_start3A_130, %dma_start3A_131] : memref<2x32x125x80xi32, #tpu.memory_space<hbm>> -> memref<2x1x125x80xi32, #tpu.memory_space<hbm>>
      %dma_start3A_133 = tpu.memref_squeeze %dma_start3A_132 : memref<2x1x125x80xi32, #tpu.memory_space<hbm>> -> memref<2x125x80xi32, #tpu.memory_space<hbm>>
      %dma_start3A_134 = arith.constant 0 : i32
      %dma_start3A_135 = arith.constant 0 : i32
      %dma_start3A_136 = arith.constant 0 : i32
      %dma_start3A_137 = tpu.memref_slice %arg3[%dma_start3A_134, %add3A, %dma_start3A_135, %dma_start3A_136] : memref<2x32x125x80xi32, #tpu.memory_space<hbm>> -> memref<2x1x125x80xi32, #tpu.memory_space<hbm>>
      %dma_start3A_138 = tpu.memref_squeeze %dma_start3A_137 : memref<2x1x125x80xi32, #tpu.memory_space<hbm>> -> memref<2x125x80xi32, #tpu.memory_space<hbm>>
      tpu.enqueue_dma source(%dma_start3A_138 : memref<2x125x80xi32, #tpu.memory_space<hbm>>) target(%arg5 : memref<2x125x80xi32, #tpu.memory_space<vmem>>) target_semaphore(%run_scoped3A_128 : memref<!tpu.dma_semaphore, #tpu.memory_space<semaphore_mem>>)
      %dma_wait3A_139 = arith.constant 0 : i32
      %dma_wait3A_140 = arith.constant 0 : i32
      %dma_wait3A_141 = arith.constant 0 : i32
      %dma_wait3A_142 = tpu.memref_slice %arg3[%dma_wait3A_139, %add3A, %dma_wait3A_140, %dma_wait3A_141] : memref<2x32x125x80xi32, #tpu.memory_space<hbm>> -> memref<2x1x125x80xi32, #tpu.memory_space<hbm>>
      %dma_wait3A_143 = tpu.memref_squeeze %dma_wait3A_142 : memref<2x1x125x80xi32, #tpu.memory_space<hbm>> -> memref<2x125x80xi32, #tpu.memory_space<hbm>>
      %dma_wait3A_144 = arith.constant 0 : i32
      %dma_wait3A_145 = arith.constant 0 : i32
      %dma_wait3A_146 = arith.constant 0 : i32
      %dma_wait3A_147 = tpu.memref_slice %arg3[%dma_wait3A_144, %add3A, %dma_wait3A_145, %dma_wait3A_146] : memref<2x32x125x80xi32, #tpu.memory_space<hbm>> -> memref<2x1x125x80xi32, #tpu.memory_space<hbm>>
      %dma_wait3A_148 = tpu.memref_squeeze %dma_wait3A_147 : memref<2x1x125x80xi32, #tpu.memory_space<hbm>> -> memref<2x125x80xi32, #tpu.memory_space<hbm>>
      tpu.wait_dma2 semaphore(%run_scoped3A_128 : memref<!tpu.dma_semaphore, #tpu.memory_space<semaphore_mem>>) src(%dma_wait3A_148 : memref<2x125x80xi32, #tpu.memory_space<hbm>>) dst(%arg5 : memref<2x125x80xi32, #tpu.memory_space<vmem>>)
      tpu.yield
    }) : () -> ()
    %dma_start3A = arith.constant 0 : i32
    %dma_start3A_2 = arith.constant 0 : i32
    %dma_start3A_3 = arith.constant 0 : i32
    %dma_start3A_4 = arith.constant 0 : i32
    %dma_start3A_5 = arith.constant 0 : i32
    %dma_start3A_6 = arith.constant 0 : i32
    %dma_start3A_7 = tpu.memref_slice %arg6[%dma_start3A_3, %dma_start3A_5, %dma_start3A_6] : memref<3x80x128xf32, #tpu.memory_space<vmem>> -> memref<1x80x128xf32, #tpu.memory_space<vmem>>
    %dma_start3A_8 = tpu.memref_squeeze %dma_start3A_7 : memref<1x80x128xf32, #tpu.memory_space<vmem>> -> memref<80x128xf32, #tpu.memory_space<vmem>>
    %dma_start3A_9 = arith.constant 0 : i32
    %dma_start3A_10 = arith.constant 0 : i32
    %dma_start3A_11 = tpu.memref_slice %arg5[%dma_start3A, %dma_start3A_9, %dma_start3A_10] : memref<2x125x80xi32, #tpu.memory_space<vmem>> -> memref<1x125x80xi32, #tpu.memory_space<vmem>>
    %dma_start3A_12 = tpu.memref_squeeze %dma_start3A_11 : memref<1x125x80xi32, #tpu.memory_space<vmem>> -> memref<125x80xi32, #tpu.memory_space<vmem>>
    %dma_start3A_13 = arith.constant 0 : i32
    %dma_start3A_14 = tpu.memref_slice %dma_start3A_12[%dma_start3A_2, %dma_start3A_13] : memref<125x80xi32, #tpu.memory_space<vmem>> -> memref<1x80xi32, #tpu.memory_space<vmem>>
    %dma_start3A_15 = tpu.memref_squeeze %dma_start3A_14 : memref<1x80xi32, #tpu.memory_space<vmem>> -> memref<80xi32, #tpu.memory_space<vmem>>
    %dma_start3A_16 = arith.constant 0 : i32
    %dma_start3A_17 = arith.constant 0 : i32
    %dma_start3A_18 = tpu.memref_slice %arg2[%dma_start3A_16, %dma_start3A_17] : memref<10000x128xf32, #tpu.memory_space<hbm>> -> memref<10000x128xf32, #tpu.memory_space<hbm>>
    %dma_start3A_19 = tpu.memref_slice %arg8[%dma_start3A_4] : memref<3x!tpu.dma_semaphore, #tpu.memory_space<semaphore_mem>> -> memref<1x!tpu.dma_semaphore, #tpu.memory_space<semaphore_mem>>
    %dma_start3A_20 = tpu.memref_squeeze %dma_start3A_19 : memref<1x!tpu.dma_semaphore, #tpu.memory_space<semaphore_mem>> -> memref<!tpu.dma_semaphore, #tpu.memory_space<semaphore_mem>>
    tpu.enqueue_indirect_dma source(%dma_start3A_18 : memref<10000x128xf32, #tpu.memory_space<hbm>>) target(%dma_start3A_8 : memref<80x128xf32, #tpu.memory_space<vmem>>) offsets(%dma_start3A_15 : memref<80xi32, #tpu.memory_space<vmem>>) semaphore(%dma_start3A_20 : memref<!tpu.dma_semaphore, #tpu.memory_space<semaphore_mem>>)
    %dma_start3A_21 = arith.constant 0 : i32
    %dma_start3A_22 = arith.constant 1 : i32
    %dma_start3A_23 = arith.constant 1 : i32
    %dma_start3A_24 = arith.constant 1 : i32
    %dma_start3A_25 = arith.constant 0 : i32
    %dma_start3A_26 = arith.constant 0 : i32
    %dma_start3A_27 = tpu.memref_slice %arg6[%dma_start3A_23, %dma_start3A_25, %dma_start3A_26] : memref<3x80x128xf32, #tpu.memory_space<vmem>> -> memref<1x80x128xf32, #tpu.memory_space<vmem>>
    %dma_start3A_28 = tpu.memref_squeeze %dma_start3A_27 : memref<1x80x128xf32, #tpu.memory_space<vmem>> -> memref<80x128xf32, #tpu.memory_space<vmem>>
    %dma_start3A_29 = arith.constant 0 : i32
    %dma_start3A_30 = arith.constant 0 : i32
    %dma_start3A_31 = tpu.memref_slice %arg5[%dma_start3A_21, %dma_start3A_29, %dma_start3A_30] : memref<2x125x80xi32, #tpu.memory_space<vmem>> -> memref<1x125x80xi32, #tpu.memory_space<vmem>>
    %dma_start3A_32 = tpu.memref_squeeze %dma_start3A_31 : memref<1x125x80xi32, #tpu.memory_space<vmem>> -> memref<125x80xi32, #tpu.memory_space<vmem>>
    %dma_start3A_33 = arith.constant 0 : i32
    %dma_start3A_34 = tpu.memref_slice %dma_start3A_32[%dma_start3A_22, %dma_start3A_33] : memref<125x80xi32, #tpu.memory_space<vmem>> -> memref<1x80xi32, #tpu.memory_space<vmem>>
    %dma_start3A_35 = tpu.memref_squeeze %dma_start3A_34 : memref<1x80xi32, #tpu.memory_space<vmem>> -> memref<80xi32, #tpu.memory_space<vmem>>
    %dma_start3A_36 = arith.constant 0 : i32
    %dma_start3A_37 = arith.constant 0 : i32
    %dma_start3A_38 = tpu.memref_slice %arg2[%dma_start3A_36, %dma_start3A_37] : memref<10000x128xf32, #tpu.memory_space<hbm>> -> memref<10000x128xf32, #tpu.memory_space<hbm>>
    %dma_start3A_39 = tpu.memref_slice %arg8[%dma_start3A_24] : memref<3x!tpu.dma_semaphore, #tpu.memory_space<semaphore_mem>> -> memref<1x!tpu.dma_semaphore, #tpu.memory_space<semaphore_mem>>
    %dma_start3A_40 = tpu.memref_squeeze %dma_start3A_39 : memref<1x!tpu.dma_semaphore, #tpu.memory_space<semaphore_mem>> -> memref<!tpu.dma_semaphore, #tpu.memory_space<semaphore_mem>>
    tpu.enqueue_indirect_dma source(%dma_start3A_38 : memref<10000x128xf32, #tpu.memory_space<hbm>>) target(%dma_start3A_28 : memref<80x128xf32, #tpu.memory_space<vmem>>) offsets(%dma_start3A_35 : memref<80xi32, #tpu.memory_space<vmem>>) semaphore(%dma_start3A_40 : memref<!tpu.dma_semaphore, #tpu.memory_space<semaphore_mem>>)
    %scan3A = arith.constant 0 : i32
    %scan3A_41 = arith.constant 80 : i32
    %scan3A_42 = arith.addi %scan3A, %scan3A_41 : i32
    %scan3A_43 = arith.constant 1 : i32
    scf.for %scan3A_128 = %scan3A to %scan3A_42 step %scan3A_43  : i32 {
      %mul3A_129 = arith.constant 1 : i32
      %mul3A_130 = arith.muli %scan3A_128, %mul3A_129 : i32
      %add3A_131 = arith.constant 0 : i32
      %add3A_132 = arith.addi %add3A_131, %mul3A_130 : i32
      %scan3A_133 = arith.constant 0 : i32
      %scan3A_134 = arith.constant 8 : i32
      %scan3A_135 = arith.addi %scan3A_133, %scan3A_134 : i32
      %scan3A_136 = arith.constant 1 : i32
      scf.for %scan3A_138 = %scan3A_133 to %scan3A_135 step %scan3A_136  : i32 {
        %mul3A_139 = arith.constant 1 : i32
        %mul3A_140 = arith.muli %scan3A_138, %mul3A_139 : i32
        %add3A_141 = arith.constant 0 : i32
        %add3A_142 = arith.addi %add3A_141, %mul3A_140 : i32
        %mul3A_143 = arith.constant 16 : i32
        %mul3A_144 = arith.muli %add3A_142, %mul3A_143 : i32
        %swap3A = arith.constant 2 : i32
        %swap3A_145 = arith.index_cast %swap3A : i32 to index
        %swap3A_146 = arith.index_cast %add3A_132 : i32 to index
        %swap3A_147 = arith.index_cast %mul3A_144 : i32 to index
        %swap3A_148 = tpu.vector_load %arg6[%swap3A_145, %swap3A_146, %swap3A_147] {strides = array<i32>} : memref<3x80x128xf32, #tpu.memory_space<vmem>>, vector<1x1x16xf32>,
        %swap3A_149 = vector.shape_cast %swap3A_148 : vector<1x1x16xf32> to vector<16xf32>
        %swap3A_150 = vector.shape_cast %broadcast_in_dim3A_1 : vector<16xf32> to vector<1x1x16xf32>
        tpu.vector_store %arg6[%swap3A_145, %swap3A_146, %swap3A_147], %swap3A_150 {strides = array<i32>} : memref<3x80x128xf32, #tpu.memory_space<vmem>>, vector<1x1x16xf32>,
      }
      %scan3A_137 = arith.constant 8 : i32
    }
    %scan3A_44 = arith.constant 80 : i32
    %mul3A_45 = arith.constant 624 : i32
    %mul3A_46 = arith.muli %arg1, %mul3A_45 : i32
    %multiple_of3A = tpu.assume_multiple %mul3A_46, 8 : i32
    %scan3A_47 = arith.constant 0 : i32
    %scan3A_48 = arith.constant 7 : i32
    %scan3A_49 = arith.addi %scan3A_47, %scan3A_48 : i32
    %scan3A_50 = arith.constant 1 : i32
    scf.for %scan3A_128 = %scan3A_47 to %scan3A_49 step %scan3A_50  : i32 {
      %mul3A_129 = arith.constant 1 : i32
      %mul3A_130 = arith.muli %scan3A_128, %mul3A_129 : i32
      %add3A_131 = arith.constant 0 : i32
      %add3A_132 = arith.addi %add3A_131, %mul3A_130 : i32
      %mul3A_133 = arith.constant 80 : i32
      %mul3A_134 = arith.muli %add3A_132, %mul3A_133 : i32
      %add3A_135 = arith.addi %multiple_of3A, %mul3A_134 : i32
      %run_scoped3A_136 = arith.constant 2 : i32
      "tpu.region"() ({
        %run_scoped3A_137 = tpu.sem_alloc : memref<!tpu.dma_semaphore, #tpu.memory_space<semaphore_mem>>
        %dma_start3A_138 = arith.constant 0 : i32
        %dma_start3A_139 = arith.constant 0 : i32
        %dma_start3A_140 = tpu.memref_slice %arg6[%run_scoped3A_136, %dma_start3A_138, %dma_start3A_139] : memref<3x80x128xf32, #tpu.memory_space<vmem>> -> memref<1x80x128xf32, #tpu.memory_space<vmem>>
        %dma_start3A_141 = tpu.memref_squeeze %dma_start3A_140 : memref<1x80x128xf32, #tpu.memory_space<vmem>> -> memref<80x128xf32, #tpu.memory_space<vmem>>
        %dma_start3A_142 = arith.constant 0 : i32
        %dma_start3A_143 = tpu.memref_slice %arg7[%add3A_135, %dma_start3A_142] : memref<10000x128xf32, #tpu.memory_space<vmem_shared>> -> memref<80x128xf32, #tpu.memory_space<vmem_shared>>
        %dma_start3A_144 = arith.constant 0 : i32
        %dma_start3A_145 = tpu.memref_slice %arg7[%add3A_135, %dma_start3A_144] : memref<10000x128xf32, #tpu.memory_space<vmem_shared>> -> memref<80x128xf32, #tpu.memory_space<vmem_shared>>
        %dma_start3A_146 = arith.constant 0 : i32
        %dma_start3A_147 = arith.constant 0 : i32
        %dma_start3A_148 = tpu.memref_slice %arg6[%run_scoped3A_136, %dma_start3A_146, %dma_start3A_147] : memref<3x80x128xf32, #tpu.memory_space<vmem>> -> memref<1x80x128xf32, #tpu.memory_space<vmem>>
        %dma_start3A_149 = tpu.memref_squeeze %dma_start3A_148 : memref<1x80x128xf32, #tpu.memory_space<vmem>> -> memref<80x128xf32, #tpu.memory_space<vmem>>
        tpu.enqueue_dma source(%dma_start3A_149 : memref<80x128xf32, #tpu.memory_space<vmem>>) target(%dma_start3A_145 : memref<80x128xf32, #tpu.memory_space<vmem_shared>>) target_semaphore(%run_scoped3A_137 : memref<!tpu.dma_semaphore, #tpu.memory_space<semaphore_mem>>)
        %dma_wait3A_150 = arith.constant 0 : i32
        %dma_wait3A_151 = arith.constant 0 : i32
        %dma_wait3A_152 = tpu.memref_slice %arg6[%run_scoped3A_136, %dma_wait3A_150, %dma_wait3A_151] : memref<3x80x128xf32, #tpu.memory_space<vmem>> -> memref<1x80x128xf32, #tpu.memory_space<vmem>>
        %dma_wait3A_153 = tpu.memref_squeeze %dma_wait3A_152 : memref<1x80x128xf32, #tpu.memory_space<vmem>> -> memref<80x128xf32, #tpu.memory_space<vmem>>
        %dma_wait3A_154 = arith.constant 0 : i32
        %dma_wait3A_155 = tpu.memref_slice %arg7[%add3A_135, %dma_wait3A_154] : memref<10000x128xf32, #tpu.memory_space<vmem_shared>> -> memref<80x128xf32, #tpu.memory_space<vmem_shared>>
        %dma_wait3A_156 = arith.constant 0 : i32
        %dma_wait3A_157 = tpu.memref_slice %arg7[%add3A_135, %dma_wait3A_156] : memref<10000x128xf32, #tpu.memory_space<vmem_shared>> -> memref<80x128xf32, #tpu.memory_space<vmem_shared>>
        %dma_wait3A_158 = arith.constant 0 : i32
        %dma_wait3A_159 = arith.constant 0 : i32
        %dma_wait3A_160 = tpu.memref_slice %arg6[%run_scoped3A_136, %dma_wait3A_158, %dma_wait3A_159] : memref<3x80x128xf32, #tpu.memory_space<vmem>> -> memref<1x80x128xf32, #tpu.memory_space<vmem>>
        %dma_wait3A_161 = tpu.memref_squeeze %dma_wait3A_160 : memref<1x80x128xf32, #tpu.memory_space<vmem>> -> memref<80x128xf32, #tpu.memory_space<vmem>>
        tpu.wait_dma2 semaphore(%run_scoped3A_137 : memref<!tpu.dma_semaphore, #tpu.memory_space<semaphore_mem>>) src(%dma_wait3A_161 : memref<80x128xf32, #tpu.memory_space<vmem>>) dst(%dma_wait3A_157 : memref<80x128xf32, #tpu.memory_space<vmem_shared>>)
        tpu.yield
      }) : () -> ()
    }
    %scan3A_51 = arith.constant 7 : i32
    %add3A_52 = arith.constant 560 : i32
    %add3A_53 = arith.addi %multiple_of3A, %add3A_52 : i32
    %run_scoped3A = arith.constant 2 : i32
    "tpu.region"() ({
      %run_scoped3A_128 = tpu.sem_alloc : memref<!tpu.dma_semaphore, #tpu.memory_space<semaphore_mem>>
      %dma_start3A_129 = arith.constant 0 : i32
      %dma_start3A_130 = arith.constant 0 : i32
      %dma_start3A_131 = tpu.memref_slice %arg6[%run_scoped3A, %dma_start3A_129, %dma_start3A_130] : memref<3x80x128xf32, #tpu.memory_space<vmem>> -> memref<1x80x128xf32, #tpu.memory_space<vmem>>
      %dma_start3A_132 = tpu.memref_squeeze %dma_start3A_131 : memref<1x80x128xf32, #tpu.memory_space<vmem>> -> memref<80x128xf32, #tpu.memory_space<vmem>>
      %dma_start3A_133 = arith.constant 0 : i32
      %dma_start3A_134 = arith.constant 0 : i32
      %dma_start3A_135 = tpu.memref_slice %dma_start3A_132[%dma_start3A_133, %dma_start3A_134] : memref<80x128xf32, #tpu.memory_space<vmem>> -> memref<64x128xf32, #tpu.memory_space<vmem>>
      %dma_start3A_136 = arith.constant 0 : i32
      %dma_start3A_137 = tpu.memref_slice %arg7[%add3A_53, %dma_start3A_136] : memref<10000x128xf32, #tpu.memory_space<vmem_shared>> -> memref<64x128xf32, #tpu.memory_space<vmem_shared>>
      %dma_start3A_138 = arith.constant 0 : i32
      %dma_start3A_139 = tpu.memref_slice %arg7[%add3A_53, %dma_start3A_138] : memref<10000x128xf32, #tpu.memory_space<vmem_shared>> -> memref<64x128xf32, #tpu.memory_space<vmem_shared>>
      %dma_start3A_140 = arith.constant 0 : i32
      %dma_start3A_141 = arith.constant 0 : i32
      %dma_start3A_142 = tpu.memref_slice %arg6[%run_scoped3A, %dma_start3A_140, %dma_start3A_141] : memref<3x80x128xf32, #tpu.memory_space<vmem>> -> memref<1x80x128xf32, #tpu.memory_space<vmem>>
      %dma_start3A_143 = tpu.memref_squeeze %dma_start3A_142 : memref<1x80x128xf32, #tpu.memory_space<vmem>> -> memref<80x128xf32, #tpu.memory_space<vmem>>
      %dma_start3A_144 = arith.constant 0 : i32
      %dma_start3A_145 = arith.constant 0 : i32
      %dma_start3A_146 = tpu.memref_slice %dma_start3A_143[%dma_start3A_144, %dma_start3A_145] : memref<80x128xf32, #tpu.memory_space<vmem>> -> memref<64x128xf32, #tpu.memory_space<vmem>>
      tpu.enqueue_dma source(%dma_start3A_146 : memref<64x128xf32, #tpu.memory_space<vmem>>) target(%dma_start3A_139 : memref<64x128xf32, #tpu.memory_space<vmem_shared>>) target_semaphore(%run_scoped3A_128 : memref<!tpu.dma_semaphore, #tpu.memory_space<semaphore_mem>>)
      %dma_wait3A_147 = arith.constant 0 : i32
      %dma_wait3A_148 = arith.constant 0 : i32
      %dma_wait3A_149 = tpu.memref_slice %arg6[%run_scoped3A, %dma_wait3A_147, %dma_wait3A_148] : memref<3x80x128xf32, #tpu.memory_space<vmem>> -> memref<1x80x128xf32, #tpu.memory_space<vmem>>
      %dma_wait3A_150 = tpu.memref_squeeze %dma_wait3A_149 : memref<1x80x128xf32, #tpu.memory_space<vmem>> -> memref<80x128xf32, #tpu.memory_space<vmem>>
      %dma_wait3A_151 = arith.constant 0 : i32
      %dma_wait3A_152 = arith.constant 0 : i32
      %dma_wait3A_153 = tpu.memref_slice %dma_wait3A_150[%dma_wait3A_151, %dma_wait3A_152] : memref<80x128xf32, #tpu.memory_space<vmem>> -> memref<64x128xf32, #tpu.memory_space<vmem>>
      %dma_wait3A_154 = arith.constant 0 : i32
      %dma_wait3A_155 = tpu.memref_slice %arg7[%add3A_53, %dma_wait3A_154] : memref<10000x128xf32, #tpu.memory_space<vmem_shared>> -> memref<64x128xf32, #tpu.memory_space<vmem_shared>>
      %dma_wait3A_156 = arith.constant 0 : i32
      %dma_wait3A_157 = tpu.memref_slice %arg7[%add3A_53, %dma_wait3A_156] : memref<10000x128xf32, #tpu.memory_space<vmem_shared>> -> memref<64x128xf32, #tpu.memory_space<vmem_shared>>
      %dma_wait3A_158 = arith.constant 0 : i32
      %dma_wait3A_159 = arith.constant 0 : i32
      %dma_wait3A_160 = tpu.memref_slice %arg6[%run_scoped3A, %dma_wait3A_158, %dma_wait3A_159] : memref<3x80x128xf32, #tpu.memory_space<vmem>> -> memref<1x80x128xf32, #tpu.memory_space<vmem>>
      %dma_wait3A_161 = tpu.memref_squeeze %dma_wait3A_160 : memref<1x80x128xf32, #tpu.memory_space<vmem>> -> memref<80x128xf32, #tpu.memory_space<vmem>>
      %dma_wait3A_162 = arith.constant 0 : i32
      %dma_wait3A_163 = arith.constant 0 : i32
      %dma_wait3A_164 = tpu.memref_slice %dma_wait3A_161[%dma_wait3A_162, %dma_wait3A_163] : memref<80x128xf32, #tpu.memory_space<vmem>> -> memref<64x128xf32, #tpu.memory_space<vmem>>
      tpu.wait_dma2 semaphore(%run_scoped3A_128 : memref<!tpu.dma_semaphore, #tpu.memory_space<semaphore_mem>>) src(%dma_wait3A_164 : memref<64x128xf32, #tpu.memory_space<vmem>>) dst(%dma_wait3A_157 : memref<64x128xf32, #tpu.memory_space<vmem_shared>>)
      tpu.yield
    }) : () -> ()
    %eq3A = arith.constant 15 : i32
    %eq3A_54 = arith.cmpi eq, %arg1, %eq3A : i32
    %convert_element_type3A = arith.extui %eq3A_54 : i1 to i32
    %cond3A = arith.constant 0 : i32
    %cond3A_55 = arith.cmpi ne, %convert_element_type3A, %cond3A : i32
    scf.if %cond3A_55 {
      %run_scoped3A_128 = arith.constant 2 : i32
      "tpu.region"() ({
        %run_scoped3A_129 = tpu.sem_alloc : memref<!tpu.dma_semaphore, #tpu.memory_space<semaphore_mem>>
        %dma_start3A_130 = arith.constant 0 : i32
        %dma_start3A_131 = arith.constant 0 : i32
        %dma_start3A_132 = tpu.memref_slice %arg6[%run_scoped3A_128, %dma_start3A_130, %dma_start3A_131] : memref<3x80x128xf32, #tpu.memory_space<vmem>> -> memref<1x80x128xf32, #tpu.memory_space<vmem>>
        %dma_start3A_133 = tpu.memref_squeeze %dma_start3A_132 : memref<1x80x128xf32, #tpu.memory_space<vmem>> -> memref<80x128xf32, #tpu.memory_space<vmem>>
        %dma_start3A_134 = arith.constant 0 : i32
        %dma_start3A_135 = arith.constant 0 : i32
        %dma_start3A_136 = tpu.memref_slice %dma_start3A_133[%dma_start3A_134, %dma_start3A_135] : memref<80x128xf32, #tpu.memory_space<vmem>> -> memref<16x128xf32, #tpu.memory_space<vmem>>
        %dma_start3A_137 = arith.constant 9984 : i32
        %dma_start3A_138 = arith.constant 0 : i32
        %dma_start3A_139 = tpu.memref_slice %arg7[%dma_start3A_137, %dma_start3A_138] : memref<10000x128xf32, #tpu.memory_space<vmem_shared>> -> memref<16x128xf32, #tpu.memory_space<vmem_shared>>
        %dma_start3A_140 = arith.constant 9984 : i32
        %dma_start3A_141 = arith.constant 0 : i32
        %dma_start3A_142 = tpu.memref_slice %arg7[%dma_start3A_140, %dma_start3A_141] : memref<10000x128xf32, #tpu.memory_space<vmem_shared>> -> memref<16x128xf32, #tpu.memory_space<vmem_shared>>
        %dma_start3A_143 = arith.constant 0 : i32
        %dma_start3A_144 = arith.constant 0 : i32
        %dma_start3A_145 = tpu.memref_slice %arg6[%run_scoped3A_128, %dma_start3A_143, %dma_start3A_144] : memref<3x80x128xf32, #tpu.memory_space<vmem>> -> memref<1x80x128xf32, #tpu.memory_space<vmem>>
        %dma_start3A_146 = tpu.memref_squeeze %dma_start3A_145 : memref<1x80x128xf32, #tpu.memory_space<vmem>> -> memref<80x128xf32, #tpu.memory_space<vmem>>
        %dma_start3A_147 = arith.constant 0 : i32
        %dma_start3A_148 = arith.constant 0 : i32
        %dma_start3A_149 = tpu.memref_slice %dma_start3A_146[%dma_start3A_147, %dma_start3A_148] : memref<80x128xf32, #tpu.memory_space<vmem>> -> memref<16x128xf32, #tpu.memory_space<vmem>>
        tpu.enqueue_dma source(%dma_start3A_149 : memref<16x128xf32, #tpu.memory_space<vmem>>) target(%dma_start3A_142 : memref<16x128xf32, #tpu.memory_space<vmem_shared>>) target_semaphore(%run_scoped3A_129 : memref<!tpu.dma_semaphore, #tpu.memory_space<semaphore_mem>>)
        %dma_wait3A_150 = arith.constant 0 : i32
        %dma_wait3A_151 = arith.constant 0 : i32
        %dma_wait3A_152 = tpu.memref_slice %arg6[%run_scoped3A_128, %dma_wait3A_150, %dma_wait3A_151] : memref<3x80x128xf32, #tpu.memory_space<vmem>> -> memref<1x80x128xf32, #tpu.memory_space<vmem>>
        %dma_wait3A_153 = tpu.memref_squeeze %dma_wait3A_152 : memref<1x80x128xf32, #tpu.memory_space<vmem>> -> memref<80x128xf32, #tpu.memory_space<vmem>>
        %dma_wait3A_154 = arith.constant 0 : i32
        %dma_wait3A_155 = arith.constant 0 : i32
        %dma_wait3A_156 = tpu.memref_slice %dma_wait3A_153[%dma_wait3A_154, %dma_wait3A_155] : memref<80x128xf32, #tpu.memory_space<vmem>> -> memref<16x128xf32, #tpu.memory_space<vmem>>
        %dma_wait3A_157 = arith.constant 9984 : i32
        %dma_wait3A_158 = arith.constant 0 : i32
        %dma_wait3A_159 = tpu.memref_slice %arg7[%dma_wait3A_157, %dma_wait3A_158] : memref<10000x128xf32, #tpu.memory_space<vmem_shared>> -> memref<16x128xf32, #tpu.memory_space<vmem_shared>>
        %dma_wait3A_160 = arith.constant 9984 : i32
        %dma_wait3A_161 = arith.constant 0 : i32
        %dma_wait3A_162 = tpu.memref_slice %arg7[%dma_wait3A_160, %dma_wait3A_161] : memref<10000x128xf32, #tpu.memory_space<vmem_shared>> -> memref<16x128xf32, #tpu.memory_space<vmem_shared>>
        %dma_wait3A_163 = arith.constant 0 : i32
        %dma_wait3A_164 = arith.constant 0 : i32
        %dma_wait3A_165 = tpu.memref_slice %arg6[%run_scoped3A_128, %dma_wait3A_163, %dma_wait3A_164] : memref<3x80x128xf32, #tpu.memory_space<vmem>> -> memref<1x80x128xf32, #tpu.memory_space<vmem>>
        %dma_wait3A_166 = tpu.memref_squeeze %dma_wait3A_165 : memref<1x80x128xf32, #tpu.memory_space<vmem>> -> memref<80x128xf32, #tpu.memory_space<vmem>>
        %dma_wait3A_167 = arith.constant 0 : i32
        %dma_wait3A_168 = arith.constant 0 : i32
        %dma_wait3A_169 = tpu.memref_slice %dma_wait3A_166[%dma_wait3A_167, %dma_wait3A_168] : memref<80x128xf32, #tpu.memory_space<vmem>> -> memref<16x128xf32, #tpu.memory_space<vmem>>
        tpu.wait_dma2 semaphore(%run_scoped3A_129 : memref<!tpu.dma_semaphore, #tpu.memory_space<semaphore_mem>>) src(%dma_wait3A_169 : memref<16x128xf32, #tpu.memory_space<vmem>>) dst(%dma_wait3A_162 : memref<16x128xf32, #tpu.memory_space<vmem_shared>>)
        tpu.yield
      }) : () -> ()
    } else {
    }
    %barrier3A = arith.constant 0 : index
    tpu.barrier barrier_id(%barrier3A)
    %scan3A_56 = arith.constant 0 : i32
    %scan3A_57 = arith.constant 1 : i32
    %scan3A_58 = arith.constant 0 : i32
    %scan3A_59 = arith.constant 125 : i32
    %scan3A_60 = arith.addi %scan3A_58, %scan3A_59 : i32
    %scan3A_61 = arith.constant 1 : i32
    scf.for %scan3A_128 = %scan3A_58 to %scan3A_60 step %scan3A_61  : i32 {
      %mul3A_129 = arith.constant 1 : i32
      %mul3A_130 = arith.muli %scan3A_128, %mul3A_129 : i32
      %add3A_131 = arith.constant 0 : i32
      %add3A_132 = arith.addi %add3A_131, %mul3A_130 : i32
      %rem3A = arith.constant 3 : i32
      %rem3A_133 = arith.remsi %add3A_132, %rem3A : i32
      %dma_wait3A_134 = arith.constant 0 : i32
      %dma_wait3A_135 = arith.constant 0 : i32
      %dma_wait3A_136 = tpu.memref_slice %arg6[%rem3A_133, %dma_wait3A_134, %dma_wait3A_135] : memref<3x80x128xf32, #tpu.memory_space<vmem>> -> memref<1x80x128xf32, #tpu.memory_space<vmem>>
      %dma_wait3A_137 = tpu.memref_squeeze %dma_wait3A_136 : memref<1x80x128xf32, #tpu.memory_space<vmem>> -> memref<80x128xf32, #tpu.memory_space<vmem>>
      %dma_wait3A_138 = arith.constant 0 : i32
      %dma_wait3A_139 = arith.constant 0 : i32
      %dma_wait3A_140 = tpu.memref_slice %arg5[%scan3A_56, %dma_wait3A_138, %dma_wait3A_139] : memref<2x125x80xi32, #tpu.memory_space<vmem>> -> memref<1x125x80xi32, #tpu.memory_space<vmem>>
      %dma_wait3A_141 = tpu.memref_squeeze %dma_wait3A_140 : memref<1x125x80xi32, #tpu.memory_space<vmem>> -> memref<125x80xi32, #tpu.memory_space<vmem>>
      %dma_wait3A_142 = arith.constant 0 : i32
      %dma_wait3A_143 = tpu.memref_slice %dma_wait3A_141[%add3A_132, %dma_wait3A_142] : memref<125x80xi32, #tpu.memory_space<vmem>> -> memref<1x80xi32, #tpu.memory_space<vmem>>
      %dma_wait3A_144 = tpu.memref_squeeze %dma_wait3A_143 : memref<1x80xi32, #tpu.memory_space<vmem>> -> memref<80xi32, #tpu.memory_space<vmem>>
      %dma_wait3A_145 = arith.constant 0 : i32
      %dma_wait3A_146 = arith.constant 0 : i32
      %dma_wait3A_147 = tpu.memref_slice %arg2[%dma_wait3A_145, %dma_wait3A_146] : memref<10000x128xf32, #tpu.memory_space<hbm>> -> memref<10000x128xf32, #tpu.memory_space<hbm>>
      %dma_wait3A_148 = tpu.memref_slice %arg8[%rem3A_133] : memref<3x!tpu.dma_semaphore, #tpu.memory_space<semaphore_mem>> -> memref<1x!tpu.dma_semaphore, #tpu.memory_space<semaphore_mem>>
      %dma_wait3A_149 = tpu.memref_squeeze %dma_wait3A_148 : memref<1x!tpu.dma_semaphore, #tpu.memory_space<semaphore_mem>> -> memref<!tpu.dma_semaphore, #tpu.memory_space<semaphore_mem>>
      tpu.wait_indirect_dma semaphore(%dma_wait3A_149 : memref<!tpu.dma_semaphore, #tpu.memory_space<semaphore_mem>>) src(%dma_wait3A_147 : memref<10000x128xf32, #tpu.memory_space<hbm>>) dst(%dma_wait3A_137 : memref<80x128xf32, #tpu.memory_space<vmem>>)
      %dma_start3A_150 = arith.constant 0 : i32
      %dma_start3A_151 = arith.constant 0 : i32
      %dma_start3A_152 = tpu.memref_slice %arg6[%rem3A_133, %dma_start3A_150, %dma_start3A_151] : memref<3x80x128xf32, #tpu.memory_space<vmem>> -> memref<1x80x128xf32, #tpu.memory_space<vmem>>
      %dma_start3A_153 = tpu.memref_squeeze %dma_start3A_152 : memref<1x80x128xf32, #tpu.memory_space<vmem>> -> memref<80x128xf32, #tpu.memory_space<vmem>>
      %dma_start3A_154 = arith.constant 0 : i32
      %dma_start3A_155 = arith.constant 0 : i32
      %dma_start3A_156 = tpu.memref_slice %arg5[%scan3A_57, %dma_start3A_154, %dma_start3A_155] : memref<2x125x80xi32, #tpu.memory_space<vmem>> -> memref<1x125x80xi32, #tpu.memory_space<vmem>>
      %dma_start3A_157 = tpu.memref_squeeze %dma_start3A_156 : memref<1x125x80xi32, #tpu.memory_space<vmem>> -> memref<125x80xi32, #tpu.memory_space<vmem>>
      %dma_start3A_158 = arith.constant 0 : i32
      %dma_start3A_159 = tpu.memref_slice %dma_start3A_157[%add3A_132, %dma_start3A_158] : memref<125x80xi32, #tpu.memory_space<vmem>> -> memref<1x80xi32, #tpu.memory_space<vmem>>
      %dma_start3A_160 = tpu.memref_squeeze %dma_start3A_159 : memref<1x80xi32, #tpu.memory_space<vmem>> -> memref<80xi32, #tpu.memory_space<vmem>>
      %dma_start3A_161 = arith.constant 0 : i32
      %dma_start3A_162 = arith.constant 0 : i32
      %dma_start3A_163 = tpu.memref_slice %arg7[%dma_start3A_161, %dma_start3A_162] : memref<10000x128xf32, #tpu.memory_space<vmem_shared>> -> memref<10000x128xf32, #tpu.memory_space<vmem_shared>>
      %dma_start3A_164 = tpu.memref_slice %arg9[%rem3A_133] : memref<3x!tpu.dma_semaphore, #tpu.memory_space<semaphore_mem>> -> memref<1x!tpu.dma_semaphore, #tpu.memory_space<semaphore_mem>>
      %dma_start3A_165 = tpu.memref_squeeze %dma_start3A_164 : memref<1x!tpu.dma_semaphore, #tpu.memory_space<semaphore_mem>> -> memref<!tpu.dma_semaphore, #tpu.memory_space<semaphore_mem>>
      tpu.enqueue_indirect_dma source(%dma_start3A_153 : memref<80x128xf32, #tpu.memory_space<vmem>>) target(%dma_start3A_163 : memref<10000x128xf32, #tpu.memory_space<vmem_shared>>) offsets(%dma_start3A_160 : memref<80xi32, #tpu.memory_space<vmem>>) semaphore(%dma_start3A_165 : memref<!tpu.dma_semaphore, #tpu.memory_space<semaphore_mem>>) {add = true}
      %add3A_166 = arith.constant 2 : i32
      %add3A_167 = arith.addi %add3A_132, %add3A_166 : i32
      %rem3A_168 = arith.constant 3 : i32
      %rem3A_169 = arith.remsi %add3A_167, %rem3A_168 : i32
      %add3A_170 = arith.constant 2 : i32
      %add3A_171 = arith.addi %add3A_132, %add3A_170 : i32
      %lt3A = arith.constant 125 : i32
      %lt3A_172 = arith.cmpi slt, %add3A_171, %lt3A : i32
      %convert_element_type3A_173 = arith.extui %lt3A_172 : i1 to i32
      %cond3A_174 = arith.constant 0 : i32
      %cond3A_175 = arith.cmpi ne, %convert_element_type3A_173, %cond3A_174 : i32
      scf.if %cond3A_175 {
        %gt3A = arith.constant 0 : i32
        %gt3A_176 = arith.cmpi sgt, %add3A_132, %gt3A : i32
        %convert_element_type3A_177 = arith.extui %gt3A_176 : i1 to i32
        %cond3A_178 = arith.constant 0 : i32
        %cond3A_179 = arith.cmpi ne, %convert_element_type3A_177, %cond3A_178 : i32
        scf.if %cond3A_179 {
          %dma_wait3A_198 = arith.constant 0 : i32
          %dma_wait3A_199 = arith.constant 0 : i32
          %dma_wait3A_200 = tpu.memref_slice %arg6[%rem3A_169, %dma_wait3A_198, %dma_wait3A_199] : memref<3x80x128xf32, #tpu.memory_space<vmem>> -> memref<1x80x128xf32, #tpu.memory_space<vmem>>
          %dma_wait3A_201 = tpu.memref_squeeze %dma_wait3A_200 : memref<1x80x128xf32, #tpu.memory_space<vmem>> -> memref<80x128xf32, #tpu.memory_space<vmem>>
          %dma_wait3A_202 = arith.constant 0 : i32
          %dma_wait3A_203 = arith.constant 0 : i32
          %dma_wait3A_204 = tpu.memref_slice %arg5[%scan3A_57, %dma_wait3A_202, %dma_wait3A_203] : memref<2x125x80xi32, #tpu.memory_space<vmem>> -> memref<1x125x80xi32, #tpu.memory_space<vmem>>
          %dma_wait3A_205 = tpu.memref_squeeze %dma_wait3A_204 : memref<1x125x80xi32, #tpu.memory_space<vmem>> -> memref<125x80xi32, #tpu.memory_space<vmem>>
          %dma_wait3A_206 = arith.constant 0 : i32
          %dma_wait3A_207 = tpu.memref_slice %dma_wait3A_205[%add3A_132, %dma_wait3A_206] : memref<125x80xi32, #tpu.memory_space<vmem>> -> memref<1x80xi32, #tpu.memory_space<vmem>>
          %dma_wait3A_208 = tpu.memref_squeeze %dma_wait3A_207 : memref<1x80xi32, #tpu.memory_space<vmem>> -> memref<80xi32, #tpu.memory_space<vmem>>
          %dma_wait3A_209 = arith.constant 0 : i32
          %dma_wait3A_210 = arith.constant 0 : i32
          %dma_wait3A_211 = tpu.memref_slice %arg7[%dma_wait3A_209, %dma_wait3A_210] : memref<10000x128xf32, #tpu.memory_space<vmem_shared>> -> memref<10000x128xf32, #tpu.memory_space<vmem_shared>>
          %dma_wait3A_212 = tpu.memref_slice %arg9[%rem3A_169] : memref<3x!tpu.dma_semaphore, #tpu.memory_space<semaphore_mem>> -> memref<1x!tpu.dma_semaphore, #tpu.memory_space<semaphore_mem>>
          %dma_wait3A_213 = tpu.memref_squeeze %dma_wait3A_212 : memref<1x!tpu.dma_semaphore, #tpu.memory_space<semaphore_mem>> -> memref<!tpu.dma_semaphore, #tpu.memory_space<semaphore_mem>>
          tpu.wait_indirect_dma semaphore(%dma_wait3A_213 : memref<!tpu.dma_semaphore, #tpu.memory_space<semaphore_mem>>) src(%dma_wait3A_201 : memref<80x128xf32, #tpu.memory_space<vmem>>) dst(%dma_wait3A_211 : memref<10000x128xf32, #tpu.memory_space<vmem_shared>>)
        } else {
        }
        %add3A_180 = arith.constant 2 : i32
        %add3A_181 = arith.addi %add3A_132, %add3A_180 : i32
        %dma_start3A_182 = arith.constant 0 : i32
        %dma_start3A_183 = arith.constant 0 : i32
        %dma_start3A_184 = tpu.memref_slice %arg6[%rem3A_169, %dma_start3A_182, %dma_start3A_183] : memref<3x80x128xf32, #tpu.memory_space<vmem>> -> memref<1x80x128xf32, #tpu.memory_space<vmem>>
        %dma_start3A_185 = tpu.memref_squeeze %dma_start3A_184 : memref<1x80x128xf32, #tpu.memory_space<vmem>> -> memref<80x128xf32, #tpu.memory_space<vmem>>
        %dma_start3A_186 = arith.constant 0 : i32
        %dma_start3A_187 = arith.constant 0 : i32
        %dma_start3A_188 = tpu.memref_slice %arg5[%scan3A_56, %dma_start3A_186, %dma_start3A_187] : memref<2x125x80xi32, #tpu.memory_space<vmem>> -> memref<1x125x80xi32, #tpu.memory_space<vmem>>
        %dma_start3A_189 = tpu.memref_squeeze %dma_start3A_188 : memref<1x125x80xi32, #tpu.memory_space<vmem>> -> memref<125x80xi32, #tpu.memory_space<vmem>>
        %dma_start3A_190 = arith.constant 0 : i32
        %dma_start3A_191 = tpu.memref_slice %dma_start3A_189[%add3A_181, %dma_start3A_190] : memref<125x80xi32, #tpu.memory_space<vmem>> -> memref<1x80xi32, #tpu.memory_space<vmem>>
        %dma_start3A_192 = tpu.memref_squeeze %dma_start3A_191 : memref<1x80xi32, #tpu.memory_space<vmem>> -> memref<80xi32, #tpu.memory_space<vmem>>
        %dma_start3A_193 = arith.constant 0 : i32
        %dma_start3A_194 = arith.constant 0 : i32
        %dma_start3A_195 = tpu.memref_slice %arg2[%dma_start3A_193, %dma_start3A_194] : memref<10000x128xf32, #tpu.memory_space<hbm>> -> memref<10000x128xf32, #tpu.memory_space<hbm>>
        %dma_start3A_196 = tpu.memref_slice %arg8[%rem3A_169] : memref<3x!tpu.dma_semaphore, #tpu.memory_space<semaphore_mem>> -> memref<1x!tpu.dma_semaphore, #tpu.memory_space<semaphore_mem>>
        %dma_start3A_197 = tpu.memref_squeeze %dma_start3A_196 : memref<1x!tpu.dma_semaphore, #tpu.memory_space<semaphore_mem>> -> memref<!tpu.dma_semaphore, #tpu.memory_space<semaphore_mem>>
        tpu.enqueue_indirect_dma source(%dma_start3A_195 : memref<10000x128xf32, #tpu.memory_space<hbm>>) target(%dma_start3A_185 : memref<80x128xf32, #tpu.memory_space<vmem>>) offsets(%dma_start3A_192 : memref<80xi32, #tpu.memory_space<vmem>>) semaphore(%dma_start3A_197 : memref<!tpu.dma_semaphore, #tpu.memory_space<semaphore_mem>>)
      } else {
      }
    }
    %scan3A_62 = arith.constant 125 : i32
    %dma_wait3A = arith.constant 0 : i32
    %dma_wait3A_63 = arith.constant 1 : i32
    %dma_wait3A_64 = arith.constant 0 : i32
    %dma_wait3A_65 = arith.constant 0 : i32
    %dma_wait3A_66 = arith.constant 0 : i32
    %dma_wait3A_67 = arith.constant 0 : i32
    %dma_wait3A_68 = tpu.memref_slice %arg6[%dma_wait3A, %dma_wait3A_66, %dma_wait3A_67] : memref<3x80x128xf32, #tpu.memory_space<vmem>> -> memref<1x80x128xf32, #tpu.memory_space<vmem>>
    %dma_wait3A_69 = tpu.memref_squeeze %dma_wait3A_68 : memref<1x80x128xf32, #tpu.memory_space<vmem>> -> memref<80x128xf32, #tpu.memory_space<vmem>>
    %dma_wait3A_70 = arith.constant 0 : i32
    %dma_wait3A_71 = arith.constant 0 : i32
    %dma_wait3A_72 = tpu.memref_slice %arg5[%dma_wait3A_63, %dma_wait3A_70, %dma_wait3A_71] : memref<2x125x80xi32, #tpu.memory_space<vmem>> -> memref<1x125x80xi32, #tpu.memory_space<vmem>>
    %dma_wait3A_73 = tpu.memref_squeeze %dma_wait3A_72 : memref<1x125x80xi32, #tpu.memory_space<vmem>> -> memref<125x80xi32, #tpu.memory_space<vmem>>
    %dma_wait3A_74 = arith.constant 0 : i32
    %dma_wait3A_75 = tpu.memref_slice %dma_wait3A_73[%dma_wait3A_64, %dma_wait3A_74] : memref<125x80xi32, #tpu.memory_space<vmem>> -> memref<1x80xi32, #tpu.memory_space<vmem>>
    %dma_wait3A_76 = tpu.memref_squeeze %dma_wait3A_75 : memref<1x80xi32, #tpu.memory_space<vmem>> -> memref<80xi32, #tpu.memory_space<vmem>>
    %dma_wait3A_77 = arith.constant 0 : i32
    %dma_wait3A_78 = arith.constant 0 : i32
    %dma_wait3A_79 = tpu.memref_slice %arg7[%dma_wait3A_77, %dma_wait3A_78] : memref<10000x128xf32, #tpu.memory_space<vmem_shared>> -> memref<10000x128xf32, #tpu.memory_space<vmem_shared>>
    %dma_wait3A_80 = tpu.memref_slice %arg9[%dma_wait3A_65] : memref<3x!tpu.dma_semaphore, #tpu.memory_space<semaphore_mem>> -> memref<1x!tpu.dma_semaphore, #tpu.memory_space<semaphore_mem>>
    %dma_wait3A_81 = tpu.memref_squeeze %dma_wait3A_80 : memref<1x!tpu.dma_semaphore, #tpu.memory_space<semaphore_mem>> -> memref<!tpu.dma_semaphore, #tpu.memory_space<semaphore_mem>>
    tpu.wait_indirect_dma semaphore(%dma_wait3A_81 : memref<!tpu.dma_semaphore, #tpu.memory_space<semaphore_mem>>) src(%dma_wait3A_69 : memref<80x128xf32, #tpu.memory_space<vmem>>) dst(%dma_wait3A_79 : memref<10000x128xf32, #tpu.memory_space<vmem_shared>>)
    %dma_wait3A_82 = arith.constant 1 : i32
    %dma_wait3A_83 = arith.constant 1 : i32
    %dma_wait3A_84 = arith.constant 0 : i32
    %dma_wait3A_85 = arith.constant 1 : i32
    %dma_wait3A_86 = arith.constant 0 : i32
    %dma_wait3A_87 = arith.constant 0 : i32
    %dma_wait3A_88 = tpu.memref_slice %arg6[%dma_wait3A_82, %dma_wait3A_86, %dma_wait3A_87] : memref<3x80x128xf32, #tpu.memory_space<vmem>> -> memref<1x80x128xf32, #tpu.memory_space<vmem>>
    %dma_wait3A_89 = tpu.memref_squeeze %dma_wait3A_88 : memref<1x80x128xf32, #tpu.memory_space<vmem>> -> memref<80x128xf32, #tpu.memory_space<vmem>>
    %dma_wait3A_90 = arith.constant 0 : i32
    %dma_wait3A_91 = arith.constant 0 : i32
    %dma_wait3A_92 = tpu.memref_slice %arg5[%dma_wait3A_83, %dma_wait3A_90, %dma_wait3A_91] : memref<2x125x80xi32, #tpu.memory_space<vmem>> -> memref<1x125x80xi32, #tpu.memory_space<vmem>>
    %dma_wait3A_93 = tpu.memref_squeeze %dma_wait3A_92 : memref<1x125x80xi32, #tpu.memory_space<vmem>> -> memref<125x80xi32, #tpu.memory_space<vmem>>
    %dma_wait3A_94 = arith.constant 0 : i32
    %dma_wait3A_95 = tpu.memref_slice %dma_wait3A_93[%dma_wait3A_84, %dma_wait3A_94] : memref<125x80xi32, #tpu.memory_space<vmem>> -> memref<1x80xi32, #tpu.memory_space<vmem>>
    %dma_wait3A_96 = tpu.memref_squeeze %dma_wait3A_95 : memref<1x80xi32, #tpu.memory_space<vmem>> -> memref<80xi32, #tpu.memory_space<vmem>>
    %dma_wait3A_97 = arith.constant 0 : i32
    %dma_wait3A_98 = arith.constant 0 : i32
    %dma_wait3A_99 = tpu.memref_slice %arg7[%dma_wait3A_97, %dma_wait3A_98] : memref<10000x128xf32, #tpu.memory_space<vmem_shared>> -> memref<10000x128xf32, #tpu.memory_space<vmem_shared>>
    %dma_wait3A_100 = tpu.memref_slice %arg9[%dma_wait3A_85] : memref<3x!tpu.dma_semaphore, #tpu.memory_space<semaphore_mem>> -> memref<1x!tpu.dma_semaphore, #tpu.memory_space<semaphore_mem>>
    %dma_wait3A_101 = tpu.memref_squeeze %dma_wait3A_100 : memref<1x!tpu.dma_semaphore, #tpu.memory_space<semaphore_mem>> -> memref<!tpu.dma_semaphore, #tpu.memory_space<semaphore_mem>>
    tpu.wait_indirect_dma semaphore(%dma_wait3A_101 : memref<!tpu.dma_semaphore, #tpu.memory_space<semaphore_mem>>) src(%dma_wait3A_89 : memref<80x128xf32, #tpu.memory_space<vmem>>) dst(%dma_wait3A_99 : memref<10000x128xf32, #tpu.memory_space<vmem_shared>>)
    %dma_wait3A_102 = arith.constant 2 : i32
    %dma_wait3A_103 = arith.constant 1 : i32
    %dma_wait3A_104 = arith.constant 0 : i32
    %dma_wait3A_105 = arith.constant 2 : i32
    %dma_wait3A_106 = arith.constant 0 : i32
    %dma_wait3A_107 = arith.constant 0 : i32
    %dma_wait3A_108 = tpu.memref_slice %arg6[%dma_wait3A_102, %dma_wait3A_106, %dma_wait3A_107] : memref<3x80x128xf32, #tpu.memory_space<vmem>> -> memref<1x80x128xf32, #tpu.memory_space<vmem>>
    %dma_wait3A_109 = tpu.memref_squeeze %dma_wait3A_108 : memref<1x80x128xf32, #tpu.memory_space<vmem>> -> memref<80x128xf32, #tpu.memory_space<vmem>>
    %dma_wait3A_110 = arith.constant 0 : i32
    %dma_wait3A_111 = arith.constant 0 : i32
    %dma_wait3A_112 = tpu.memref_slice %arg5[%dma_wait3A_103, %dma_wait3A_110, %dma_wait3A_111] : memref<2x125x80xi32, #tpu.memory_space<vmem>> -> memref<1x125x80xi32, #tpu.memory_space<vmem>>
    %dma_wait3A_113 = tpu.memref_squeeze %dma_wait3A_112 : memref<1x125x80xi32, #tpu.memory_space<vmem>> -> memref<125x80xi32, #tpu.memory_space<vmem>>
    %dma_wait3A_114 = arith.constant 0 : i32
    %dma_wait3A_115 = tpu.memref_slice %dma_wait3A_113[%dma_wait3A_104, %dma_wait3A_114] : memref<125x80xi32, #tpu.memory_space<vmem>> -> memref<1x80xi32, #tpu.memory_space<vmem>>
    %dma_wait3A_116 = tpu.memref_squeeze %dma_wait3A_115 : memref<1x80xi32, #tpu.memory_space<vmem>> -> memref<80xi32, #tpu.memory_space<vmem>>
    %dma_wait3A_117 = arith.constant 0 : i32
    %dma_wait3A_118 = arith.constant 0 : i32
    %dma_wait3A_119 = tpu.memref_slice %arg7[%dma_wait3A_117, %dma_wait3A_118] : memref<10000x128xf32, #tpu.memory_space<vmem_shared>> -> memref<10000x128xf32, #tpu.memory_space<vmem_shared>>
    %dma_wait3A_120 = tpu.memref_slice %arg9[%dma_wait3A_105] : memref<3x!tpu.dma_semaphore, #tpu.memory_space<semaphore_mem>> -> memref<1x!tpu.dma_semaphore, #tpu.memory_space<semaphore_mem>>
    %dma_wait3A_121 = tpu.memref_squeeze %dma_wait3A_120 : memref<1x!tpu.dma_semaphore, #tpu.memory_space<semaphore_mem>> -> memref<!tpu.dma_semaphore, #tpu.memory_space<semaphore_mem>>
    tpu.wait_indirect_dma semaphore(%dma_wait3A_121 : memref<!tpu.dma_semaphore, #tpu.memory_space<semaphore_mem>>) src(%dma_wait3A_109 : memref<80x128xf32, #tpu.memory_space<vmem>>) dst(%dma_wait3A_119 : memref<10000x128xf32, #tpu.memory_space<vmem_shared>>)
    %barrier3A_122 = arith.constant 0 : index
    tpu.barrier barrier_id(%barrier3A_122)
    "tpu.region"() ({
      %run_scoped3A_128 = tpu.sem_alloc : memref<!tpu.dma_semaphore, #tpu.memory_space<semaphore_mem>>
      %dma_start3A_129 = arith.constant 0 : i32
      %dma_start3A_130 = tpu.memref_slice %arg4[%arg0, %multiple_of3A, %dma_start3A_129] : memref<2x10000x128xf32, #tpu.memory_space<hbm>> -> memref<1x624x128xf32, #tpu.memory_space<hbm>>
      %dma_start3A_131 = tpu.memref_squeeze %dma_start3A_130 : memref<1x624x128xf32, #tpu.memory_space<hbm>> -> memref<624x128xf32, #tpu.memory_space<hbm>>
      %dma_start3A_132 = arith.constant 0 : i32
      %dma_start3A_133 = tpu.memref_slice %arg7[%multiple_of3A, %dma_start3A_132] : memref<10000x128xf32, #tpu.memory_space<vmem_shared>> -> memref<624x128xf32, #tpu.memory_space<vmem_shared>>
      tpu.enqueue_dma source(%dma_start3A_133 : memref<624x128xf32, #tpu.memory_space<vmem_shared>>) target(%dma_start3A_131 : memref<624x128xf32, #tpu.memory_space<hbm>>) target_semaphore(%run_scoped3A_128 : memref<!tpu.dma_semaphore, #tpu.memory_space<semaphore_mem>>)
      %dma_wait3A_134 = arith.constant 0 : i32
      %dma_wait3A_135 = tpu.memref_slice %arg4[%arg0, %multiple_of3A, %dma_wait3A_134] : memref<2x10000x128xf32, #tpu.memory_space<hbm>> -> memref<1x624x128xf32, #tpu.memory_space<hbm>>
      %dma_wait3A_136 = tpu.memref_squeeze %dma_wait3A_135 : memref<1x624x128xf32, #tpu.memory_space<hbm>> -> memref<624x128xf32, #tpu.memory_space<hbm>>
      %dma_wait3A_137 = arith.constant 0 : i32
      %dma_wait3A_138 = tpu.memref_slice %arg7[%multiple_of3A, %dma_wait3A_137] : memref<10000x128xf32, #tpu.memory_space<vmem_shared>> -> memref<624x128xf32, #tpu.memory_space<vmem_shared>>
      tpu.wait_dma2 semaphore(%run_scoped3A_128 : memref<!tpu.dma_semaphore, #tpu.memory_space<semaphore_mem>>) src(%dma_wait3A_138 : memref<624x128xf32, #tpu.memory_space<vmem_shared>>) dst(%dma_wait3A_136 : memref<624x128xf32, #tpu.memory_space<hbm>>)
      tpu.yield
    }) : () -> ()
    %eq3A_123 = arith.constant 15 : i32
    %eq3A_124 = arith.cmpi eq, %arg1, %eq3A_123 : i32
    %convert_element_type3A_125 = arith.extui %eq3A_124 : i1 to i32
    %cond3A_126 = arith.constant 0 : i32
    %cond3A_127 = arith.cmpi ne, %convert_element_type3A_125, %cond3A_126 : i32
    scf.if %cond3A_127 {
      "tpu.region"() ({
        %run_scoped3A_128 = tpu.sem_alloc : memref<!tpu.dma_semaphore, #tpu.memory_space<semaphore_mem>>
        %dma_start3A_129 = arith.constant 9984 : i32
        %dma_start3A_130 = arith.constant 0 : i32
        %dma_start3A_131 = tpu.memref_slice %arg4[%arg0, %dma_start3A_129, %dma_start3A_130] : memref<2x10000x128xf32, #tpu.memory_space<hbm>> -> memref<1x16x128xf32, #tpu.memory_space<hbm>>
        %dma_start3A_132 = tpu.memref_squeeze %dma_start3A_131 : memref<1x16x128xf32, #tpu.memory_space<hbm>> -> memref<16x128xf32, #tpu.memory_space<hbm>>
        %dma_start3A_133 = arith.constant 9984 : i32
        %dma_start3A_134 = arith.constant 0 : i32
        %dma_start3A_135 = tpu.memref_slice %arg7[%dma_start3A_133, %dma_start3A_134] : memref<10000x128xf32, #tpu.memory_space<vmem_shared>> -> memref<16x128xf32, #tpu.memory_space<vmem_shared>>
        tpu.enqueue_dma source(%dma_start3A_135 : memref<16x128xf32, #tpu.memory_space<vmem_shared>>) target(%dma_start3A_132 : memref<16x128xf32, #tpu.memory_space<hbm>>) target_semaphore(%run_scoped3A_128 : memref<!tpu.dma_semaphore, #tpu.memory_space<semaphore_mem>>)
        %dma_wait3A_136 = arith.constant 9984 : i32
        %dma_wait3A_137 = arith.constant 0 : i32
        %dma_wait3A_138 = tpu.memref_slice %arg4[%arg0, %dma_wait3A_136, %dma_wait3A_137] : memref<2x10000x128xf32, #tpu.memory_space<hbm>> -> memref<1x16x128xf32, #tpu.memory_space<hbm>>
        %dma_wait3A_139 = tpu.memref_squeeze %dma_wait3A_138 : memref<1x16x128xf32, #tpu.memory_space<hbm>> -> memref<16x128xf32, #tpu.memory_space<hbm>>
        %dma_wait3A_140 = arith.constant 9984 : i32
        %dma_wait3A_141 = arith.constant 0 : i32
        %dma_wait3A_142 = tpu.memref_slice %arg7[%dma_wait3A_140, %dma_wait3A_141] : memref<10000x128xf32, #tpu.memory_space<vmem_shared>> -> memref<16x128xf32, #tpu.memory_space<vmem_shared>>
        tpu.wait_dma2 semaphore(%run_scoped3A_128 : memref<!tpu.dma_semaphore, #tpu.memory_space<semaphore_mem>>) src(%dma_wait3A_142 : memref<16x128xf32, #tpu.memory_space<vmem_shared>>) dst(%dma_wait3A_139 : memref<16x128xf32, #tpu.memory_space<hbm>>)
        tpu.yield
      }) : () -> ()
    } else {
    }
    return
  }
}

module attributes {stable_mosaic.version = 14 : i64} {
  func.func @body(%arg0: i32, %arg1: memref<2000x128xf32, #tpu.memory_space<vmem>>, %arg2: memref<2x2000x16xf32, #tpu.memory_space<vmem>>, %arg3: memref<2000x128xf32, #tpu.memory_space<vmem>>, %arg4: memref<2000x1xf32, #tpu.memory_space<vmem>>) attributes {dimension_semantics = [#tpu.dimension_semantics<arbitrary>], iteration_bounds = array<i64: 5>, scalar_prefetch = 0 : i64, scratch_operands = 0 : i64, tpu.core_type = #tpu.core_type<tc>, window_params = [{transform_indices = @transform_0, window_bounds = array<i64: 2000, 128>}, {transform_indices = @transform_1, window_bounds = array<i64: 2, 2000, 16>}, {transform_indices = @transform_2, window_bounds = array<i64: 2000, 128>}, {transform_indices = @transform_3, window_bounds = array<i64: 2000, 1>}]} {
    %get3A = arith.constant 0 : index
    %get3A_0 = arith.constant 0 : index
    %get3A_1 = arith.constant 0 : index
    %get3A_2 = vector.load %arg2[%get3A, %get3A_0, %get3A_1] : memref<2x2000x16xf32, #tpu.memory_space<vmem>>, vector<1x2000x1xf32>
    %get3A_3 = vector.shape_cast %get3A_2 : vector<1x2000x1xf32> to vector<2000x1xf32>
    %get3A_4 = arith.constant 1 : index
    %get3A_5 = arith.constant 0 : index
    %get3A_6 = arith.constant 0 : index
    %get3A_7 = vector.load %arg2[%get3A_4, %get3A_5, %get3A_6] : memref<2x2000x16xf32, #tpu.memory_space<vmem>>, vector<1x2000x1xf32>
    %get3A_8 = vector.shape_cast %get3A_7 : vector<1x2000x1xf32> to vector<2000x1xf32>
    %add3A = arith.addf %get3A_3, %get3A_8 : vector<2000x1xf32>
    %add3A_9 = arith.constant 1.000000e+00 : f32
    %add3A_10 = vector.broadcast %add3A_9 : f32 to vector<2000x1xf32>
    %add3A_11 = arith.addf %add3A, %add3A_10 : vector<2000x1xf32>
    %rsqrt3A = math.rsqrt %add3A_11 : vector<2000x1xf32>
    %get3A_12 = arith.constant 0 : index
    %get3A_13 = arith.constant 0 : index
    %get3A_14 = vector.load %arg1[%get3A_12, %get3A_13] : memref<2000x128xf32, #tpu.memory_space<vmem>>, vector<2000x128xf32>
    %mul3A = vector.broadcast %rsqrt3A : vector<2000x1xf32> to vector<2000x128xf32>
    %mul3A_15 = arith.mulf %get3A_14, %mul3A : vector<2000x128xf32>
    %swap3A = arith.constant 0 : index
    %swap3A_16 = arith.constant 0 : index
    %swap3A_17 = vector.load %arg3[%swap3A, %swap3A_16] : memref<2000x128xf32, #tpu.memory_space<vmem>>, vector<2000x128xf32>
    tpu.vector_store %arg3[%swap3A, %swap3A_16], %mul3A_15 {strides = array<i32>} : memref<2000x128xf32, #tpu.memory_space<vmem>>, vector<2000x128xf32>,
    %swap3A_18 = arith.constant 0 : index
    %swap3A_19 = arith.constant 0 : index
    %swap3A_20 = vector.load %arg4[%swap3A_18, %swap3A_19] : memref<2000x1xf32, #tpu.memory_space<vmem>>, vector<2000x1xf32>
    tpu.vector_store %arg4[%swap3A_18, %swap3A_19], %rsqrt3A {strides = array<i32>} : memref<2000x1xf32, #tpu.memory_space<vmem>>, vector<2000x1xf32>,
    return
  }
  func.func @transform_0(%arg0: i32) -> (i32, i32) {
    %c0_i32 = arith.constant 0 : i32
    %c0_i32_0 = arith.constant 0 : i32
    return %arg0, %c0_i32 : i32, i32
  }
  func.func @transform_1(%arg0: i32) -> (i32, i32, i32) {
    %c0_i32 = arith.constant 0 : i32
    %c0_i32_0 = arith.constant 0 : i32
    %c0_i32_1 = arith.constant 0 : i32
    return %c0_i32, %arg0, %c0_i32_0 : i32, i32, i32
  }
  func.func @transform_2(%arg0: i32) -> (i32, i32) {
    %c0_i32 = arith.constant 0 : i32
    %c0_i32_0 = arith.constant 0 : i32
    return %arg0, %c0_i32 : i32, i32
  }
  func.func @transform_3(%arg0: i32) -> (i32, i32) {
    %c0_i32 = arith.constant 0 : i32
    %c0_i32_0 = arith.constant 0 : i32
    return %arg0, %c0_i32 : i32, i32
  }
}

module attributes {stable_mosaic.version = 14 : i64} {
  func.func @body(%arg0: memref<10000x128xf32, #tpu.memory_space<vmem>>, %arg1: memref<128x128xf32, #tpu.memory_space<vmem>>, %arg2: memref<10000x128xf32, #tpu.memory_space<vmem>>) attributes {dimension_semantics = [], scalar_prefetch = 0 : i64, scratch_operands = 0 : i64, tpu.core_type = #tpu.core_type<tc>} {
    %get3A = arith.constant 0 : index
    %get3A_0 = arith.constant 0 : index
    %get3A_1 = vector.load %arg0[%get3A, %get3A_0] : memref<10000x128xf32, #tpu.memory_space<vmem>>, vector<10000x128xf32>
    %get3A_2 = arith.constant 0 : index
    %get3A_3 = arith.constant 0 : index
    %get3A_4 = vector.load %arg1[%get3A_2, %get3A_3] : memref<128x128xf32, #tpu.memory_space<vmem>>, vector<128x128xf32>
    %dot_general3A = arith.constant dense<0.000000e+00> : vector<10000x128xf32>
    %dot_general3A_5 = tpu.matmul %get3A_1, %get3A_4, %dot_general3A {dimension_numbers = #tpu.dot_dimension_numbers<[1], [0], [0], [1], [0, 0, 1, 1], [], []>, transpose_lhs_hint = false} : vector<10000x128xf32>, vector<128x128xf32>, vector<10000x128xf32> -> vector<10000x128xf32>
    %swap3A = arith.constant 0 : index
    %swap3A_6 = arith.constant 0 : index
    %swap3A_7 = vector.load %arg2[%swap3A, %swap3A_6] : memref<10000x128xf32, #tpu.memory_space<vmem>>, vector<10000x128xf32>
    tpu.vector_store %arg2[%swap3A, %swap3A_6], %dot_general3A_5 {strides = array<i32>} : memref<10000x128xf32, #tpu.memory_space<vmem>>, vector<10000x128xf32>,
    return
  }
}

module attributes {stable_mosaic.version = 14 : i64} {
  func.func @body(%arg0: i32, %arg1: memref<2x2000x128xf32, #tpu.memory_space<vmem>>, %arg2: memref<2000x128xf32, #tpu.memory_space<vmem>>, %arg3: memref<2000x1xf32, #tpu.memory_space<vmem>>, %arg4: memref<1x128xf32, #tpu.memory_space<vmem>>, %arg5: memref<128x128xf32, #tpu.memory_space<vmem>>, %arg6: memref<2000x128xf32, #tpu.memory_space<vmem>>) attributes {dimension_semantics = [#tpu.dimension_semantics<arbitrary>], iteration_bounds = array<i64: 5>, scalar_prefetch = 0 : i64, scratch_operands = 0 : i64, tpu.core_type = #tpu.core_type<tc>, window_params = [{transform_indices = @transform_0, window_bounds = array<i64: 2, 2000, 128>}, {transform_indices = @transform_1, window_bounds = array<i64: 2000, 128>}, {transform_indices = @transform_2, window_bounds = array<i64: 2000, 1>}, {pipeline_mode = #tpu.pipeline_mode<synchronous>, transform_indices = @transform_3, window_bounds = array<i64: 1, 128>}, {pipeline_mode = #tpu.pipeline_mode<synchronous>, transform_indices = @transform_4, window_bounds = array<i64: 128, 128>}, {transform_indices = @transform_5, window_bounds = array<i64: 2000, 128>}]} {
    %get3A = arith.constant 0 : index
    %get3A_0 = arith.constant 0 : index
    %get3A_1 = arith.constant 0 : index
    %get3A_2 = vector.load %arg1[%get3A, %get3A_0, %get3A_1] : memref<2x2000x128xf32, #tpu.memory_space<vmem>>, vector<1x2000x128xf32>
    %get3A_3 = vector.shape_cast %get3A_2 : vector<1x2000x128xf32> to vector<2000x128xf32>
    %get3A_4 = arith.constant 1 : index
    %get3A_5 = arith.constant 0 : index
    %get3A_6 = arith.constant 0 : index
    %get3A_7 = vector.load %arg1[%get3A_4, %get3A_5, %get3A_6] : memref<2x2000x128xf32, #tpu.memory_space<vmem>>, vector<1x2000x128xf32>
    %get3A_8 = vector.shape_cast %get3A_7 : vector<1x2000x128xf32> to vector<2000x128xf32>
    %add3A = arith.addf %get3A_3, %get3A_8 : vector<2000x128xf32>
    %get3A_9 = arith.constant 0 : index
    %get3A_10 = arith.constant 0 : index
    %get3A_11 = vector.load %arg2[%get3A_9, %get3A_10] : memref<2000x128xf32, #tpu.memory_space<vmem>>, vector<2000x128xf32>
    %add3A_12 = arith.addf %add3A, %get3A_11 : vector<2000x128xf32>
    %get3A_13 = arith.constant 0 : index
    %get3A_14 = arith.constant 0 : index
    %get3A_15 = vector.load %arg3[%get3A_13, %get3A_14] : memref<2000x1xf32, #tpu.memory_space<vmem>>, vector<2000x1xf32>
    %mul3A = vector.broadcast %get3A_15 : vector<2000x1xf32> to vector<2000x128xf32>
    %mul3A_16 = arith.mulf %add3A_12, %mul3A : vector<2000x128xf32>
    %get3A_17 = arith.constant 0 : index
    %get3A_18 = arith.constant 0 : index
    %get3A_19 = vector.load %arg4[%get3A_17, %get3A_18] : memref<1x128xf32, #tpu.memory_space<vmem>>, vector<1x128xf32>
    %add3A_20 = vector.broadcast %get3A_19 : vector<1x128xf32> to vector<2000x128xf32>
    %add3A_21 = arith.addf %mul3A_16, %add3A_20 : vector<2000x128xf32>
    %max3A = arith.constant 0.000000e+00 : f32
    %max3A_22 = vector.broadcast %max3A : f32 to vector<2000x128xf32>
    %max3A_23 = arith.maximumf %add3A_21, %max3A_22 : vector<2000x128xf32>
    %get3A_24 = arith.constant 0 : index
    %get3A_25 = arith.constant 0 : index
    %get3A_26 = vector.load %arg5[%get3A_24, %get3A_25] : memref<128x128xf32, #tpu.memory_space<vmem>>, vector<128x128xf32>
    %dot_general3A = arith.constant dense<0.000000e+00> : vector<2000x128xf32>
    %dot_general3A_27 = tpu.matmul %max3A_23, %get3A_26, %dot_general3A {dimension_numbers = #tpu.dot_dimension_numbers<[1], [0], [0], [1], [0, 0, 1, 1], [], []>, transpose_lhs_hint = false} : vector<2000x128xf32>, vector<128x128xf32>, vector<2000x128xf32> -> vector<2000x128xf32>
    %get3A_28 = arith.constant 0 : index
    %get3A_29 = arith.constant 0 : index
    %get3A_30 = vector.load %arg3[%get3A_28, %get3A_29] : memref<2000x1xf32, #tpu.memory_space<vmem>>, vector<2000x1xf32>
    %mul3A_31 = vector.broadcast %get3A_30 : vector<2000x1xf32> to vector<2000x128xf32>
    %mul3A_32 = arith.mulf %dot_general3A_27, %mul3A_31 : vector<2000x128xf32>
    %swap3A = arith.constant 0 : index
    %swap3A_33 = arith.constant 0 : index
    %swap3A_34 = vector.load %arg6[%swap3A, %swap3A_33] : memref<2000x128xf32, #tpu.memory_space<vmem>>, vector<2000x128xf32>
    tpu.vector_store %arg6[%swap3A, %swap3A_33], %mul3A_32 {strides = array<i32>} : memref<2000x128xf32, #tpu.memory_space<vmem>>, vector<2000x128xf32>,
    return
  }
  func.func @transform_0(%arg0: i32) -> (i32, i32, i32) {
    %c0_i32 = arith.constant 0 : i32
    %c0_i32_0 = arith.constant 0 : i32
    %c0_i32_1 = arith.constant 0 : i32
    return %c0_i32, %arg0, %c0_i32_0 : i32, i32, i32
  }
  func.func @transform_1(%arg0: i32) -> (i32, i32) {
    %c0_i32 = arith.constant 0 : i32
    %c0_i32_0 = arith.constant 0 : i32
    return %arg0, %c0_i32 : i32, i32
  }
  func.func @transform_2(%arg0: i32) -> (i32, i32) {
    %c0_i32 = arith.constant 0 : i32
    %c0_i32_0 = arith.constant 0 : i32
    return %arg0, %c0_i32 : i32, i32
  }
  func.func @transform_3(%arg0: i32) -> (i32, i32) {
    %c0_i32 = arith.constant 0 : i32
    %c0_i32_0 = arith.constant 0 : i32
    %c0_i32_1 = arith.constant 0 : i32
    return %c0_i32, %c0_i32_0 : i32, i32
  }
  func.func @transform_4(%arg0: i32) -> (i32, i32) {
    %c0_i32 = arith.constant 0 : i32
    %c0_i32_0 = arith.constant 0 : i32
    %c0_i32_1 = arith.constant 0 : i32
    return %c0_i32, %c0_i32_0 : i32, i32
  }
  func.func @transform_5(%arg0: i32) -> (i32, i32) {
    %c0_i32 = arith.constant 0 : i32
    %c0_i32_0 = arith.constant 0 : i32
    return %arg0, %c0_i32 : i32, i32
  }
}

module attributes {stable_mosaic.version = 14 : i64} {
  func.func @body(%arg0: memref<2x10000x128xf32, #tpu.memory_space<vmem>>, %arg1: memref<10000x128xf32, #tpu.memory_space<vmem>>, %arg2: memref<10000x1xf32, #tpu.memory_space<vmem>>, %arg3: memref<1x128xf32, #tpu.memory_space<vmem>>, %arg4: memref<1x10000xi32, #tpu.memory_space<vmem>>, %arg5: memref<128x128xf32, #tpu.memory_space<vmem>>, %arg6: memref<1x128xf32, #tpu.memory_space<vmem>>, %arg7: memref<128x128xf32, #tpu.memory_space<vmem>>) attributes {dimension_semantics = [], scalar_prefetch = 0 : i64, scratch_operands = 0 : i64, tpu.core_type = #tpu.core_type<tc>} {
    %get3A = arith.constant 0 : index
    %get3A_0 = arith.constant 0 : index
    %get3A_1 = arith.constant 0 : index
    %get3A_2 = vector.load %arg0[%get3A, %get3A_0, %get3A_1] : memref<2x10000x128xf32, #tpu.memory_space<vmem>>, vector<1x10000x128xf32>
    %get3A_3 = vector.shape_cast %get3A_2 : vector<1x10000x128xf32> to vector<10000x128xf32>
    %get3A_4 = arith.constant 1 : index
    %get3A_5 = arith.constant 0 : index
    %get3A_6 = arith.constant 0 : index
    %get3A_7 = vector.load %arg0[%get3A_4, %get3A_5, %get3A_6] : memref<2x10000x128xf32, #tpu.memory_space<vmem>>, vector<1x10000x128xf32>
    %get3A_8 = vector.shape_cast %get3A_7 : vector<1x10000x128xf32> to vector<10000x128xf32>
    %add3A = arith.addf %get3A_3, %get3A_8 : vector<10000x128xf32>
    %get3A_9 = arith.constant 0 : index
    %get3A_10 = arith.constant 0 : index
    %get3A_11 = vector.load %arg1[%get3A_9, %get3A_10] : memref<10000x128xf32, #tpu.memory_space<vmem>>, vector<10000x128xf32>
    %add3A_12 = arith.addf %add3A, %get3A_11 : vector<10000x128xf32>
    %get3A_13 = arith.constant 0 : index
    %get3A_14 = arith.constant 0 : index
    %get3A_15 = vector.load %arg2[%get3A_13, %get3A_14] : memref<10000x1xf32, #tpu.memory_space<vmem>>, vector<10000x1xf32>
    %mul3A = vector.broadcast %get3A_15 : vector<10000x1xf32> to vector<10000x128xf32>
    %mul3A_16 = arith.mulf %add3A_12, %mul3A : vector<10000x128xf32>
    %get3A_17 = arith.constant 0 : index
    %get3A_18 = arith.constant 0 : index
    %get3A_19 = vector.load %arg3[%get3A_17, %get3A_18] : memref<1x128xf32, #tpu.memory_space<vmem>>, vector<1x128xf32>
    %add3A_20 = vector.broadcast %get3A_19 : vector<1x128xf32> to vector<10000x128xf32>
    %add3A_21 = arith.addf %mul3A_16, %add3A_20 : vector<10000x128xf32>
    %iota3A = tpu.iota {dimensions = array<i32: 0>} : vector<128x1xi32>
    %get3A_22 = arith.constant 0 : index
    %get3A_23 = arith.constant 0 : index
    %get3A_24 = vector.load %arg4[%get3A_22, %get3A_23] : memref<1x10000xi32, #tpu.memory_space<vmem>>, vector<1x10000xi32>
    %eq3A = vector.broadcast %get3A_24 : vector<1x10000xi32> to vector<128x10000xi32>
    %eq3A_25 = vector.broadcast %iota3A : vector<128x1xi32> to vector<128x10000xi32>
    %eq3A_26 = arith.cmpi eq, %eq3A, %eq3A_25 : vector<128x10000xi32>
    %convert_element_type3A = arith.extui %eq3A_26 : vector<128x10000xi1> to vector<128x10000xi32>
    %convert_element_type3A_27 = arith.sitofp %convert_element_type3A : vector<128x10000xi32> to vector<128x10000xf32>
    %dot_general3A = arith.constant dense<0.000000e+00> : vector<128x128xf32>
    %dot_general3A_28 = tpu.matmul %convert_element_type3A_27, %add3A_21, %dot_general3A {dimension_numbers = #tpu.dot_dimension_numbers<[1], [0], [0], [1], [0, 0, 1, 1], [], []>, transpose_lhs_hint = false} : vector<128x10000xf32>, vector<10000x128xf32>, vector<128x128xf32> -> vector<128x128xf32>
    %broadcast_in_dim3A = arith.constant 1.000000e+00 : f32
    %broadcast_in_dim3A_29 = vector.broadcast %broadcast_in_dim3A : f32 to vector<10000x1xf32>
    %dot_general3A_30 = arith.constant dense<0.000000e+00> : vector<128x1xf32>
    %dot_general3A_31 = tpu.matmul %convert_element_type3A_27, %broadcast_in_dim3A_29, %dot_general3A_30 {dimension_numbers = #tpu.dot_dimension_numbers<[1], [0], [0], [1], [0, 0, 1, 1], [], []>, transpose_lhs_hint = false} : vector<128x10000xf32>, vector<10000x1xf32>, vector<128x1xf32> -> vector<128x1xf32>
    %max3A = arith.constant 1.000000e+00 : f32
    %max3A_32 = vector.broadcast %max3A : f32 to vector<128x1xf32>
    %max3A_33 = arith.maximumf %dot_general3A_31, %max3A_32 : vector<128x1xf32>
    %div3A = vector.broadcast %max3A_33 : vector<128x1xf32> to vector<128x128xf32>
    %div3A_34 = arith.divf %dot_general3A_28, %div3A : vector<128x128xf32>
    %get3A_35 = arith.constant 0 : index
    %get3A_36 = arith.constant 0 : index
    %get3A_37 = vector.load %arg5[%get3A_35, %get3A_36] : memref<128x128xf32, #tpu.memory_space<vmem>>, vector<128x128xf32>
    %dot_general3A_38 = arith.constant dense<0.000000e+00> : vector<128x128xf32>
    %dot_general3A_39 = tpu.matmul %div3A_34, %get3A_37, %dot_general3A_38 {dimension_numbers = #tpu.dot_dimension_numbers<[1], [0], [0], [1], [0, 0, 1, 1], [], []>, transpose_lhs_hint = false} : vector<128x128xf32>, vector<128x128xf32>, vector<128x128xf32> -> vector<128x128xf32>
    %get3A_40 = arith.constant 0 : index
    %get3A_41 = arith.constant 0 : index
    %get3A_42 = vector.load %arg6[%get3A_40, %get3A_41] : memref<1x128xf32, #tpu.memory_space<vmem>>, vector<1x128xf32>
    %add3A_43 = vector.broadcast %get3A_42 : vector<1x128xf32> to vector<128x128xf32>
    %add3A_44 = arith.addf %dot_general3A_39, %add3A_43 : vector<128x128xf32>
    %swap3A = arith.constant 0 : index
    %swap3A_45 = arith.constant 0 : index
    %swap3A_46 = vector.load %arg7[%swap3A, %swap3A_45] : memref<128x128xf32, #tpu.memory_space<vmem>>, vector<128x128xf32>
    tpu.vector_store %arg7[%swap3A, %swap3A_45], %add3A_44 {strides = array<i32>} : memref<128x128xf32, #tpu.memory_space<vmem>>, vector<128x128xf32>,
    return
  }
}

</mosaic_0001>

<sc_bundles>
// kernel: kernel.11.cloned.1.call-start
scs
__scs_entry_jumppad:
0x0: {  	(pc) =	sbr.rel $0x88, $3  }
0x1: {  	(tag) =	ssettag $0x0;
	lr =	simm.s32 $0x1  }
0x2: {  	[smem:$0x3F96] =	sst lr;
	_ =	strace $0xD0000000  }
0x3: {  	_ = 	snop  }
0x4: {  	_ = 	snop  }
0x5: {  	_ = 	snop  }
0x6: {  	_ = 	snop  }
0x7: {  	_ = 	snop  }
__scs_overlays_trampoline_lowered:
0x8: {  	[smem:$0x3FA5] =	sst s0  }
0x9: {  	[smem:$0x3FA6] =	sst s1  }
0xa: {  	[smem:$0x3FA7] =	sst s2  }
0xb: {  	[smem:$0x3FA8] =	sst s3  }
0xc: {  	[smem:$0x3FA9] =	sst s4  }
0xd: {  	[smem:$0x3FAA] =	sst s5  }
0xe: {  	[smem:$0x3FAB] =	sst s6  }
0xf: {  	[smem:$0x3FAC] =	sst s7  }
0x10: {  	[smem:$0x3FAD] =	sst s8  }
0x11: {  	[smem:$0x3FAE] =	sst s9;
	s0 =	simm.s32 @!p0 $0x0  }
0x12: {  	s1 =	sld [smem:$0x3F94];
	s0 =	simm.s32 @p0 $0x1  }
0x13: {  	[smem:$0x3FAF] =	sst s0;
	s0 =	simm.s32 @!p1 $0x0  }
0x14: {  	s2 =	sld [smem:$0x3F93];
	s0 =	simm.s32 @p1 $0x1  }
0x15: {  	[smem:$0x3FB0] =	sst s0;
	s0 =	simm.s32 @!p2 $0x0  }
0x16: {  	s3 =	sld [smem:$0x3FDB];
	s0 =	simm.s32 @p2 $0x1  }
0x17: {  	s4 =	simm.s32 $0x1BF5;
	[smem:$0x3FB2] =	sst s0  }
0x18: {  	s0 =	sld [smem:$0x3F95];
	_ =	swait.ge [sflag:s4], $0x0  }
0x19: {  	s7 =	sld [smem:$0x3F96]  }
0x1a: {  	s8 =	sadd.s32 $0xFFFFE003, lr  }
0x1b: {  	s9 =	sadd.s32 $0xFFFFFEF7, lr;
	s5 =	simm.s32 $0xFFFFFFFF;
	p2 =	slt.u32 s8, $0xFFFFF086  }
0x1c: {  	p1 =	slt.u32 s9, $0xF7A;
	s5 =	simm.s32 @!p2 $0x0  }
0x1d: {  	s5 =	simm.s32 @p1 $0x1;
	p0 =	seq.s32 s7, s2  }
0x1e: {  	s7 =	smul.u32 @!p0 $0xF7A, s2;
	p2 =	seq.s32 @!p0 s5, $0x0  }
0x1f: {  	s9 =	smul.u32 $0xF7A, s1;
	s8 =	simm.s32 @!p0 $0x1BF5;
	p2 =	por !p2, p0  }
0x20: {  	[sflag:s8] =	ssyncset.s32 @!p0 $0xFFFFF086;
	s6 =	sadd.s32 @!p0 s3, s7;
	s7 =	simm.s32 @!p0 $0x108  }
0x21: {  	s3 =	sadd.s32 s3, s9;
	s6 =	sadd.s32 @!p0 $0x88, s6;
	s7 =	simm.s32 @p2 $0x1082  }
0x22: {  	[simem:s7], [sflag:s8] =	dma.local @!p0 [hbm:s6], $0xF7A  }
0x23: {  	s9 =	sor.u32 $0xD0000000, s2;
	s6 =	simm.s32 $0x108;
	_ =	swait.ge @!p0 [sflag:s8], $0x0  }
0x24: {  	s3 =	sadd.s32 $0x88, s3;
	s6 =	simm.s32 @!p1 $0x1082;
	[sflag:s4] =	ssyncset.s32 $0xFFFFF086  }
0x25: {  	[simem:s6], [sflag:s4] =	dma.local [hbm:s3], $0xF7A  }
0x26: {  	[smem:$0x3F96] =	sst s1;
	(tag) =	ssettag s2;
	_ =	strace s9  }
0x27: {  	s1 =	sld [smem:$0x3FA6]  }
0x28: {  	s2 =	sld [smem:$0x3FA7]  }
0x29: {  	s4 =	sld [smem:$0x3FA9]  }
0x2a: {  	p0 =	seq.s32 s5, $0x0;
	s5 =	sld [smem:$0x3FAA]  }
0x2b: {  	s6 =	sld [smem:$0x3FAB]  }
0x2c: {  	s7 =	sld [smem:$0x3FAC]  }
0x2d: {  	s3 =	simm.s32 $0x108;
	s8 =	sld [smem:$0x3FAD]  }
0x2e: {  	s3 =	simm.s32 @!p0 $0x1082;
	s9 =	sld [smem:$0x3FAE]  }
0x2f: {  	lr =	sadd.s32 s0, s3;
	s0 =	sld [smem:$0x3FA5]  }
0x30: {  	s3 =	sld [smem:$0x3FA8]  }
0x31: {  	[smem:$0x3FB1] =	sst s10  }
0x32: {  	s10 =	sld [smem:$0x3FAF];
	_ =	sdelay $0x3  }
0x33: {  	p0 =	seq.s32 s10, $0x1;
	s10 =	sld [smem:$0x3FB1];
	_ =	sdelay $0x3  }
0x34: {  	[smem:$0x3FB1] =	sst s10  }
0x35: {  	s10 =	sld [smem:$0x3FB0];
	_ =	sdelay $0x3  }
0x36: {  	p1 =	seq.s32 s10, $0x1;
	s10 =	sld [smem:$0x3FB1];
	_ =	sdelay $0x3  }
0x37: {  	[smem:$0x3FB1] =	sst s10  }
0x38: {  	s10 =	sld [smem:$0x3FB2]  }
0x39: {  	_ = 	snop;
	(pc) =	sbr.ind lr, $3  }
0x3a: {  	_ = 	snop  }
0x3b: {  	_ = 	snop  }
0x3c: {  	p2 =	seq.s32 s10, $0x1;
	s10 =	sld [smem:$0x3FB1]  }
0x3d: {  	_ =	shalt  }
0x3e: {  	_ =	shalt  }
0x3f: {  	_ =	shalt  }
0x40: {  	_ =	shalt  }
0x41: {  	_ =	shalt  }
0x42: {  	_ =	shalt  }
0x43: {  	_ =	shalt  }
0x44: {  	_ =	shalt  }
0x45: {  	_ =	shalt  }
0x46: {  	_ =	shalt  }
0x47: {  	_ =	shalt  }
0x48: {  	_ =	shalt  }
0x49: {  	_ =	shalt  }
0x4a: {  	_ =	shalt  }
0x4b: {  	_ =	shalt  }
0x4c: {  	_ =	shalt  }
0x4d: {  	_ =	shalt  }
0x4e: {  	_ =	shalt  }
0x4f: {  	_ =	shalt  }
0x50: {  	_ =	shalt  }
0x51: {  	_ =	shalt  }
0x52: {  	_ =	shalt  }
0x53: {  	_ =	shalt  }
0x54: {  	_ =	shalt  }
0x55: {  	_ =	shalt  }
0x56: {  	_ =	shalt  }
0x57: {  	_ =	shalt  }
0x58: {  	_ =	shalt  }
0x59: {  	_ =	shalt  }
0x5a: {  	_ =	shalt  }
0x5b: {  	_ =	shalt  }
0x5c: {  	_ =	shalt  }
0x5d: {  	_ =	shalt  }
0x5e: {  	_ =	shalt  }
0x5f: {  	_ =	shalt  }
0x60: {  	_ =	shalt  }
0x61: {  	_ =	shalt  }
0x62: {  	_ =	shalt  }
0x63: {  	_ =	shalt  }
0x64: {  	_ =	shalt  }
0x65: {  	_ =	shalt  }
0x66: {  	_ =	shalt  }
0x67: {  	_ =	shalt  }
0x68: {  	_ =	shalt  }
0x69: {  	_ =	shalt  }
0x6a: {  	_ =	shalt  }
0x6b: {  	_ =	shalt  }
0x6c: {  	_ =	shalt  }
0x6d: {  	_ =	shalt  }
0x6e: {  	_ =	shalt  }
0x6f: {  	_ =	shalt  }
0x70: {  	_ =	shalt  }
0x71: {  	_ =	shalt  }
0x72: {  	_ =	shalt  }
0x73: {  	_ =	shalt  }
0x74: {  	_ =	shalt  }
0x75: {  	_ =	shalt  }
0x76: {  	_ =	shalt  }
0x77: {  	_ =	shalt  }
0x78: {  	_ =	shalt  }
0x79: {  	_ =	shalt  }
0x7a: {  	_ =	shalt  }
0x7b: {  	_ =	shalt  }
0x7c: {  	_ =	shalt  }
0x7d: {  	_ =	shalt  }
0x7e: {  	_ =	shalt  }
0x7f: {  	_ =	shalt  }
0x80: {  	_ =	shalt  }
0x81: {  	_ =	shalt  }
0x82: {  	_ =	shalt  }
0x83: {  	_ =	shalt  }
0x84: {  	_ =	shalt  }
0x85: {  	_ =	shalt  }
0x86: {  	_ =	shalt  }
0x87: {  	_ =	shalt  }
.Lfunc_end0:
.L_simem_size_0:
called_computation_lowered:
.L_overlay_start_0:
0x88: {  	s2 =	sld [smem:$0x3FD9]  }
0x89: {  	s3 =	sld [smem:$0x3FFE];
	_ =	sdelay $0x1  }
0x8a: {  	s1 =	srdreg.scid  }
0x8b: {  	s0 =	sand.u32 $0x1, s1  }
0x8c: {  	s16 =	sshll.u32 s0, $0xA;
	s2 =	sadd.s32 s3, s2  }
0x8d: {  	s2 =	sadd.s32 s2, s16  }
0x8e: {  	[smem:$0x3FBD] =	sst s2  }
0x8f: {  	_ = 	snop  }
0x90: {  	(tm) =	ssettm $0x1  }
0x91: {  	s17 =	sld [smem:$0x3FFB];
	_ =	sdelay $0x3  }
0x92: {  	_ =	strace s17  }
0x93: {  	s2 =	sld [smem:$0x3FFC];
	_ =	sdelay $0x3  }
0x94: {  	_ =	strace s2  }
0x95: {  	s2 =	sld [smem:$0x3FFD];
	_ =	sdelay $0x3  }
0x96: {  	_ =	strace s2  }
0x97: {  	_ =	strace $0x8FFFFFFF  }
0x98: {  	s18 =	sld [smem:$0x3FDB];
	_ =	sdelay $0x1  }
0x99: {  	s19 =	simm.s32 $_scs_section_size  }
0x9a: {  	s4 =	simm.s32 $_size__tile_overlayer_lowered;
	s5 =	simm.s32 $_tile_overlayer_lowered  }
0x9b: {  	s22 =	simm.s32 $0x1BFF;
	s21 =	sshll.u32 s5, $0x1;
	s2 =	sadd.s32 s19, s18  }
0x9c: {  	s6 =	simm.s32 $0x0;
	s20 =	sshll.u32 s4, $0x1;
	s4 =	sadd.s32 s21, s2  }
0x9d: {  	[timem:s6], [sflag:s22] =	dma.local [hbm:s4], s20  }
0x9e: {  	_ =	swait.ge [sflag:s22], s20  }
0x9f: {  	s3 =	ssub.s32 $0x0, s20;
	[sflag:s22] =	ssyncset.done $0x0  }
0xa0: {  	[sflag:s22] =	ssyncadd.s32 s3;
	_ =	sdelay $0x1  }
0xa1: {  	s23 =	simm.s32 $0x1B8B  }
0xa2: {  	_ =	swait.ge [sflag:s23], $0x1  }
0xa3: {  	[sflag:s23] =	ssyncset.done $0x0  }
0xa4: {  	s25 =	simm.s32 $0x1B8E;
	s24 =	sld [smem:$0x3FFE];
	[sflag:s23] =	ssyncadd.s32 $0xFFFFFFFF  }
0xa5: {  	s26 =	simm.s32 $execute0_lowered;
	[smem:$0x3FD2] =	sst s25  }
0xa6: {  	s4 =	sshll.u32 s26, $0x1;
	_ =	strace $0x80000046;
	[dreg:$0x1] =	wrdreg $0xFFFFFFFF  }
0xa7: {  	s28 =	simm.s32 $_size_execute0_lowered;
	s2 =	sadd.s32 s2, s4;
	[dreg:$0x0] =	wrdreg $0x0  }
0xa8: {  	s4 =	sshll.u32 s28, $0x1;
	[dreg:$0x2] =	wrdreg s2  }
0xa9: {  	[dreg:$0x3] =	wrdreg s4  }
0xaa: {  	[dreg:$0x4] =	wrdreg $0xC0  }
0xab: {  	_ =	task [dreg:s6], $0x5FFFF  }
0xac: {  	[dreg:$0x1] =	wrdreg $0xFFFFFFFF  }
0xad: {  	[dreg:$0x0] =	wrdreg $0x60  }
0xae: {  	[dreg:$0x2] =	wrdreg s24  }
0xaf: {  	[dreg:$0x3] =	wrdreg $0x2D100  }
0xb0: {  	[dreg:$0x4] =	wrdreg $0x9  }
0xb1: {  	_ =	task.clear_ibuf [dreg:s6], $0x5FFFF;
	_ =	strace $0x90000046  }
0xb2: {  	s29 =	simm.s32 $0x9;
	_ =	strace $0x80000048  }
0xb3: {  	_ =	swait.ge [sflag:s29], $0x1  }
0xb4: {  	[sflag:s29] =	ssyncadd.s32 $0xFFFFFFFF  }
0xb5: {  	_ =	strace $0x90000048  }
0xb6: {  	_ =	sfence  }
0xb7: {  	s30 =	sld [smem:$0x0];
	_ =	sdelay $0x2  }
0xb8: {  	s31 =	sshll.u32 s1, $0xD;
	s1 =	sshrl.u32 s1, $0x2  }
0xb9: {  	s3 =	sand.u32 $0x4000, s31;
	s1 =	sadd.s32 s1, s30  }
0xba: {  	s0 =	sor.u32 s3, s0;
	s1 =	sshll.u32 s1, $0x11  }
0xbb: {  	s0 =	sor.u32 s1, s0  }
0xbc: {  	s0 =	sadd.s32 $0x8F2B, s0  }
0xbd: {  	[sflag:s0] =	ssyncadd.remote.s32 $0x1  }
0xbe: {  	_ =	sfence.sel $0xFFFF  }
0xbf: {  	[dreg:$0x0] =	wrdreg $0xFFFFFFFF;
	(pc) =	sbr.abs _section_cstart, $3  }
0xc0: {  	[dreg:$0x1] =	wrdreg $0xFFFFFFFF  }
0xc1: {  	_ =	task.clear_ibuf [dreg:s6], $0x2FFFF;
	_ =	strace $0x9FFFFFFF  }
0xc2: {  	(tm) =	ssettm $0x7FFFFFFF  }
0xc3: {  	_ =	shalt  }
tec
execute0_lowered:
.L_overlay_start_1:
0x0: {  	(tag) =	ssettag $0x1  }
0x1: {  	s5 =	rddreg [dreg:$0x0]  }
0x2: {  	s0 =	srdreg.scid;
	s2 =	rddreg [dreg:$0x1]  }
0x3: {  	s3 =	simm.s32 $0x0;
	s13 =	simm.s32 $0x2710;
	s14 =	simm.s32 $0xA0  }
0x4: {  	s15 =	simm.s32 $0xF0;
	s4 =	sand.u32 $0x1, s0;
	s0 =	stileid.u32  }
0x5: {  	s16 =	simm.s32 $0x1;
	s19 =	simm.s32 $0x0;
	s7 =	smul.u32 $0x9C00, s0  }
0x6: {  	[smem:$0x7FF] =	sst s3;
	s11 =	sadd.s32 $0x17400, s5;
	s9 =	smul.u32 $0x27100, s4  }
0x7: {  	s1 =	sshll.u32 s4, $0x4;
	s8 =	ssub.s32 $0x2, s4;
	s10 =	smul.u32 $0x2700, s0  }
0x8: {  	p0 =	sne.s32 s0, $0xF;
	s17 =	sshll.u32 s0, $0x6;
	s6 =	sor.u32 s0, s1  }
0x9: {  	s1 =	rddreg [dreg:$0x2];
	_ =	strace $0x80000047;
	s25 =	sshrl.u32 s8, $0x1  }
0xa: {  	s17 =	sor.u32 $0x1C02, s17;
	s6 =	smul.u32 $0x2710, s6;
	s12 =	ssub.s32 s8, s25  }
0xb: {  	s28 =	sshrl.u32 s7, $0x2;
	s29 =	sadd.s32 s10, s9;
	s31 =	sshrl.u32 s9, $0x3  }
0xc: {  	s18 =	sadd.s32 s10, s2;
	s10 =	simm.s32 $0x2;
	s30 =	sshrl.u32 s29, $0x3  }
0xd: {  	s8 =	sadd.s32 s11, s31;
	s9 =	smax.u32 s12, $0x1;
	s12 =	simm.s32 $0x50  }
0xe: {  	s18 =	sshrl.u32 s18, $0x3;
	s6 =	sshrl.u32 s6, $0x3;
	s7 =	sadd.s32 s11, s30  }
0xf: {  	s8 =	sadd.s32 $0x4E00, s8;
	s11 =	simm.s32 $0x2C10;
	s26 =	sadd.s32 s5, s6  }
0x10: {  	v0 =	vimm.f32 $1.000000000e+00;
	v1 =	vimm.f32 $0.0e+00;
	s5 =	sadd.s32 s28, s2;
	s6 =	sadd.s32 $0x27000, s2;
	s4 =	sadd.s32 $0xD640, s26  }
.LBB2_1:
0x11: {  	[tilespmem:s3], [sflag:$0x2] =	stream.linear.gather [hbm4b:s4+s3], $0x2710, $0x38;
	[tilespmem:$0x5420] =	vst v63  }
0x12: {  	_ =	swait.ge [sflag:s10], $0x2710  }
0x13: {  	[sflag:s10] =	ssyncset.done $0x0  }
0x14: {  	s20 =	simm.s32 $0x40;
	s21 =	simm.s32 $0x0;
	[sflag:s10] =	ssyncadd.s32 $0xFFFFD8F0  }
.LBB2_2:
0x15: {  	p1 =	sne.s32 s20, $0x13C0;
	[tilespmem:s21+$0x2710] =	vst v0;
	s21 =	smov.u32 s20;
	s20 =	sadd.s32 $0x40, s20  }
.Ltmp0:
0x16: {  	(pc) =	sbr.rel @p1 .LBB2_2-.Ltmp0, $2  }
0x17: {  	_ =	sdelay $0x2  }
0x18: {  	s21 =	sshra.s32 s21, $0x2  }
0x19: {  	[tilespmem:s21+$0x2710] =	vst v0  }
0x1a: {  	[tilespmem:$0x2C10] =	vst v1  }
0x1b: {  	[tilespmem:$0x2C20] =	vst v1  }
0x1c: {  	[tilespmem:$0x2C30] =	vst v1  }
0x1d: {  	[tilespmem:$0x2C40] =	vst v1  }
0x1e: {  	[tilespmem:$0x2C50] =	vst v1  }
0x1f: {  	[tilespmem:$0x2C60] =	vst v1  }
0x20: {  	[tilespmem:$0x2C70] =	vst v1  }
0x21: {  	[tilespmem:$0x2C80] =	vst v1  }
0x22: {  	[tilespmem:$0x2C90] =	vst v1  }
0x23: {  	[tilespmem:$0x2CA0] =	vst v1  }
0x24: {  	[tilespmem:$0x2CB0] =	vst v1  }
0x25: {  	[tilespmem:$0x2CC0] =	vst v1  }
0x26: {  	[tilespmem:$0x2CD0] =	vst v1  }
0x27: {  	[tilespmem:$0x2CE0] =	vst v1  }
0x28: {  	[tilespmem:$0x2CF0] =	vst v1  }
0x29: {  	s20 =	sadd.s32 $0x0, s5;
	[tilespmem:$0x2D00] =	vst v1  }
0x2a: {  	[spmem:s20] =	stream.linear.scatter [tilespmem:s11], [sflag:$0x2], $0x100, $0x38;
	[tilespmem:$0x5420] =	vst v63  }
0x2b: {  	s20 =	simm.s32 $0x400;
	_ =	swait.ge [sflag:s10], $0x100  }
.LBB2_4:
0x2c: {  	s21 =	sshra.s32 s20, $0x2;
	[sflag:s10] =	ssyncset.done $0x0;
	p1 =	sne.s32 s20, $0x9800  }
.Ltmp1:
0x2d: {  	s21 =	sadd.s32 s21, s5;
	[sflag:s10] =	ssyncadd.s32 $0xFFFFFF00;
	(pc) =	sbr.rel @p1 .LBB2_4-.Ltmp1, $3  }
0x2e: {  	[spmem:s21] =	stream.linear.scatter [tilespmem:s11], [sflag:$0x2], $0x100, $0x38;
	[tilespmem:$0x5420] =	vst v63  }
0x2f: {  	s20 =	sadd.s32 $0x400, s20;
	_ =	sdelay $0x1  }
0x30: {  	_ =	swait.ge [sflag:s10], $0x100  }
0x31: {  	[sflag:s10] =	ssyncset.done $0x0  }
0x32: {  	s20 =	simm.s32 @!p0 $0x2C10;
	[sflag:s10] =	ssyncadd.s32 $0xFFFFFF00  }
0x33: {  	[spmem:s6] =	stream.linear.scatter @!p0 [tilespmem:s20], [sflag:$0x2], $0x100, $0x38;
	[tilespmem:$0x5420] =	vst v63  }
0x34: {  	s20 =	simm.s32 @!p0 $0x2  }
0x35: {  	_ =	swait.ge @!p0 [sflag:s20], $0x100  }
0x36: {  	[sflag:s20] =	ssyncset.done @!p0 $0x0  }
0x37: {  	[sflag:s20] =	ssyncadd.s32 @!p0 $0xFFFFFF00  }
0x38: {  	[bflag:$0x0] =	sbarrier.arrive $0xFFFF  }
0x39: {  	[spmem:s2] =	stream.indirect.scatter.add.f32 [tilespmem:s13], [sflag:$0x1], $0x10, s3, s12, $0xb8;
	[tilespmem:$0x5420] =	vst v63  }
0x3a: {  	_ = 	snop  }
0x3b: {  	[spmem:s2] =	stream.indirect.scatter.add.f32 [tilespmem:s13], [sflag:$0x1], $0x10, s12, s12, $0xb8;
	[tilespmem:$0x5420] =	vst v63  }
0x3c: {  	_ = 	snop  }
0x3d: {  	[spmem:s2] =	stream.indirect.scatter.add.f32 [tilespmem:s13], [sflag:$0x1], $0x10, s14, s12, $0xb8;
	[tilespmem:$0x5420] =	vst v63  }
0x3e: {  	_ = 	snop  }
0x3f: {  	[spmem:s2] =	stream.indirect.scatter.add.f32 [tilespmem:s13], [sflag:$0x1], $0x10, s15, s12, $0xb8;
	[tilespmem:$0x5420] =	vst v63  }
0x40: {  	s31 =	simm.s32 $0x140  }
0x41: {  	[spmem:s2] =	stream.indirect.scatter.add.f32 [tilespmem:s13], [sflag:$0x1], $0x10, s31, s12, $0xb8;
	[tilespmem:$0x5420] =	vst v63  }
0x42: {  	_ =	swait.ge [sflag:s16], $0x500  }
0x43: {  	s20 =	simm.s32 $0x640;
	[sflag:s16] =	ssyncset.done $0x0  }
.LBB2_6:
0x44: {  	s21 =	sshra.s32 s20, $0x2;
	[sflag:s16] =	ssyncadd.s32 $0xFFFFFB00;
	p1 =	sne.s32 s20, $0x9B00  }
0x45: {  	[spmem:s2] =	stream.indirect.scatter.add.f32 [tilespmem:s13], [sflag:$0x1], $0x10, s21, s12, $0xb8;
	[tilespmem:$0x5420] =	vst v63  }
.Ltmp2:
0x46: {  	_ = 	snop;
	(pc) =	sbr.rel @p1 .LBB2_6-.Ltmp2, $4  }
0x47: {  	_ = 	snop  }
0x48: {  	s20 =	sadd.s32 $0x140, s20  }
0x49: {  	_ =	swait.ge [sflag:s16], $0x500  }
0x4a: {  	[sflag:s16] =	ssyncset.done $0x0  }
0x4b: {  	[sflag:s16] =	ssyncadd.s32 $0xFFFFFB00  }
0x4c: {  	_ =	swait.ge [sflag:s16], $0x500  }
0x4d: {  	[sflag:s16] =	ssyncset.done $0x0  }
0x4e: {  	[sflag:s16] =	ssyncadd.s32 $0xFFFFFB00  }
0x4f: {  	_ =	swait.ge [sflag:s16], $0x500  }
0x50: {  	[sflag:s16] =	ssyncset.done $0x0  }
0x51: {  	[sflag:s16] =	ssyncadd.s32 $0xFFFFFB00  }
0x52: {  	_ =	swait.ge [sflag:s16], $0x500  }
0x53: {  	[sflag:s16] =	ssyncset.done $0x0  }
0x54: {  	[sflag:s16] =	ssyncadd.s32 $0xFFFFFB00  }
0x55: {  	_ =	swait.ge [sflag:s16], $0x500  }
0x56: {  	[sflag:s16] =	ssyncset.done $0x0  }
0x57: {  	[sflag:s16] =	ssyncadd.s32 $0xFFFFFB00  }
0x58: {  	[bflag:$0x0] =	sbarrier.arrive $0xFFFF  }
0x59: {  	[hbm:s7], [sflag:s17] =	dma.local [spmem:s18], $0x4E0  }
0x5a: {  	_ =	swait.ge [sflag:s10], $0x4E0  }
0x5b: {  	s19 =	sadd.s32 $0x1, s19;
	[sflag:s10] =	ssyncset.done $0x0  }
0x5c: {  	s20 =	sshrl.u32 @!p0 s6, $0x3;
	p1 =	sne.s32 s19, s9;
	[sflag:s10] =	ssyncadd.s32 $0xFFFFFB20  }
0x5d: {  	[hbm:s8], [sflag:s17] =	dma.local @!p0 [spmem:s20], $0x20  }
.Ltmp3:
0x5e: {  	_ = 	snop;
	(pc) =	sbr.rel @p1 .LBB2_1-.Ltmp3, $4  }
0x5f: {  	s20 =	simm.s32 @!p0 $0x2  }
0x60: {  	_ =	swait.ge @!p0 [sflag:s20], $0x20  }
0x61: {  	[sflag:s20] =	ssyncset.done @!p0 $0x0  }
0x62: {  	[sflag:s20] =	ssyncadd.s32 @!p0 $0xFFFFFFE0  }
0x63: {  	_ =	sfence.sel $0x180000  }
0x64: {  	[bflag:$0x0] =	sbarrier.arrive $0xFFFF  }
0x65: {  	p0 =	sne.s32 s0, $0x0;
	_ =	strace $0x90000047  }
0x66: {  	s0 =	sadd.s32 @!p0 $0x100000, s1;
	[bflag:$0x2] =	sbarrier.arrive $0xFFFF  }
0x67: {  	[sflag:s0] =	ssyncadd.tile.s32 @!p0 $0x1;
	_ =	shalt  }
.Lfunc_end2:
_tile_overlayer_lowered:
.L_overlay_start_2:
0x68: {  	(tag) =	ssettag $0x2  }
0x69: {  	s0 =	rddreg [dreg:$0x0];
	s2 =	stileid.u32  }
0x6a: {  	s1 =	rddreg [dreg:$0x1];
	p0 =	sne.s32 s2, $0x0  }
0x6b: {  	s3 =	rddreg [dreg:$0x2];
	[bflag:$0x3] =	sbarrier.arrive $0xFFFF;
	s2 =	simm.s32 @!p0 $0x1C02  }
0x6c: {  	[timem:s3], [sflag:s2] =	dma.local @!p0 [hbm:s0], s1  }
0x6d: {  	s0 =	simm.s32 @!p0 $0x2  }
0x6e: {  	_ =	swait.ge @!p0 [sflag:s0], s1  }
0x6f: {  	s1 =	ssub.s32 @!p0 $0x0, s1;
	[sflag:s0] =	ssyncset.done @!p0 $0x0  }
0x70: {  	[sflag:s0] =	ssyncadd.s32 @!p0 s1  }
0x71: {  	[bflag:$0x3] =	sbarrier.arrive $0xFFFF  }
0x72: {  	_ =	shalt  }

// kernel: kernel.14.cloned.1.call-start
scs
__scs_entry_jumppad:
0x0: {  	(pc) =	sbr.rel $0x88, $3  }
0x1: {  	(tag) =	ssettag $0x0;
	lr =	simm.s32 $0x1  }
0x2: {  	[smem:$0x3F96] =	sst lr;
	_ =	strace $0xD0000000  }
0x3: {  	_ = 	snop  }
0x4: {  	_ = 	snop  }
0x5: {  	_ = 	snop  }
0x6: {  	_ = 	snop  }
0x7: {  	_ = 	snop  }
__scs_overlays_trampoline_lowered:
0x8: {  	[smem:$0x3FA5] =	sst s0  }
0x9: {  	[smem:$0x3FA6] =	sst s1  }
0xa: {  	[smem:$0x3FA7] =	sst s2  }
0xb: {  	[smem:$0x3FA8] =	sst s3  }
0xc: {  	[smem:$0x3FA9] =	sst s4  }
0xd: {  	[smem:$0x3FAA] =	sst s5  }
0xe: {  	[smem:$0x3FAB] =	sst s6  }
0xf: {  	[smem:$0x3FAC] =	sst s7  }
0x10: {  	[smem:$0x3FAD] =	sst s8  }
0x11: {  	[smem:$0x3FAE] =	sst s9;
	s0 =	simm.s32 @!p0 $0x0  }
0x12: {  	s1 =	sld [smem:$0x3F94];
	s0 =	simm.s32 @p0 $0x1  }
0x13: {  	[smem:$0x3FAF] =	sst s0;
	s0 =	simm.s32 @!p1 $0x0  }
0x14: {  	s2 =	sld [smem:$0x3F93];
	s0 =	simm.s32 @p1 $0x1  }
0x15: {  	[smem:$0x3FB0] =	sst s0;
	s0 =	simm.s32 @!p2 $0x0  }
0x16: {  	s3 =	sld [smem:$0x3FDB];
	s0 =	simm.s32 @p2 $0x1  }
0x17: {  	s4 =	simm.s32 $0x1BF5;
	[smem:$0x3FB2] =	sst s0  }
0x18: {  	s0 =	sld [smem:$0x3F95];
	_ =	swait.ge [sflag:s4], $0x0  }
0x19: {  	s7 =	sld [smem:$0x3F96]  }
0x1a: {  	s8 =	sadd.s32 $0xFFFFE003, lr  }
0x1b: {  	s9 =	sadd.s32 $0xFFFFFEF7, lr;
	s5 =	simm.s32 $0xFFFFFFFF;
	p2 =	slt.u32 s8, $0xFFFFF086  }
0x1c: {  	p1 =	slt.u32 s9, $0xF7A;
	s5 =	simm.s32 @!p2 $0x0  }
0x1d: {  	s5 =	simm.s32 @p1 $0x1;
	p0 =	seq.s32 s7, s2  }
0x1e: {  	s7 =	smul.u32 @!p0 $0xF7A, s2;
	p2 =	seq.s32 @!p0 s5, $0x0  }
0x1f: {  	s9 =	smul.u32 $0xF7A, s1;
	s8 =	simm.s32 @!p0 $0x1BF5;
	p2 =	por !p2, p0  }
0x20: {  	[sflag:s8] =	ssyncset.s32 @!p0 $0xFFFFF086;
	s6 =	sadd.s32 @!p0 s3, s7;
	s7 =	simm.s32 @!p0 $0x108  }
0x21: {  	s3 =	sadd.s32 s3, s9;
	s6 =	sadd.s32 @!p0 $0x88, s6;
	s7 =	simm.s32 @p2 $0x1082  }
0x22: {  	[simem:s7], [sflag:s8] =	dma.local @!p0 [hbm:s6], $0xF7A  }
0x23: {  	s9 =	sor.u32 $0xD0000000, s2;
	s6 =	simm.s32 $0x108;
	_ =	swait.ge @!p0 [sflag:s8], $0x0  }
0x24: {  	s3 =	sadd.s32 $0x88, s3;
	s6 =	simm.s32 @!p1 $0x1082;
	[sflag:s4] =	ssyncset.s32 $0xFFFFF086  }
0x25: {  	[simem:s6], [sflag:s4] =	dma.local [hbm:s3], $0xF7A  }
0x26: {  	[smem:$0x3F96] =	sst s1;
	(tag) =	ssettag s2;
	_ =	strace s9  }
0x27: {  	s1 =	sld [smem:$0x3FA6]  }
0x28: {  	s2 =	sld [smem:$0x3FA7]  }
0x29: {  	s4 =	sld [smem:$0x3FA9]  }
0x2a: {  	p0 =	seq.s32 s5, $0x0;
	s5 =	sld [smem:$0x3FAA]  }
0x2b: {  	s6 =	sld [smem:$0x3FAB]  }
0x2c: {  	s7 =	sld [smem:$0x3FAC]  }
0x2d: {  	s3 =	simm.s32 $0x108;
	s8 =	sld [smem:$0x3FAD]  }
0x2e: {  	s3 =	simm.s32 @!p0 $0x1082;
	s9 =	sld [smem:$0x3FAE]  }
0x2f: {  	lr =	sadd.s32 s0, s3;
	s0 =	sld [smem:$0x3FA5]  }
0x30: {  	s3 =	sld [smem:$0x3FA8]  }
0x31: {  	[smem:$0x3FB1] =	sst s10  }
0x32: {  	s10 =	sld [smem:$0x3FAF];
	_ =	sdelay $0x3  }
0x33: {  	p0 =	seq.s32 s10, $0x1;
	s10 =	sld [smem:$0x3FB1];
	_ =	sdelay $0x3  }
0x34: {  	[smem:$0x3FB1] =	sst s10  }
0x35: {  	s10 =	sld [smem:$0x3FB0];
	_ =	sdelay $0x3  }
0x36: {  	p1 =	seq.s32 s10, $0x1;
	s10 =	sld [smem:$0x3FB1];
	_ =	sdelay $0x3  }
0x37: {  	[smem:$0x3FB1] =	sst s10  }
0x38: {  	s10 =	sld [smem:$0x3FB2]  }
0x39: {  	_ = 	snop;
	(pc) =	sbr.ind lr, $3  }
0x3a: {  	_ = 	snop  }
0x3b: {  	_ = 	snop  }
0x3c: {  	p2 =	seq.s32 s10, $0x1;
	s10 =	sld [smem:$0x3FB1]  }
0x3d: {  	_ =	shalt  }
0x3e: {  	_ =	shalt  }
0x3f: {  	_ =	shalt  }
0x40: {  	_ =	shalt  }
0x41: {  	_ =	shalt  }
0x42: {  	_ =	shalt  }
0x43: {  	_ =	shalt  }
0x44: {  	_ =	shalt  }
0x45: {  	_ =	shalt  }
0x46: {  	_ =	shalt  }
0x47: {  	_ =	shalt  }
0x48: {  	_ =	shalt  }
0x49: {  	_ =	shalt  }
0x4a: {  	_ =	shalt  }
0x4b: {  	_ =	shalt  }
0x4c: {  	_ =	shalt  }
0x4d: {  	_ =	shalt  }
0x4e: {  	_ =	shalt  }
0x4f: {  	_ =	shalt  }
0x50: {  	_ =	shalt  }
0x51: {  	_ =	shalt  }
0x52: {  	_ =	shalt  }
0x53: {  	_ =	shalt  }
0x54: {  	_ =	shalt  }
0x55: {  	_ =	shalt  }
0x56: {  	_ =	shalt  }
0x57: {  	_ =	shalt  }
0x58: {  	_ =	shalt  }
0x59: {  	_ =	shalt  }
0x5a: {  	_ =	shalt  }
0x5b: {  	_ =	shalt  }
0x5c: {  	_ =	shalt  }
0x5d: {  	_ =	shalt  }
0x5e: {  	_ =	shalt  }
0x5f: {  	_ =	shalt  }
0x60: {  	_ =	shalt  }
0x61: {  	_ =	shalt  }
0x62: {  	_ =	shalt  }
0x63: {  	_ =	shalt  }
0x64: {  	_ =	shalt  }
0x65: {  	_ =	shalt  }
0x66: {  	_ =	shalt  }
0x67: {  	_ =	shalt  }
0x68: {  	_ =	shalt  }
0x69: {  	_ =	shalt  }
0x6a: {  	_ =	shalt  }
0x6b: {  	_ =	shalt  }
0x6c: {  	_ =	shalt  }
0x6d: {  	_ =	shalt  }
0x6e: {  	_ =	shalt  }
0x6f: {  	_ =	shalt  }
0x70: {  	_ =	shalt  }
0x71: {  	_ =	shalt  }
0x72: {  	_ =	shalt  }
0x73: {  	_ =	shalt  }
0x74: {  	_ =	shalt  }
0x75: {  	_ =	shalt  }
0x76: {  	_ =	shalt  }
0x77: {  	_ =	shalt  }
0x78: {  	_ =	shalt  }
0x79: {  	_ =	shalt  }
0x7a: {  	_ =	shalt  }
0x7b: {  	_ =	shalt  }
0x7c: {  	_ =	shalt  }
0x7d: {  	_ =	shalt  }
0x7e: {  	_ =	shalt  }
0x7f: {  	_ =	shalt  }
0x80: {  	_ =	shalt  }
0x81: {  	_ =	shalt  }
0x82: {  	_ =	shalt  }
0x83: {  	_ =	shalt  }
0x84: {  	_ =	shalt  }
0x85: {  	_ =	shalt  }
0x86: {  	_ =	shalt  }
0x87: {  	_ =	shalt  }
.Lfunc_end0:
.L_simem_size_0:
called_computation.1_lowered:
.L_overlay_start_0:
0x88: {  	s2 =	sld [smem:$0x3FD9]  }
0x89: {  	s3 =	sld [smem:$0x3FFE];
	_ =	sdelay $0x1  }
0x8a: {  	s1 =	srdreg.scid  }
0x8b: {  	s0 =	sand.u32 $0x1, s1  }
0x8c: {  	s16 =	sshll.u32 s0, $0xA;
	s2 =	sadd.s32 s3, s2  }
0x8d: {  	s2 =	sadd.s32 s2, s16  }
0x8e: {  	[smem:$0x3FBD] =	sst s2  }
0x8f: {  	_ = 	snop  }
0x90: {  	(tm) =	ssettm $0x1  }
0x91: {  	s17 =	sld [smem:$0x3FFB];
	_ =	sdelay $0x3  }
0x92: {  	_ =	strace s17  }
0x93: {  	s2 =	sld [smem:$0x3FFC];
	_ =	sdelay $0x3  }
0x94: {  	_ =	strace s2  }
0x95: {  	s2 =	sld [smem:$0x3FFD];
	_ =	sdelay $0x3  }
0x96: {  	_ =	strace s2  }
0x97: {  	_ =	strace $0x8FFFFFFF  }
0x98: {  	s18 =	sld [smem:$0x3FDB];
	_ =	sdelay $0x1  }
0x99: {  	s19 =	simm.s32 $_scs_section_size  }
0x9a: {  	s4 =	simm.s32 $_size__tile_overlayer_lowered;
	s5 =	simm.s32 $_tile_overlayer_lowered  }
0x9b: {  	s22 =	simm.s32 $0x1BFF;
	s21 =	sshll.u32 s5, $0x1;
	s2 =	sadd.s32 s19, s18  }
0x9c: {  	s6 =	simm.s32 $0x0;
	s20 =	sshll.u32 s4, $0x1;
	s4 =	sadd.s32 s21, s2  }
0x9d: {  	[timem:s6], [sflag:s22] =	dma.local [hbm:s4], s20  }
0x9e: {  	_ =	swait.ge [sflag:s22], s20  }
0x9f: {  	s3 =	ssub.s32 $0x0, s20;
	[sflag:s22] =	ssyncset.done $0x0  }
0xa0: {  	[sflag:s22] =	ssyncadd.s32 s3;
	_ =	sdelay $0x1  }
0xa1: {  	s23 =	simm.s32 $0x1B8B  }
0xa2: {  	_ =	swait.ge [sflag:s23], $0x1  }
0xa3: {  	[sflag:s23] =	ssyncset.done $0x0  }
0xa4: {  	s25 =	simm.s32 $0x1B8E;
	s24 =	sld [smem:$0x3FFE];
	[sflag:s23] =	ssyncadd.s32 $0xFFFFFFFF  }
0xa5: {  	s26 =	simm.s32 $execute0_lowered;
	[smem:$0x3FD2] =	sst s25  }
0xa6: {  	s4 =	sshll.u32 s26, $0x1;
	_ =	strace $0x80000049;
	[dreg:$0x1] =	wrdreg $0xFFFFFFFF  }
0xa7: {  	s28 =	simm.s32 $_size_execute0_lowered;
	s2 =	sadd.s32 s2, s4;
	[dreg:$0x0] =	wrdreg $0x0  }
0xa8: {  	s4 =	sshll.u32 s28, $0x1;
	[dreg:$0x2] =	wrdreg s2  }
0xa9: {  	[dreg:$0x3] =	wrdreg s4  }
0xaa: {  	[dreg:$0x4] =	wrdreg $0xC0  }
0xab: {  	_ =	task [dreg:s6], $0x5FFFF  }
0xac: {  	[dreg:$0x1] =	wrdreg $0xFFFFFFFF  }
0xad: {  	[dreg:$0x0] =	wrdreg $0x60  }
0xae: {  	[dreg:$0x2] =	wrdreg s24  }
0xaf: {  	[dreg:$0x3] =	wrdreg $0xC6200  }
0xb0: {  	[dreg:$0x4] =	wrdreg $0x9  }
0xb1: {  	_ =	task.clear_ibuf [dreg:s6], $0x5FFFF;
	_ =	strace $0x90000049  }
0xb2: {  	s29 =	simm.s32 $0x9;
	_ =	strace $0x8000004B  }
0xb3: {  	_ =	swait.ge [sflag:s29], $0x1  }
0xb4: {  	[sflag:s29] =	ssyncadd.s32 $0xFFFFFFFF  }
0xb5: {  	_ =	strace $0x9000004B  }
0xb6: {  	_ =	sfence  }
0xb7: {  	s30 =	sld [smem:$0x0];
	_ =	sdelay $0x2  }
0xb8: {  	s31 =	sshll.u32 s1, $0xD;
	s1 =	sshrl.u32 s1, $0x2  }
0xb9: {  	s3 =	sand.u32 $0x4000, s31;
	s1 =	sadd.s32 s1, s30  }
0xba: {  	s0 =	sor.u32 s3, s0;
	s1 =	sshll.u32 s1, $0x11  }
0xbb: {  	s0 =	sor.u32 s1, s0  }
0xbc: {  	s0 =	sadd.s32 $0x8F2B, s0  }
0xbd: {  	[sflag:s0] =	ssyncadd.remote.s32 $0x1  }
0xbe: {  	_ =	sfence.sel $0xFFFF  }
0xbf: {  	[dreg:$0x0] =	wrdreg $0xFFFFFFFF;
	(pc) =	sbr.abs _section_cstart, $3  }
0xc0: {  	[dreg:$0x1] =	wrdreg $0xFFFFFFFF  }
0xc1: {  	_ =	task.clear_ibuf [dreg:s6], $0x2FFFF;
	_ =	strace $0x9FFFFFFF  }
0xc2: {  	(tm) =	ssettm $0x7FFFFFFF  }
0xc3: {  	_ =	shalt  }
tec
execute0_lowered:
.L_overlay_start_1:
0x0: {  	(tag) =	ssettag $0x1  }
0x1: {  	s1 =	rddreg [dreg:$0x0]  }
0x2: {  	s0 =	srdreg.scid;
	s2 =	rddreg [dreg:$0x1]  }
0x3: {  	s10 =	stileid.u32;
	s4 =	simm.s32 $0x0;
	s20 =	simm.s32 $0x7  }
0x4: {  	s21 =	simm.s32 $0x50;
	s28 =	simm.s32 $0x5;
	s29 =	simm.s32 $0x6  }
0x5: {  	s30 =	simm.s32 $0x0;
	s0 =	sand.u32 $0x1, s0;
	s5 =	smul.u32 $0x4E000, s10  }
0x6: {  	[smem:$0x7FF] =	sst s4;
	s4 =	sadd.s32 $0x17400, s1;
	s9 =	smul.u32 $0x13800, s10  }
0x7: {  	s8 =	sadd.s32 $0x138000, s2;
	p0 =	sne.s32 s10, $0xF;
	s3 =	sshll.u32 s0, $0x4  }
0x8: {  	_ =	strace $0x8000004A;
	s6 =	ssub.s32 $0x2, s0;
	s0 =	smul.u32 $0x138800, s0  }
0x9: {  	s3 =	sor.u32 s10, s3;
	s7 =	sshrl.u32 s6, $0x1;
	s5 =	sshrl.u32 s5, $0x2  }
0xa: {  	s25 =	sadd.s32 s9, s2;
	s3 =	smul.u32 $0x4E2, s3;
	s6 =	ssub.s32 s6, s7  }
0xb: {  	s5 =	sadd.s32 s5, s2;
	s24 =	sadd.s32 s9, s0;
	s0 =	sshrl.u32 s0, $0x3  }
0xc: {  	s25 =	sshrl.u32 s25, $0x3;
	s23 =	sadd.s32 $0x11800, s5;
	s26 =	smax.u32 s6, $0x1  }
0xd: {  	s31 =	sadd.s32 $0x2800, s5;
	s13 =	sadd.s32 $0x5000, s5;
	s14 =	sadd.s32 $0x7800, s5  }
0xe: {  	s15 =	sadd.s32 $0xA000, s5;
	s16 =	sadd.s32 $0xC800, s5;
	[dreg:$0x4] =	wrdreg s23  }
0xf: {  	s3 =	sadd.s32 s3, s1;
	s1 =	sadd.s32 $0x3E600, s1;
	[dreg:$0x7] =	wrdreg s26  }
0x10: {  	[dreg:$0x8] =	wrdreg s31;
	s3 =	sadd.s32 $0x3A00, s3;
	s0 =	sadd.s32 s1, s0  }
0x11: {  	[dreg:$0x3] =	wrdreg s3;
	s3 =	sshrl.u32 s24, $0x3;
	s0 =	sadd.s32 $0x27000, s0  }
0x12: {  	s17 =	sadd.s32 $0xF000, s5;
	s3 =	sadd.s32 s1, s3;
	[dreg:$0x6] =	wrdreg s0  }
0x13: {  	v0 =	vimm.f32 $0.0e+00;
	s26 =	simm.s32 $0x4;
	s24 =	simm.s32 $0x9E20;
	[dreg:$0x5] =	wrdreg s3  }
.LBB2_1:
0x14: {  	s0 =	simm.s32 $0x0  }
0x15: {  	s1 =	rddreg [dreg:$0x3];
	s3 =	simm.s32 $0x2710;
	s6 =	simm.s32 $0x4E200  }
0x16: {  	[tilespmem:s0], [sflag:$0x7] =	stream.strided.gather [hbm4b:s1+s3], $0x4E20, s6, s3, $0x38;
	[tilespmem:$0x1FEA0] =	vst v63  }
0x17: {  	_ =	swait.ge [sflag:s20], $0x4E20  }
0x18: {  	[sflag:s20] =	ssyncset.done $0x0  }
0x19: {  	s23 =	simm.s32 $0x4E20;
	[sflag:s20] =	ssyncadd.s32 $0xFFFFB1E0  }
0x1a: {  	[tilespmem:s23], [sflag:$0x1] =	stream.indirect.gather [hbm4b:s4+s21], $0x80, s0, s21, $0xb8;
	[tilespmem:$0x1FEA0] =	vst v63  }
0x1b: {  	s31 =	simm.s32 $0x7620;
	s1 =	simm.s32 $0x200;
	s0 =	simm.s32 $0x0  }
0x1c: {  	[tilespmem:s31], [sflag:$0x2] =	stream.indirect.gather [hbm4b:s4+s21], $0x80, s21, s21, $0xb8;
	[tilespmem:$0x1FEA0] =	vst v63  }
.LBB2_2:
0x1d: {  	p1 =	sne.s32 s1, $0x9E00;
	[tilespmem:s0+$0x9E90] =	vst v0  }
0x1e: {  	[tilespmem:s0+$0x9E20] =	vst v0  }
0x1f: {  	[tilespmem:s0+$0x9E30] =	vst v0  }
.Ltmp0:
0x20: {  	[tilespmem:s0+$0x9E40] =	vst v0;
	(pc) =	sbr.rel @p1 .LBB2_2-.Ltmp0, $4  }
0x21: {  	[tilespmem:s0+$0x9E50] =	vst v0  }
0x22: {  	[tilespmem:s0+$0x9E60] =	vst v0  }
0x23: {  	[tilespmem:s0+$0x9E70] =	vst v0  }
0x24: {  	[tilespmem:s0+$0x9E80] =	vst v0;
	s0 =	sshra.s32 s1, $0x2;
	s1 =	sadd.s32 $0x200, s1  }
0x25: {  	[tilespmem:s0+$0x9E90] =	vst v0  }
0x26: {  	[tilespmem:s0+$0x9E20] =	vst v0  }
0x27: {  	[tilespmem:s0+$0x9E30] =	vst v0  }
0x28: {  	[tilespmem:s0+$0x9E40] =	vst v0  }
0x29: {  	[tilespmem:s0+$0x9E50] =	vst v0  }
0x2a: {  	[tilespmem:s0+$0x9E60] =	vst v0  }
0x2b: {  	[tilespmem:s0+$0x9E70] =	vst v0  }
0x2c: {  	[tilespmem:s0+$0x9E80] =	vst v0  }
0x2d: {  	[spmem:s5] =	stream.linear.scatter [tilespmem:s24], [sflag:$0x7], $0x2800, $0x38;
	[tilespmem:$0x1FEA0] =	vst v63  }
0x2e: {  	_ =	swait.ge [sflag:s20], $0x2800  }
0x2f: {  	[sflag:s20] =	ssyncset.done $0x0  }
0x30: {  	s1 =	rddreg [dreg:$0x8];
	[sflag:s20] =	ssyncadd.s32 $0xFFFFD800  }
0x31: {  	[spmem:s1] =	stream.linear.scatter [tilespmem:s24], [sflag:$0x7], $0x2800, $0x38;
	[tilespmem:$0x1FEA0] =	vst v63  }
0x32: {  	_ =	swait.ge [sflag:s20], $0x2800  }
0x33: {  	[sflag:s20] =	ssyncset.done $0x0  }
0x34: {  	[sflag:s20] =	ssyncadd.s32 $0xFFFFD800  }
0x35: {  	[spmem:s13] =	stream.linear.scatter [tilespmem:s24], [sflag:$0x7], $0x2800, $0x38;
	[tilespmem:$0x1FEA0] =	vst v63  }
0x36: {  	_ =	swait.ge [sflag:s20], $0x2800  }
0x37: {  	[sflag:s20] =	ssyncset.done $0x0  }
0x38: {  	[sflag:s20] =	ssyncadd.s32 $0xFFFFD800  }
0x39: {  	[spmem:s14] =	stream.linear.scatter [tilespmem:s24], [sflag:$0x7], $0x2800, $0x38;
	[tilespmem:$0x1FEA0] =	vst v63  }
0x3a: {  	_ =	swait.ge [sflag:s20], $0x2800  }
0x3b: {  	[sflag:s20] =	ssyncset.done $0x0  }
0x3c: {  	[sflag:s20] =	ssyncadd.s32 $0xFFFFD800  }
0x3d: {  	[spmem:s15] =	stream.linear.scatter [tilespmem:s24], [sflag:$0x7], $0x2800, $0x38;
	[tilespmem:$0x1FEA0] =	vst v63  }
0x3e: {  	s3 =	simm.s32 $0x0;
	_ =	swait.ge [sflag:s20], $0x2800  }
0x3f: {  	p1 =	por $0x0, $0x0;
	s31 =	simm.s32 $0x1;
	[sflag:s20] =	ssyncset.done $0x0  }
0x40: {  	p2 =	por $0x0, $0x0;
	s0 =	smul.u32 $0xAB, s3;
	[sflag:s20] =	ssyncadd.s32 $0xFFFFD800  }
0x41: {  	[spmem:s16] =	stream.linear.scatter [tilespmem:s24], [sflag:$0x7], $0x2800, $0x38;
	[tilespmem:$0x1FEA0] =	vst v63  }
0x42: {  	s3 =	simm.s32 @!p0 $0x9E20;
	s18 =	smul.u32 $0xAB, s31;
	_ =	swait.ge [sflag:s20], $0x2800  }
0x43: {  	s6 =	sadd.s32 $0x156, s0;
	s0 =	sshrl.u32 s0, $0x9;
	[sflag:s20] =	ssyncset.done $0x0  }
0x44: {  	s7 =	sadd.s32 $0x156, s18;
	s0 =	sand.u32 $0x7F, s0;
	[sflag:s20] =	ssyncadd.s32 $0xFFFFD800  }
0x45: {  	[spmem:s17] =	stream.linear.scatter [tilespmem:s24], [sflag:$0x7], $0x2800, $0x38;
	[tilespmem:$0x1FEA0] =	vst v63  }
0x46: {  	s7 =	sshrl.u32 s7, $0x9;
	s22 =	smul.u32 $0x3, s0;
	_ =	swait.ge [sflag:s20], $0x2800  }
0x47: {  	s7 =	sand.u32 $0x7F, s7;
	s0 =	simm.s32 $0x2760;
	[sflag:s20] =	ssyncset.done $0x0  }
0x48: {  	s7 =	smul.u32 $0x3, s7;
	s1 =	rddreg [dreg:$0x4];
	[sflag:s20] =	ssyncadd.s32 $0xFFFFD800  }
0x49: {  	[spmem:s1] =	stream.linear.scatter [tilespmem:s24], [sflag:$0x7], $0x2000, $0x38;
	[tilespmem:$0x1FEA0] =	vst v63  }
0x4a: {  	s22 =	ssub.s32 $0x0, s22;
	s1 =	sshrl.u32 s6, $0x9;
	_ =	swait.ge [sflag:s20], $0x2000  }
0x4b: {  	s23 =	sand.u32 $0xFF, s22;
	s1 =	sand.u32 $0x7F, s1;
	[sflag:s20] =	ssyncset.done $0x0  }
0x4c: {  	s7 =	ssub.s32 $0x1, s7;
	s1 =	smul.u32 $0x3, s1;
	[sflag:s20] =	ssyncadd.s32 $0xFFFFE000  }
0x4d: {  	[spmem:s8] =	stream.linear.scatter @!p0 [tilespmem:s3], [sflag:$0x7], $0x800, $0x38;
	[tilespmem:$0x1FEA0] =	vst v63  }
0x4e: {  	s10 =	smul.u32 $0xA000, s23;
	s11 =	sadd.s32 $0x1, s23;
	s1 =	ssub.s32 $0x0, s1  }
0x4f: {  	s7 =	sadd.s32 $0x2, s7;
	s3 =	simm.s32 @!p0 $0x7;
	s1 =	sadd.s32 $0x2, s1  }
0x50: {  	s23 =	sor.u32 $0x4, s23;
	_ =	swait.ge @!p0 [sflag:s3], $0x800;
	s6 =	sand.u32 $0xFF, s1  }
0x51: {  	s22 =	sand.u32 $0xFF, s7;
	[sflag:s3] =	ssyncset.done @!p0 $0x0;
	s1 =	smul.u32 @!p1 $0xA000, s6  }
0x52: {  	s10 =	sshrl.u32 s10, $0x2;
	[sflag:s3] =	ssyncadd.s32 @!p0 $0xFFFFF800;
	s19 =	sadd.s32 @!p1 $0x1, s6  }
0x53: {  	[bflag:$0x0] =	sbarrier.arrive $0xFFFF;
	s9 =	sshrl.u32 @!p1 s1, $0x2;
	p1 =	por p1, p1  }
0x54: {  	s3 =	simm.s32 $0x2710;
	_ =	swait.ge [sflag:s11], $0x2800;
	p3 =	por @!p1 $0x1, $0x1  }
0x55: {  	s1 =	simm.s32 $0x2;
	[sflag:s11] =	ssyncset.done $0x0;
	p3 =	por p3, p1  }
0x56: {  	[sflag:s11] =	ssyncadd.s32 $0xFFFFD800;
	s12 =	sadd.s32 @!p3 $0x4, s6;
	s6 =	sadd.s32 $0x4E20, s10  }
0x57: {  	[spmem:s2] =	stream.indirect.scatter.add.f32 [tilespmem:s6], [sflag:s23], $0x80, s3, s21, $0xb8;
	[tilespmem:$0x1FEA0] =	vst v63  }
0x58: {  	s7 =	simm.s32 @!p1 $0x50;
	s10 =	smul.u32 @!p2 $0xA000, s22;
	_ =	swait.ge @!p3 [sflag:s12], $0x2800  }
0x59: {  	s9 =	sadd.s32 @!p1 $0x4E20, s9;
	s3 =	sadd.s32 @!p2 $0x1, s22;
	[sflag:s12] =	ssyncset.done @!p3 $0x0  }
0x5a: {  	s6 =	simm.s32 @!p1 $0xA0;
	s23 =	sshrl.u32 @!p2 s10, $0x2;
	[sflag:s12] =	ssyncadd.s32 @!p3 $0xFFFFD800  }
.LBB2_4:
0x5b: {  	[tilespmem:s9], [sflag:s19] =	stream.indirect.gather @!p1 [hbm4b:s4+s7], $0x80, s6, s7, $0xb8;
	[tilespmem:$0x1FEA0] =	vst v63  }
0x5c: {  	s6 =	smov.u32 s31  }
0x5d: {  	s31 =	smov.u32 s1;
	s7 =	smov.u32 s0;
	p1 =	por p2, p2  }
0x5e: {  	s1 =	sadd.s32 $0x1, s1;
	s19 =	smov.u32 s3;
	s9 =	smul.u32 $0xAB, s31  }
0x5f: {  	s3 =	sshrl.u32 s18, $0x9;
	p3 =	sne.s32 s1, $0x7D  }
0x60: {  	s3 =	sand.u32 $0x7F, s3;
	s10 =	sadd.s32 $0x156, s9;
	s18 =	smov.u32 s9  }
0x61: {  	s3 =	smul.u32 $0x3, s3;
	s9 =	sshrl.u32 s10, $0x9  }
0x62: {  	s0 =	sadd.s32 $0x50, s0;
	p4 =	seq.s32 @!p1 s6, $0x0;
	s9 =	sand.u32 $0x7F, s9  }
0x63: {  	p4 =	por p4, p1;
	s3 =	ssub.s32 s6, s3;
	s9 =	smul.u32 $0x3, s9  }
0x64: {  	p2 =	sgt.u32 s31, $0x7A;
	s11 =	sadd.s32 @!p4 $0x4, s22;
	s3 =	sand.u32 $0xFF, s3  }
0x65: {  	s10 =	sadd.s32 $0x1, s3;
	s6 =	ssub.s32 s31, s9;
	s9 =	smul.u32 $0xA000, s3  }
0x66: {  	s3 =	sor.u32 $0x4, s3;
	s6 =	sadd.s32 $0x2, s6;
	_ =	swait.ge [sflag:s10], $0x2800  }
0x67: {  	s22 =	sand.u32 $0xFF, s6;
	s6 =	sshrl.u32 s9, $0x2;
	[sflag:s10] =	ssyncset.done $0x0  }
.Ltmp1:
0x68: {  	s6 =	sadd.s32 $0x4E20, s6;
	[sflag:s10] =	ssyncadd.s32 $0xFFFFD800;
	(pc) =	sbr.rel @p3 .LBB2_4-.Ltmp1, $4  }
0x69: {  	[spmem:s2] =	stream.indirect.scatter.add.f32 [tilespmem:s6], [sflag:s3], $0x80, s7, s21, $0xb8;
	[tilespmem:$0x1FEA0] =	vst v63  }
0x6a: {  	s10 =	smul.u32 @!p2 $0xA000, s22;
	s3 =	sadd.s32 @!p2 $0x1, s22;
	_ =	swait.ge @!p4 [sflag:s11], $0x2800  }
0x6b: {  	s6 =	sadd.s32 @!p1 $0xFFFFD990, s7;
	s7 =	simm.s32 @!p1 $0x50;
	[sflag:s11] =	ssyncset.done @!p4 $0x0  }
0x6c: {  	s9 =	sadd.s32 @!p1 $0x4E20, s23;
	s23 =	sshrl.u32 @!p2 s10, $0x2;
	[sflag:s11] =	ssyncadd.s32 @!p4 $0xFFFFD800  }
0x6d: {  	s1 =	sshrl.u32 s18, $0x9  }
0x6e: {  	s1 =	sand.u32 $0x7F, s1  }
0x6f: {  	s1 =	smul.u32 $0x3, s1  }
0x70: {  	[tilespmem:s9], [sflag:s19] =	stream.indirect.gather @!p1 [hbm4b:s4+s7], $0x80, s6, s7, $0xb8;
	[tilespmem:$0x1FEA0] =	vst v63  }
0x71: {  	s1 =	ssub.s32 s31, s1  }
0x72: {  	p1 =	por p2, p2;
	s1 =	sand.u32 $0xFF, s1  }
0x73: {  	p2 =	seq.s32 @!p1 s31, $0x0;
	s18 =	smul.u32 $0xA000, s1;
	s19 =	sadd.s32 $0x1, s1  }
0x74: {  	p2 =	por p2, p1;
	_ =	swait.ge [sflag:s19], $0x2800  }
0x75: {  	s9 =	sadd.s32 @!p2 $0x4, s22;
	s6 =	sshrl.u32 s18, $0x2;
	[sflag:s19] =	ssyncset.done $0x0  }
0x76: {  	s1 =	sor.u32 $0x4, s1;
	s6 =	sadd.s32 $0x4E20, s6;
	[sflag:s19] =	ssyncadd.s32 $0xFFFFD800  }
0x77: {  	[spmem:s2] =	stream.indirect.scatter.add.f32 [tilespmem:s6], [sflag:s1], $0x80, s0, s21, $0xb8;
	[tilespmem:$0x1FEA0] =	vst v63  }
0x78: {  	_ =	swait.ge @!p2 [sflag:s9], $0x2800  }
0x79: {  	s0 =	sadd.s32 @!p1 $0xFFFFD990, s0;
	[sflag:s9] =	ssyncset.done @!p2 $0x0  }
0x7a: {  	s1 =	simm.s32 @!p1 $0x50;
	s6 =	sadd.s32 @!p1 $0x4E20, s23;
	[sflag:s9] =	ssyncadd.s32 @!p2 $0xFFFFD800  }
0x7b: {  	[tilespmem:s6], [sflag:s3] =	stream.indirect.gather @!p1 [hbm4b:s4+s1], $0x80, s0, s1, $0xb8;
	[tilespmem:$0x1FEA0] =	vst v63  }
0x7c: {  	_ =	swait.ge [sflag:s26], $0x2800  }
0x7d: {  	[sflag:s26] =	ssyncset.done $0x0  }
0x7e: {  	[sflag:s26] =	ssyncadd.s32 $0xFFFFD800  }
0x7f: {  	_ =	swait.ge [sflag:s28], $0x2800  }
0x80: {  	[sflag:s28] =	ssyncset.done $0x0  }
0x81: {  	[sflag:s28] =	ssyncadd.s32 $0xFFFFD800  }
0x82: {  	_ =	swait.ge [sflag:s29], $0x2800  }
0x83: {  	[sflag:s29] =	ssyncset.done $0x0  }
0x84: {  	s22 =	stileid.u32;
	[sflag:s29] =	ssyncadd.s32 $0xFFFFD800  }
0x85: {  	s0 =	sshll.u32 s22, $0x6;
	[bflag:$0x0] =	sbarrier.arrive $0xFFFF  }
0x86: {  	s0 =	sor.u32 $0x1C07, s0;
	s23 =	rddreg [dreg:$0x5]  }
0x87: {  	[hbm:s23], [sflag:s0] =	dma.local [spmem:s25], $0x2700  }
0x88: {  	_ =	swait.ge [sflag:s20], $0x2700  }
0x89: {  	[sflag:s20] =	ssyncset.done $0x0  }
0x8a: {  	s1 =	sshrl.u32 @!p0 s8, $0x3;
	s3 =	rddreg [dreg:$0x6];
	[sflag:s20] =	ssyncadd.s32 $0xFFFFD900  }
0x8b: {  	[hbm:s3], [sflag:s0] =	dma.local @!p0 [spmem:s1], $0x100  }
0x8c: {  	s0 =	simm.s32 @!p0 $0x7  }
0x8d: {  	_ =	swait.ge @!p0 [sflag:s0], $0x100  }
0x8e: {  	s30 =	sadd.s32 $0x1, s30;
	s31 =	rddreg [dreg:$0x7]  }
0x8f: {  	p1 =	sne.s32 s30, s31  }
.Ltmp2:
0x90: {  	_ = 	snop;
	(pc) =	sbr.rel @p1 .LBB2_1-.Ltmp2, $3  }
0x91: {  	_ =	sdelay $0x1  }
0x92: {  	[sflag:s0] =	ssyncset.done @!p0 $0x0  }
0x93: {  	[sflag:s0] =	ssyncadd.s32 @!p0 $0xFFFFFF00  }
0x94: {  	_ =	sfence.sel $0x180000  }
0x95: {  	[bflag:$0x0] =	sbarrier.arrive $0xFFFF  }
0x96: {  	_ =	strace $0x9000004A  }
0x97: {  	s0 =	stileid.u32;
	[bflag:$0x2] =	sbarrier.arrive $0xFFFF  }
0x98: {  	p0 =	sne.s32 s0, $0x0;
	s0 =	rddreg [dreg:$0x2]  }
0x99: {  	s0 =	sadd.s32 @!p0 $0x100000, s0  }
0x9a: {  	[sflag:s0] =	ssyncadd.tile.s32 @!p0 $0x1;
	_ =	shalt  }
.Lfunc_end2:
_tile_overlayer_lowered:
.L_overlay_start_2:
0x9b: {  	(tag) =	ssettag $0x2  }
0x9c: {  	s0 =	rddreg [dreg:$0x0];
	s2 =	stileid.u32  }
0x9d: {  	s1 =	rddreg [dreg:$0x1];
	p0 =	sne.s32 s2, $0x0  }
0x9e: {  	s3 =	rddreg [dreg:$0x2];
	[bflag:$0x3] =	sbarrier.arrive $0xFFFF;
	s2 =	simm.s32 @!p0 $0x1C07  }
0x9f: {  	[timem:s3], [sflag:s2] =	dma.local @!p0 [hbm:s0], s1  }
0xa0: {  	s0 =	simm.s32 @!p0 $0x7  }
0xa1: {  	_ =	swait.ge @!p0 [sflag:s0], s1  }
0xa2: {  	s1 =	ssub.s32 @!p0 $0x0, s1;
	[sflag:s0] =	ssyncset.done @!p0 $0x0  }
0xa3: {  	[sflag:s0] =	ssyncadd.s32 @!p0 s1  }
0xa4: {  	[bflag:$0x3] =	sbarrier.arrive $0xFFFF  }
0xa5: {  	_ =	shalt  }

// kernel: kernel.17.cloned.1.call-start
scs
__scs_entry_jumppad:
0x0: {  	(pc) =	sbr.rel $0x88, $3  }
0x1: {  	(tag) =	ssettag $0x0;
	lr =	simm.s32 $0x1  }
0x2: {  	[smem:$0x3F96] =	sst lr;
	_ =	strace $0xD0000000  }
0x3: {  	_ = 	snop  }
0x4: {  	_ = 	snop  }
0x5: {  	_ = 	snop  }
0x6: {  	_ = 	snop  }
0x7: {  	_ = 	snop  }
__scs_overlays_trampoline_lowered:
0x8: {  	[smem:$0x3FA5] =	sst s0  }
0x9: {  	[smem:$0x3FA6] =	sst s1  }
0xa: {  	[smem:$0x3FA7] =	sst s2  }
0xb: {  	[smem:$0x3FA8] =	sst s3  }
0xc: {  	[smem:$0x3FA9] =	sst s4  }
0xd: {  	[smem:$0x3FAA] =	sst s5  }
0xe: {  	[smem:$0x3FAB] =	sst s6  }
0xf: {  	[smem:$0x3FAC] =	sst s7  }
0x10: {  	[smem:$0x3FAD] =	sst s8  }
0x11: {  	[smem:$0x3FAE] =	sst s9;
	s0 =	simm.s32 @!p0 $0x0  }
0x12: {  	s1 =	sld [smem:$0x3F94];
	s0 =	simm.s32 @p0 $0x1  }
0x13: {  	[smem:$0x3FAF] =	sst s0;
	s0 =	simm.s32 @!p1 $0x0  }
0x14: {  	s2 =	sld [smem:$0x3F93];
	s0 =	simm.s32 @p1 $0x1  }
0x15: {  	[smem:$0x3FB0] =	sst s0;
	s0 =	simm.s32 @!p2 $0x0  }
0x16: {  	s3 =	sld [smem:$0x3FDB];
	s0 =	simm.s32 @p2 $0x1  }
0x17: {  	s4 =	simm.s32 $0x1BF5;
	[smem:$0x3FB2] =	sst s0  }
0x18: {  	s0 =	sld [smem:$0x3F95];
	_ =	swait.ge [sflag:s4], $0x0  }
0x19: {  	s7 =	sld [smem:$0x3F96]  }
0x1a: {  	s8 =	sadd.s32 $0xFFFFE003, lr  }
0x1b: {  	s9 =	sadd.s32 $0xFFFFFEF7, lr;
	s5 =	simm.s32 $0xFFFFFFFF;
	p2 =	slt.u32 s8, $0xFFFFF086  }
0x1c: {  	p1 =	slt.u32 s9, $0xF7A;
	s5 =	simm.s32 @!p2 $0x0  }
0x1d: {  	s5 =	simm.s32 @p1 $0x1;
	p0 =	seq.s32 s7, s2  }
0x1e: {  	s7 =	smul.u32 @!p0 $0xF7A, s2;
	p2 =	seq.s32 @!p0 s5, $0x0  }
0x1f: {  	s9 =	smul.u32 $0xF7A, s1;
	s8 =	simm.s32 @!p0 $0x1BF5;
	p2 =	por !p2, p0  }
0x20: {  	[sflag:s8] =	ssyncset.s32 @!p0 $0xFFFFF086;
	s6 =	sadd.s32 @!p0 s3, s7;
	s7 =	simm.s32 @!p0 $0x108  }
0x21: {  	s3 =	sadd.s32 s3, s9;
	s6 =	sadd.s32 @!p0 $0x88, s6;
	s7 =	simm.s32 @p2 $0x1082  }
0x22: {  	[simem:s7], [sflag:s8] =	dma.local @!p0 [hbm:s6], $0xF7A  }
0x23: {  	s9 =	sor.u32 $0xD0000000, s2;
	s6 =	simm.s32 $0x108;
	_ =	swait.ge @!p0 [sflag:s8], $0x0  }
0x24: {  	s3 =	sadd.s32 $0x88, s3;
	s6 =	simm.s32 @!p1 $0x1082;
	[sflag:s4] =	ssyncset.s32 $0xFFFFF086  }
0x25: {  	[simem:s6], [sflag:s4] =	dma.local [hbm:s3], $0xF7A  }
0x26: {  	[smem:$0x3F96] =	sst s1;
	(tag) =	ssettag s2;
	_ =	strace s9  }
0x27: {  	s1 =	sld [smem:$0x3FA6]  }
0x28: {  	s2 =	sld [smem:$0x3FA7]  }
0x29: {  	s4 =	sld [smem:$0x3FA9]  }
0x2a: {  	p0 =	seq.s32 s5, $0x0;
	s5 =	sld [smem:$0x3FAA]  }
0x2b: {  	s6 =	sld [smem:$0x3FAB]  }
0x2c: {  	s7 =	sld [smem:$0x3FAC]  }
0x2d: {  	s3 =	simm.s32 $0x108;
	s8 =	sld [smem:$0x3FAD]  }
0x2e: {  	s3 =	simm.s32 @!p0 $0x1082;
	s9 =	sld [smem:$0x3FAE]  }
0x2f: {  	lr =	sadd.s32 s0, s3;
	s0 =	sld [smem:$0x3FA5]  }
0x30: {  	s3 =	sld [smem:$0x3FA8]  }
0x31: {  	[smem:$0x3FB1] =	sst s10  }
0x32: {  	s10 =	sld [smem:$0x3FAF];
	_ =	sdelay $0x3  }
0x33: {  	p0 =	seq.s32 s10, $0x1;
	s10 =	sld [smem:$0x3FB1];
	_ =	sdelay $0x3  }
0x34: {  	[smem:$0x3FB1] =	sst s10  }
0x35: {  	s10 =	sld [smem:$0x3FB0];
	_ =	sdelay $0x3  }
0x36: {  	p1 =	seq.s32 s10, $0x1;
	s10 =	sld [smem:$0x3FB1];
	_ =	sdelay $0x3  }
0x37: {  	[smem:$0x3FB1] =	sst s10  }
0x38: {  	s10 =	sld [smem:$0x3FB2]  }
0x39: {  	_ = 	snop;
	(pc) =	sbr.ind lr, $3  }
0x3a: {  	_ = 	snop  }
0x3b: {  	_ = 	snop  }
0x3c: {  	p2 =	seq.s32 s10, $0x1;
	s10 =	sld [smem:$0x3FB1]  }
0x3d: {  	_ =	shalt  }
0x3e: {  	_ =	shalt  }
0x3f: {  	_ =	shalt  }
0x40: {  	_ =	shalt  }
0x41: {  	_ =	shalt  }
0x42: {  	_ =	shalt  }
0x43: {  	_ =	shalt  }
0x44: {  	_ =	shalt  }
0x45: {  	_ =	shalt  }
0x46: {  	_ =	shalt  }
0x47: {  	_ =	shalt  }
0x48: {  	_ =	shalt  }
0x49: {  	_ =	shalt  }
0x4a: {  	_ =	shalt  }
0x4b: {  	_ =	shalt  }
0x4c: {  	_ =	shalt  }
0x4d: {  	_ =	shalt  }
0x4e: {  	_ =	shalt  }
0x4f: {  	_ =	shalt  }
0x50: {  	_ =	shalt  }
0x51: {  	_ =	shalt  }
0x52: {  	_ =	shalt  }
0x53: {  	_ =	shalt  }
0x54: {  	_ =	shalt  }
0x55: {  	_ =	shalt  }
0x56: {  	_ =	shalt  }
0x57: {  	_ =	shalt  }
0x58: {  	_ =	shalt  }
0x59: {  	_ =	shalt  }
0x5a: {  	_ =	shalt  }
0x5b: {  	_ =	shalt  }
0x5c: {  	_ =	shalt  }
0x5d: {  	_ =	shalt  }
0x5e: {  	_ =	shalt  }
0x5f: {  	_ =	shalt  }
0x60: {  	_ =	shalt  }
0x61: {  	_ =	shalt  }
0x62: {  	_ =	shalt  }
0x63: {  	_ =	shalt  }
0x64: {  	_ =	shalt  }
0x65: {  	_ =	shalt  }
0x66: {  	_ =	shalt  }
0x67: {  	_ =	shalt  }
0x68: {  	_ =	shalt  }
0x69: {  	_ =	shalt  }
0x6a: {  	_ =	shalt  }
0x6b: {  	_ =	shalt  }
0x6c: {  	_ =	shalt  }
0x6d: {  	_ =	shalt  }
0x6e: {  	_ =	shalt  }
0x6f: {  	_ =	shalt  }
0x70: {  	_ =	shalt  }
0x71: {  	_ =	shalt  }
0x72: {  	_ =	shalt  }
0x73: {  	_ =	shalt  }
0x74: {  	_ =	shalt  }
0x75: {  	_ =	shalt  }
0x76: {  	_ =	shalt  }
0x77: {  	_ =	shalt  }
0x78: {  	_ =	shalt  }
0x79: {  	_ =	shalt  }
0x7a: {  	_ =	shalt  }
0x7b: {  	_ =	shalt  }
0x7c: {  	_ =	shalt  }
0x7d: {  	_ =	shalt  }
0x7e: {  	_ =	shalt  }
0x7f: {  	_ =	shalt  }
0x80: {  	_ =	shalt  }
0x81: {  	_ =	shalt  }
0x82: {  	_ =	shalt  }
0x83: {  	_ =	shalt  }
0x84: {  	_ =	shalt  }
0x85: {  	_ =	shalt  }
0x86: {  	_ =	shalt  }
0x87: {  	_ =	shalt  }
.Lfunc_end0:
.L_simem_size_0:
called_computation.2_lowered:
.L_overlay_start_0:
0x88: {  	s2 =	sld [smem:$0x3FD9]  }
0x89: {  	s3 =	sld [smem:$0x3FFE];
	_ =	sdelay $0x1  }
0x8a: {  	s1 =	srdreg.scid  }
0x8b: {  	s0 =	sand.u32 $0x1, s1  }
0x8c: {  	s16 =	sshll.u32 s0, $0xA;
	s2 =	sadd.s32 s3, s2  }
0x8d: {  	s2 =	sadd.s32 s2, s16  }
0x8e: {  	[smem:$0x3FBD] =	sst s2  }
0x8f: {  	_ = 	snop  }
0x90: {  	(tm) =	ssettm $0x1  }
0x91: {  	s17 =	sld [smem:$0x3FFB];
	_ =	sdelay $0x3  }
0x92: {  	_ =	strace s17  }
0x93: {  	s2 =	sld [smem:$0x3FFC];
	_ =	sdelay $0x3  }
0x94: {  	_ =	strace s2  }
0x95: {  	s2 =	sld [smem:$0x3FFD];
	_ =	sdelay $0x3  }
0x96: {  	_ =	strace s2  }
0x97: {  	_ =	strace $0x8FFFFFFF  }
0x98: {  	s18 =	sld [smem:$0x3FDB];
	_ =	sdelay $0x1  }
0x99: {  	s19 =	simm.s32 $_scs_section_size  }
0x9a: {  	s4 =	simm.s32 $_size__tile_overlayer_lowered;
	s5 =	simm.s32 $_tile_overlayer_lowered  }
0x9b: {  	s22 =	simm.s32 $0x1BFF;
	s21 =	sshll.u32 s5, $0x1;
	s2 =	sadd.s32 s19, s18  }
0x9c: {  	s6 =	simm.s32 $0x0;
	s20 =	sshll.u32 s4, $0x1;
	s4 =	sadd.s32 s21, s2  }
0x9d: {  	[timem:s6], [sflag:s22] =	dma.local [hbm:s4], s20  }
0x9e: {  	_ =	swait.ge [sflag:s22], s20  }
0x9f: {  	s3 =	ssub.s32 $0x0, s20;
	[sflag:s22] =	ssyncset.done $0x0  }
0xa0: {  	[sflag:s22] =	ssyncadd.s32 s3;
	_ =	sdelay $0x1  }
0xa1: {  	s23 =	simm.s32 $0x1B8B  }
0xa2: {  	_ =	swait.ge [sflag:s23], $0x1  }
0xa3: {  	[sflag:s23] =	ssyncset.done $0x0  }
0xa4: {  	s25 =	simm.s32 $0x1B8E;
	s24 =	sld [smem:$0x3FFE];
	[sflag:s23] =	ssyncadd.s32 $0xFFFFFFFF  }
0xa5: {  	s26 =	simm.s32 $execute0_lowered;
	[smem:$0x3FD2] =	sst s25  }
0xa6: {  	s4 =	sshll.u32 s26, $0x1;
	_ =	strace $0x8000004C;
	[dreg:$0x1] =	wrdreg $0xFFFFFFFF  }
0xa7: {  	s28 =	simm.s32 $_size_execute0_lowered;
	s2 =	sadd.s32 s2, s4;
	[dreg:$0x0] =	wrdreg $0x0  }
0xa8: {  	s4 =	sshll.u32 s28, $0x1;
	[dreg:$0x2] =	wrdreg s2  }
0xa9: {  	[dreg:$0x3] =	wrdreg s4  }
0xaa: {  	[dreg:$0x4] =	wrdreg $0xC0  }
0xab: {  	_ =	task [dreg:s6], $0x5FFFF  }
0xac: {  	[dreg:$0x1] =	wrdreg $0xFFFFFFFF  }
0xad: {  	[dreg:$0x0] =	wrdreg $0x60  }
0xae: {  	[dreg:$0x2] =	wrdreg s24  }
0xaf: {  	[dreg:$0x3] =	wrdreg $0xC6200  }
0xb0: {  	[dreg:$0x4] =	wrdreg $0x9  }
0xb1: {  	_ =	task.clear_ibuf [dreg:s6], $0x5FFFF;
	_ =	strace $0x9000004C  }
0xb2: {  	s29 =	simm.s32 $0x9;
	_ =	strace $0x8000004E  }
0xb3: {  	_ =	swait.ge [sflag:s29], $0x1  }
0xb4: {  	[sflag:s29] =	ssyncadd.s32 $0xFFFFFFFF  }
0xb5: {  	_ =	strace $0x9000004E  }
0xb6: {  	_ =	sfence  }
0xb7: {  	s30 =	sld [smem:$0x0];
	_ =	sdelay $0x2  }
0xb8: {  	s31 =	sshll.u32 s1, $0xD;
	s1 =	sshrl.u32 s1, $0x2  }
0xb9: {  	s3 =	sand.u32 $0x4000, s31;
	s1 =	sadd.s32 s1, s30  }
0xba: {  	s0 =	sor.u32 s3, s0;
	s1 =	sshll.u32 s1, $0x11  }
0xbb: {  	s0 =	sor.u32 s1, s0  }
0xbc: {  	s0 =	sadd.s32 $0x8F2B, s0  }
0xbd: {  	[sflag:s0] =	ssyncadd.remote.s32 $0x1  }
0xbe: {  	_ =	sfence.sel $0xFFFF  }
0xbf: {  	[dreg:$0x0] =	wrdreg $0xFFFFFFFF;
	(pc) =	sbr.abs _section_cstart, $3  }
0xc0: {  	[dreg:$0x1] =	wrdreg $0xFFFFFFFF  }
0xc1: {  	_ =	task.clear_ibuf [dreg:s6], $0x2FFFF;
	_ =	strace $0x9FFFFFFF  }
0xc2: {  	(tm) =	ssettm $0x7FFFFFFF  }
0xc3: {  	_ =	shalt  }
tec
execute0_lowered:
.L_overlay_start_1:
0x0: {  	(tag) =	ssettag $0x1  }
0x1: {  	s1 =	rddreg [dreg:$0x0]  }
0x2: {  	s0 =	srdreg.scid;
	s2 =	rddreg [dreg:$0x1]  }
0x3: {  	s10 =	stileid.u32;
	s4 =	simm.s32 $0x0;
	s20 =	simm.s32 $0x7  }
0x4: {  	s21 =	simm.s32 $0x50;
	s28 =	simm.s32 $0x5;
	s29 =	simm.s32 $0x6  }
0x5: {  	s30 =	simm.s32 $0x0;
	s0 =	sand.u32 $0x1, s0;
	s5 =	smul.u32 $0x4E000, s10  }
0x6: {  	[smem:$0x7FF] =	sst s4;
	s4 =	sadd.s32 $0x17400, s1;
	s9 =	smul.u32 $0x13800, s10  }
0x7: {  	s8 =	sadd.s32 $0x138000, s2;
	p0 =	sne.s32 s10, $0xF;
	s3 =	sshll.u32 s0, $0x4  }
0x8: {  	_ =	strace $0x8000004D;
	s6 =	ssub.s32 $0x2, s0;
	s0 =	smul.u32 $0x138800, s0  }
0x9: {  	s3 =	sor.u32 s10, s3;
	s7 =	sshrl.u32 s6, $0x1;
	s5 =	sshrl.u32 s5, $0x2  }
0xa: {  	s25 =	sadd.s32 s9, s2;
	s3 =	smul.u32 $0x4E2, s3;
	s6 =	ssub.s32 s6, s7  }
0xb: {  	s5 =	sadd.s32 s5, s2;
	s24 =	sadd.s32 s9, s0;
	s0 =	sshrl.u32 s0, $0x3  }
0xc: {  	s25 =	sshrl.u32 s25, $0x3;
	s23 =	sadd.s32 $0x11800, s5;
	s26 =	smax.u32 s6, $0x1  }
0xd: {  	s31 =	sadd.s32 $0x2800, s5;
	s13 =	sadd.s32 $0x5000, s5;
	s14 =	sadd.s32 $0x7800, s5  }
0xe: {  	s15 =	sadd.s32 $0xA000, s5;
	s16 =	sadd.s32 $0xC800, s5;
	[dreg:$0x4] =	wrdreg s23  }
0xf: {  	s3 =	sadd.s32 s3, s1;
	s1 =	sadd.s32 $0x3E600, s1;
	[dreg:$0x7] =	wrdreg s26  }
0x10: {  	[dreg:$0x8] =	wrdreg s31;
	s3 =	sadd.s32 $0x3A00, s3;
	s0 =	sadd.s32 s1, s0  }
0x11: {  	[dreg:$0x3] =	wrdreg s3;
	s3 =	sshrl.u32 s24, $0x3;
	s0 =	sadd.s32 $0x27000, s0  }
0x12: {  	s17 =	sadd.s32 $0xF000, s5;
	s3 =	sadd.s32 s1, s3;
	[dreg:$0x6] =	wrdreg s0  }
0x13: {  	v0 =	vimm.f32 $0.0e+00;
	s26 =	simm.s32 $0x4;
	s24 =	simm.s32 $0x9E20;
	[dreg:$0x5] =	wrdreg s3  }
.LBB2_1:
0x14: {  	s0 =	simm.s32 $0x0  }
0x15: {  	s1 =	rddreg [dreg:$0x3];
	s3 =	simm.s32 $0x2710;
	s6 =	simm.s32 $0x4E200  }
0x16: {  	[tilespmem:s0], [sflag:$0x7] =	stream.strided.gather [hbm4b:s1+s3], $0x4E20, s6, s3, $0x38;
	[tilespmem:$0x1FEA0] =	vst v63  }
0x17: {  	_ =	swait.ge [sflag:s20], $0x4E20  }
0x18: {  	[sflag:s20] =	ssyncset.done $0x0  }
0x19: {  	s23 =	simm.s32 $0x4E20;
	[sflag:s20] =	ssyncadd.s32 $0xFFFFB1E0  }
0x1a: {  	[tilespmem:s23], [sflag:$0x1] =	stream.indirect.gather [hbm4b:s4+s21], $0x80, s0, s21, $0xb8;
	[tilespmem:$0x1FEA0] =	vst v63  }
0x1b: {  	s31 =	simm.s32 $0x7620;
	s1 =	simm.s32 $0x200;
	s0 =	simm.s32 $0x0  }
0x1c: {  	[tilespmem:s31], [sflag:$0x2] =	stream.indirect.gather [hbm4b:s4+s21], $0x80, s21, s21, $0xb8;
	[tilespmem:$0x1FEA0] =	vst v63  }
.LBB2_2:
0x1d: {  	p1 =	sne.s32 s1, $0x9E00;
	[tilespmem:s0+$0x9E90] =	vst v0  }
0x1e: {  	[tilespmem:s0+$0x9E20] =	vst v0  }
0x1f: {  	[tilespmem:s0+$0x9E30] =	vst v0  }
.Ltmp0:
0x20: {  	[tilespmem:s0+$0x9E40] =	vst v0;
	(pc) =	sbr.rel @p1 .LBB2_2-.Ltmp0, $4  }
0x21: {  	[tilespmem:s0+$0x9E50] =	vst v0  }
0x22: {  	[tilespmem:s0+$0x9E60] =	vst v0  }
0x23: {  	[tilespmem:s0+$0x9E70] =	vst v0  }
0x24: {  	[tilespmem:s0+$0x9E80] =	vst v0;
	s0 =	sshra.s32 s1, $0x2;
	s1 =	sadd.s32 $0x200, s1  }
0x25: {  	[tilespmem:s0+$0x9E90] =	vst v0  }
0x26: {  	[tilespmem:s0+$0x9E20] =	vst v0  }
0x27: {  	[tilespmem:s0+$0x9E30] =	vst v0  }
0x28: {  	[tilespmem:s0+$0x9E40] =	vst v0  }
0x29: {  	[tilespmem:s0+$0x9E50] =	vst v0  }
0x2a: {  	[tilespmem:s0+$0x9E60] =	vst v0  }
0x2b: {  	[tilespmem:s0+$0x9E70] =	vst v0  }
0x2c: {  	[tilespmem:s0+$0x9E80] =	vst v0  }
0x2d: {  	[spmem:s5] =	stream.linear.scatter [tilespmem:s24], [sflag:$0x7], $0x2800, $0x38;
	[tilespmem:$0x1FEA0] =	vst v63  }
0x2e: {  	_ =	swait.ge [sflag:s20], $0x2800  }
0x2f: {  	[sflag:s20] =	ssyncset.done $0x0  }
0x30: {  	s1 =	rddreg [dreg:$0x8];
	[sflag:s20] =	ssyncadd.s32 $0xFFFFD800  }
0x31: {  	[spmem:s1] =	stream.linear.scatter [tilespmem:s24], [sflag:$0x7], $0x2800, $0x38;
	[tilespmem:$0x1FEA0] =	vst v63  }
0x32: {  	_ =	swait.ge [sflag:s20], $0x2800  }
0x33: {  	[sflag:s20] =	ssyncset.done $0x0  }
0x34: {  	[sflag:s20] =	ssyncadd.s32 $0xFFFFD800  }
0x35: {  	[spmem:s13] =	stream.linear.scatter [tilespmem:s24], [sflag:$0x7], $0x2800, $0x38;
	[tilespmem:$0x1FEA0] =	vst v63  }
0x36: {  	_ =	swait.ge [sflag:s20], $0x2800  }
0x37: {  	[sflag:s20] =	ssyncset.done $0x0  }
0x38: {  	[sflag:s20] =	ssyncadd.s32 $0xFFFFD800  }
0x39: {  	[spmem:s14] =	stream.linear.scatter [tilespmem:s24], [sflag:$0x7], $0x2800, $0x38;
	[tilespmem:$0x1FEA0] =	vst v63  }
0x3a: {  	_ =	swait.ge [sflag:s20], $0x2800  }
0x3b: {  	[sflag:s20] =	ssyncset.done $0x0  }
0x3c: {  	[sflag:s20] =	ssyncadd.s32 $0xFFFFD800  }
0x3d: {  	[spmem:s15] =	stream.linear.scatter [tilespmem:s24], [sflag:$0x7], $0x2800, $0x38;
	[tilespmem:$0x1FEA0] =	vst v63  }
0x3e: {  	s3 =	simm.s32 $0x0;
	_ =	swait.ge [sflag:s20], $0x2800  }
0x3f: {  	p1 =	por $0x0, $0x0;
	s31 =	simm.s32 $0x1;
	[sflag:s20] =	ssyncset.done $0x0  }
0x40: {  	p2 =	por $0x0, $0x0;
	s0 =	smul.u32 $0xAB, s3;
	[sflag:s20] =	ssyncadd.s32 $0xFFFFD800  }
0x41: {  	[spmem:s16] =	stream.linear.scatter [tilespmem:s24], [sflag:$0x7], $0x2800, $0x38;
	[tilespmem:$0x1FEA0] =	vst v63  }
0x42: {  	s3 =	simm.s32 @!p0 $0x9E20;
	s18 =	smul.u32 $0xAB, s31;
	_ =	swait.ge [sflag:s20], $0x2800  }
0x43: {  	s6 =	sadd.s32 $0x156, s0;
	s0 =	sshrl.u32 s0, $0x9;
	[sflag:s20] =	ssyncset.done $0x0  }
0x44: {  	s7 =	sadd.s32 $0x156, s18;
	s0 =	sand.u32 $0x7F, s0;
	[sflag:s20] =	ssyncadd.s32 $0xFFFFD800  }
0x45: {  	[spmem:s17] =	stream.linear.scatter [tilespmem:s24], [sflag:$0x7], $0x2800, $0x38;
	[tilespmem:$0x1FEA0] =	vst v63  }
0x46: {  	s7 =	sshrl.u32 s7, $0x9;
	s22 =	smul.u32 $0x3, s0;
	_ =	swait.ge [sflag:s20], $0x2800  }
0x47: {  	s7 =	sand.u32 $0x7F, s7;
	s0 =	simm.s32 $0x2760;
	[sflag:s20] =	ssyncset.done $0x0  }
0x48: {  	s7 =	smul.u32 $0x3, s7;
	s1 =	rddreg [dreg:$0x4];
	[sflag:s20] =	ssyncadd.s32 $0xFFFFD800  }
0x49: {  	[spmem:s1] =	stream.linear.scatter [tilespmem:s24], [sflag:$0x7], $0x2000, $0x38;
	[tilespmem:$0x1FEA0] =	vst v63  }
0x4a: {  	s22 =	ssub.s32 $0x0, s22;
	s1 =	sshrl.u32 s6, $0x9;
	_ =	swait.ge [sflag:s20], $0x2000  }
0x4b: {  	s23 =	sand.u32 $0xFF, s22;
	s1 =	sand.u32 $0x7F, s1;
	[sflag:s20] =	ssyncset.done $0x0  }
0x4c: {  	s7 =	ssub.s32 $0x1, s7;
	s1 =	smul.u32 $0x3, s1;
	[sflag:s20] =	ssyncadd.s32 $0xFFFFE000  }
0x4d: {  	[spmem:s8] =	stream.linear.scatter @!p0 [tilespmem:s3], [sflag:$0x7], $0x800, $0x38;
	[tilespmem:$0x1FEA0] =	vst v63  }
0x4e: {  	s10 =	smul.u32 $0xA000, s23;
	s11 =	sadd.s32 $0x1, s23;
	s1 =	ssub.s32 $0x0, s1  }
0x4f: {  	s7 =	sadd.s32 $0x2, s7;
	s3 =	simm.s32 @!p0 $0x7;
	s1 =	sadd.s32 $0x2, s1  }
0x50: {  	s23 =	sor.u32 $0x4, s23;
	_ =	swait.ge @!p0 [sflag:s3], $0x800;
	s6 =	sand.u32 $0xFF, s1  }
0x51: {  	s22 =	sand.u32 $0xFF, s7;
	[sflag:s3] =	ssyncset.done @!p0 $0x0;
	s1 =	smul.u32 @!p1 $0xA000, s6  }
0x52: {  	s10 =	sshrl.u32 s10, $0x2;
	[sflag:s3] =	ssyncadd.s32 @!p0 $0xFFFFF800;
	s19 =	sadd.s32 @!p1 $0x1, s6  }
0x53: {  	[bflag:$0x0] =	sbarrier.arrive $0xFFFF;
	s9 =	sshrl.u32 @!p1 s1, $0x2;
	p1 =	por p1, p1  }
0x54: {  	s3 =	simm.s32 $0x2710;
	_ =	swait.ge [sflag:s11], $0x2800;
	p3 =	por @!p1 $0x1, $0x1  }
0x55: {  	s1 =	simm.s32 $0x2;
	[sflag:s11] =	ssyncset.done $0x0;
	p3 =	por p3, p1  }
0x56: {  	[sflag:s11] =	ssyncadd.s32 $0xFFFFD800;
	s12 =	sadd.s32 @!p3 $0x4, s6;
	s6 =	sadd.s32 $0x4E20, s10  }
0x57: {  	[spmem:s2] =	stream.indirect.scatter.add.f32 [tilespmem:s6], [sflag:s23], $0x80, s3, s21, $0xb8;
	[tilespmem:$0x1FEA0] =	vst v63  }
0x58: {  	s7 =	simm.s32 @!p1 $0x50;
	s10 =	smul.u32 @!p2 $0xA000, s22;
	_ =	swait.ge @!p3 [sflag:s12], $0x2800  }
0x59: {  	s9 =	sadd.s32 @!p1 $0x4E20, s9;
	s3 =	sadd.s32 @!p2 $0x1, s22;
	[sflag:s12] =	ssyncset.done @!p3 $0x0  }
0x5a: {  	s6 =	simm.s32 @!p1 $0xA0;
	s23 =	sshrl.u32 @!p2 s10, $0x2;
	[sflag:s12] =	ssyncadd.s32 @!p3 $0xFFFFD800  }
.LBB2_4:
0x5b: {  	[tilespmem:s9], [sflag:s19] =	stream.indirect.gather @!p1 [hbm4b:s4+s7], $0x80, s6, s7, $0xb8;
	[tilespmem:$0x1FEA0] =	vst v63  }
0x5c: {  	s6 =	smov.u32 s31  }
0x5d: {  	s31 =	smov.u32 s1;
	s7 =	smov.u32 s0;
	p1 =	por p2, p2  }
0x5e: {  	s1 =	sadd.s32 $0x1, s1;
	s19 =	smov.u32 s3;
	s9 =	smul.u32 $0xAB, s31  }
0x5f: {  	s3 =	sshrl.u32 s18, $0x9;
	p3 =	sne.s32 s1, $0x7D  }
0x60: {  	s3 =	sand.u32 $0x7F, s3;
	s10 =	sadd.s32 $0x156, s9;
	s18 =	smov.u32 s9  }
0x61: {  	s3 =	smul.u32 $0x3, s3;
	s9 =	sshrl.u32 s10, $0x9  }
0x62: {  	s0 =	sadd.s32 $0x50, s0;
	p4 =	seq.s32 @!p1 s6, $0x0;
	s9 =	sand.u32 $0x7F, s9  }
0x63: {  	p4 =	por p4, p1;
	s3 =	ssub.s32 s6, s3;
	s9 =	smul.u32 $0x3, s9  }
0x64: {  	p2 =	sgt.u32 s31, $0x7A;
	s11 =	sadd.s32 @!p4 $0x4, s22;
	s3 =	sand.u32 $0xFF, s3  }
0x65: {  	s10 =	sadd.s32 $0x1, s3;
	s6 =	ssub.s32 s31, s9;
	s9 =	smul.u32 $0xA000, s3  }
0x66: {  	s3 =	sor.u32 $0x4, s3;
	s6 =	sadd.s32 $0x2, s6;
	_ =	swait.ge [sflag:s10], $0x2800  }
0x67: {  	s22 =	sand.u32 $0xFF, s6;
	s6 =	sshrl.u32 s9, $0x2;
	[sflag:s10] =	ssyncset.done $0x0  }
.Ltmp1:
0x68: {  	s6 =	sadd.s32 $0x4E20, s6;
	[sflag:s10] =	ssyncadd.s32 $0xFFFFD800;
	(pc) =	sbr.rel @p3 .LBB2_4-.Ltmp1, $4  }
0x69: {  	[spmem:s2] =	stream.indirect.scatter.add.f32 [tilespmem:s6], [sflag:s3], $0x80, s7, s21, $0xb8;
	[tilespmem:$0x1FEA0] =	vst v63  }
0x6a: {  	s10 =	smul.u32 @!p2 $0xA000, s22;
	s3 =	sadd.s32 @!p2 $0x1, s22;
	_ =	swait.ge @!p4 [sflag:s11], $0x2800  }
0x6b: {  	s6 =	sadd.s32 @!p1 $0xFFFFD990, s7;
	s7 =	simm.s32 @!p1 $0x50;
	[sflag:s11] =	ssyncset.done @!p4 $0x0  }
0x6c: {  	s9 =	sadd.s32 @!p1 $0x4E20, s23;
	s23 =	sshrl.u32 @!p2 s10, $0x2;
	[sflag:s11] =	ssyncadd.s32 @!p4 $0xFFFFD800  }
0x6d: {  	s1 =	sshrl.u32 s18, $0x9  }
0x6e: {  	s1 =	sand.u32 $0x7F, s1  }
0x6f: {  	s1 =	smul.u32 $0x3, s1  }
0x70: {  	[tilespmem:s9], [sflag:s19] =	stream.indirect.gather @!p1 [hbm4b:s4+s7], $0x80, s6, s7, $0xb8;
	[tilespmem:$0x1FEA0] =	vst v63  }
0x71: {  	s1 =	ssub.s32 s31, s1  }
0x72: {  	p1 =	por p2, p2;
	s1 =	sand.u32 $0xFF, s1  }
0x73: {  	p2 =	seq.s32 @!p1 s31, $0x0;
	s18 =	smul.u32 $0xA000, s1;
	s19 =	sadd.s32 $0x1, s1  }
0x74: {  	p2 =	por p2, p1;
	_ =	swait.ge [sflag:s19], $0x2800  }
0x75: {  	s9 =	sadd.s32 @!p2 $0x4, s22;
	s6 =	sshrl.u32 s18, $0x2;
	[sflag:s19] =	ssyncset.done $0x0  }
0x76: {  	s1 =	sor.u32 $0x4, s1;
	s6 =	sadd.s32 $0x4E20, s6;
	[sflag:s19] =	ssyncadd.s32 $0xFFFFD800  }
0x77: {  	[spmem:s2] =	stream.indirect.scatter.add.f32 [tilespmem:s6], [sflag:s1], $0x80, s0, s21, $0xb8;
	[tilespmem:$0x1FEA0] =	vst v63  }
0x78: {  	_ =	swait.ge @!p2 [sflag:s9], $0x2800  }
0x79: {  	s0 =	sadd.s32 @!p1 $0xFFFFD990, s0;
	[sflag:s9] =	ssyncset.done @!p2 $0x0  }
0x7a: {  	s1 =	simm.s32 @!p1 $0x50;
	s6 =	sadd.s32 @!p1 $0x4E20, s23;
	[sflag:s9] =	ssyncadd.s32 @!p2 $0xFFFFD800  }
0x7b: {  	[tilespmem:s6], [sflag:s3] =	stream.indirect.gather @!p1 [hbm4b:s4+s1], $0x80, s0, s1, $0xb8;
	[tilespmem:$0x1FEA0] =	vst v63  }
0x7c: {  	_ =	swait.ge [sflag:s26], $0x2800  }
0x7d: {  	[sflag:s26] =	ssyncset.done $0x0  }
0x7e: {  	[sflag:s26] =	ssyncadd.s32 $0xFFFFD800  }
0x7f: {  	_ =	swait.ge [sflag:s28], $0x2800  }
0x80: {  	[sflag:s28] =	ssyncset.done $0x0  }
0x81: {  	[sflag:s28] =	ssyncadd.s32 $0xFFFFD800  }
0x82: {  	_ =	swait.ge [sflag:s29], $0x2800  }
0x83: {  	[sflag:s29] =	ssyncset.done $0x0  }
0x84: {  	s22 =	stileid.u32;
	[sflag:s29] =	ssyncadd.s32 $0xFFFFD800  }
0x85: {  	s0 =	sshll.u32 s22, $0x6;
	[bflag:$0x0] =	sbarrier.arrive $0xFFFF  }
0x86: {  	s0 =	sor.u32 $0x1C07, s0;
	s23 =	rddreg [dreg:$0x5]  }
0x87: {  	[hbm:s23], [sflag:s0] =	dma.local [spmem:s25], $0x2700  }
0x88: {  	_ =	swait.ge [sflag:s20], $0x2700  }
0x89: {  	[sflag:s20] =	ssyncset.done $0x0  }
0x8a: {  	s1 =	sshrl.u32 @!p0 s8, $0x3;
	s3 =	rddreg [dreg:$0x6];
	[sflag:s20] =	ssyncadd.s32 $0xFFFFD900  }
0x8b: {  	[hbm:s3], [sflag:s0] =	dma.local @!p0 [spmem:s1], $0x100  }
0x8c: {  	s0 =	simm.s32 @!p0 $0x7  }
0x8d: {  	_ =	swait.ge @!p0 [sflag:s0], $0x100  }
0x8e: {  	s30 =	sadd.s32 $0x1, s30;
	s31 =	rddreg [dreg:$0x7]  }
0x8f: {  	p1 =	sne.s32 s30, s31  }
.Ltmp2:
0x90: {  	_ = 	snop;
	(pc) =	sbr.rel @p1 .LBB2_1-.Ltmp2, $3  }
0x91: {  	_ =	sdelay $0x1  }
0x92: {  	[sflag:s0] =	ssyncset.done @!p0 $0x0  }
0x93: {  	[sflag:s0] =	ssyncadd.s32 @!p0 $0xFFFFFF00  }
0x94: {  	_ =	sfence.sel $0x180000  }
0x95: {  	[bflag:$0x0] =	sbarrier.arrive $0xFFFF  }
0x96: {  	_ =	strace $0x9000004D  }
0x97: {  	s0 =	stileid.u32;
	[bflag:$0x2] =	sbarrier.arrive $0xFFFF  }
0x98: {  	p0 =	sne.s32 s0, $0x0;
	s0 =	rddreg [dreg:$0x2]  }
0x99: {  	s0 =	sadd.s32 @!p0 $0x100000, s0  }
0x9a: {  	[sflag:s0] =	ssyncadd.tile.s32 @!p0 $0x1;
	_ =	shalt  }
.Lfunc_end2:
_tile_overlayer_lowered:
.L_overlay_start_2:
0x9b: {  	(tag) =	ssettag $0x2  }
0x9c: {  	s0 =	rddreg [dreg:$0x0];
	s2 =	stileid.u32  }
0x9d: {  	s1 =	rddreg [dreg:$0x1];
	p0 =	sne.s32 s2, $0x0  }
0x9e: {  	s3 =	rddreg [dreg:$0x2];
	[bflag:$0x3] =	sbarrier.arrive $0xFFFF;
	s2 =	simm.s32 @!p0 $0x1C07  }
0x9f: {  	[timem:s3], [sflag:s2] =	dma.local @!p0 [hbm:s0], s1  }
0xa0: {  	s0 =	simm.s32 @!p0 $0x7  }
0xa1: {  	_ =	swait.ge @!p0 [sflag:s0], s1  }
0xa2: {  	s1 =	ssub.s32 @!p0 $0x0, s1;
	[sflag:s0] =	ssyncset.done @!p0 $0x0  }
0xa3: {  	[sflag:s0] =	ssyncadd.s32 @!p0 s1  }
0xa4: {  	[bflag:$0x3] =	sbarrier.arrive $0xFFFF  }
0xa5: {  	_ =	shalt  }

// kernel: kernel.20.cloned.1.call-start
scs
__scs_entry_jumppad:
0x0: {  	(pc) =	sbr.rel $0x88, $3  }
0x1: {  	(tag) =	ssettag $0x0;
	lr =	simm.s32 $0x1  }
0x2: {  	[smem:$0x3F96] =	sst lr;
	_ =	strace $0xD0000000  }
0x3: {  	_ = 	snop  }
0x4: {  	_ = 	snop  }
0x5: {  	_ = 	snop  }
0x6: {  	_ = 	snop  }
0x7: {  	_ = 	snop  }
__scs_overlays_trampoline_lowered:
0x8: {  	[smem:$0x3FA5] =	sst s0  }
0x9: {  	[smem:$0x3FA6] =	sst s1  }
0xa: {  	[smem:$0x3FA7] =	sst s2  }
0xb: {  	[smem:$0x3FA8] =	sst s3  }
0xc: {  	[smem:$0x3FA9] =	sst s4  }
0xd: {  	[smem:$0x3FAA] =	sst s5  }
0xe: {  	[smem:$0x3FAB] =	sst s6  }
0xf: {  	[smem:$0x3FAC] =	sst s7  }
0x10: {  	[smem:$0x3FAD] =	sst s8  }
0x11: {  	[smem:$0x3FAE] =	sst s9;
	s0 =	simm.s32 @!p0 $0x0  }
0x12: {  	s1 =	sld [smem:$0x3F94];
	s0 =	simm.s32 @p0 $0x1  }
0x13: {  	[smem:$0x3FAF] =	sst s0;
	s0 =	simm.s32 @!p1 $0x0  }
0x14: {  	s2 =	sld [smem:$0x3F93];
	s0 =	simm.s32 @p1 $0x1  }
0x15: {  	[smem:$0x3FB0] =	sst s0;
	s0 =	simm.s32 @!p2 $0x0  }
0x16: {  	s3 =	sld [smem:$0x3FDB];
	s0 =	simm.s32 @p2 $0x1  }
0x17: {  	s4 =	simm.s32 $0x1BF5;
	[smem:$0x3FB2] =	sst s0  }
0x18: {  	s0 =	sld [smem:$0x3F95];
	_ =	swait.ge [sflag:s4], $0x0  }
0x19: {  	s7 =	sld [smem:$0x3F96]  }
0x1a: {  	s8 =	sadd.s32 $0xFFFFE003, lr  }
0x1b: {  	s9 =	sadd.s32 $0xFFFFFEF7, lr;
	s5 =	simm.s32 $0xFFFFFFFF;
	p2 =	slt.u32 s8, $0xFFFFF086  }
0x1c: {  	p1 =	slt.u32 s9, $0xF7A;
	s5 =	simm.s32 @!p2 $0x0  }
0x1d: {  	s5 =	simm.s32 @p1 $0x1;
	p0 =	seq.s32 s7, s2  }
0x1e: {  	s7 =	smul.u32 @!p0 $0xF7A, s2;
	p2 =	seq.s32 @!p0 s5, $0x0  }
0x1f: {  	s9 =	smul.u32 $0xF7A, s1;
	s8 =	simm.s32 @!p0 $0x1BF5;
	p2 =	por !p2, p0  }
0x20: {  	[sflag:s8] =	ssyncset.s32 @!p0 $0xFFFFF086;
	s6 =	sadd.s32 @!p0 s3, s7;
	s7 =	simm.s32 @!p0 $0x108  }
0x21: {  	s3 =	sadd.s32 s3, s9;
	s6 =	sadd.s32 @!p0 $0x88, s6;
	s7 =	simm.s32 @p2 $0x1082  }
0x22: {  	[simem:s7], [sflag:s8] =	dma.local @!p0 [hbm:s6], $0xF7A  }
0x23: {  	s9 =	sor.u32 $0xD0000000, s2;
	s6 =	simm.s32 $0x108;
	_ =	swait.ge @!p0 [sflag:s8], $0x0  }
0x24: {  	s3 =	sadd.s32 $0x88, s3;
	s6 =	simm.s32 @!p1 $0x1082;
	[sflag:s4] =	ssyncset.s32 $0xFFFFF086  }
0x25: {  	[simem:s6], [sflag:s4] =	dma.local [hbm:s3], $0xF7A  }
0x26: {  	[smem:$0x3F96] =	sst s1;
	(tag) =	ssettag s2;
	_ =	strace s9  }
0x27: {  	s1 =	sld [smem:$0x3FA6]  }
0x28: {  	s2 =	sld [smem:$0x3FA7]  }
0x29: {  	s4 =	sld [smem:$0x3FA9]  }
0x2a: {  	p0 =	seq.s32 s5, $0x0;
	s5 =	sld [smem:$0x3FAA]  }
0x2b: {  	s6 =	sld [smem:$0x3FAB]  }
0x2c: {  	s7 =	sld [smem:$0x3FAC]  }
0x2d: {  	s3 =	simm.s32 $0x108;
	s8 =	sld [smem:$0x3FAD]  }
0x2e: {  	s3 =	simm.s32 @!p0 $0x1082;
	s9 =	sld [smem:$0x3FAE]  }
0x2f: {  	lr =	sadd.s32 s0, s3;
	s0 =	sld [smem:$0x3FA5]  }
0x30: {  	s3 =	sld [smem:$0x3FA8]  }
0x31: {  	[smem:$0x3FB1] =	sst s10  }
0x32: {  	s10 =	sld [smem:$0x3FAF];
	_ =	sdelay $0x3  }
0x33: {  	p0 =	seq.s32 s10, $0x1;
	s10 =	sld [smem:$0x3FB1];
	_ =	sdelay $0x3  }
0x34: {  	[smem:$0x3FB1] =	sst s10  }
0x35: {  	s10 =	sld [smem:$0x3FB0];
	_ =	sdelay $0x3  }
0x36: {  	p1 =	seq.s32 s10, $0x1;
	s10 =	sld [smem:$0x3FB1];
	_ =	sdelay $0x3  }
0x37: {  	[smem:$0x3FB1] =	sst s10  }
0x38: {  	s10 =	sld [smem:$0x3FB2]  }
0x39: {  	_ = 	snop;
	(pc) =	sbr.ind lr, $3  }
0x3a: {  	_ = 	snop  }
0x3b: {  	_ = 	snop  }
0x3c: {  	p2 =	seq.s32 s10, $0x1;
	s10 =	sld [smem:$0x3FB1]  }
0x3d: {  	_ =	shalt  }
0x3e: {  	_ =	shalt  }
0x3f: {  	_ =	shalt  }
0x40: {  	_ =	shalt  }
0x41: {  	_ =	shalt  }
0x42: {  	_ =	shalt  }
0x43: {  	_ =	shalt  }
0x44: {  	_ =	shalt  }
0x45: {  	_ =	shalt  }
0x46: {  	_ =	shalt  }
0x47: {  	_ =	shalt  }
0x48: {  	_ =	shalt  }
0x49: {  	_ =	shalt  }
0x4a: {  	_ =	shalt  }
0x4b: {  	_ =	shalt  }
0x4c: {  	_ =	shalt  }
0x4d: {  	_ =	shalt  }
0x4e: {  	_ =	shalt  }
0x4f: {  	_ =	shalt  }
0x50: {  	_ =	shalt  }
0x51: {  	_ =	shalt  }
0x52: {  	_ =	shalt  }
0x53: {  	_ =	shalt  }
0x54: {  	_ =	shalt  }
0x55: {  	_ =	shalt  }
0x56: {  	_ =	shalt  }
0x57: {  	_ =	shalt  }
0x58: {  	_ =	shalt  }
0x59: {  	_ =	shalt  }
0x5a: {  	_ =	shalt  }
0x5b: {  	_ =	shalt  }
0x5c: {  	_ =	shalt  }
0x5d: {  	_ =	shalt  }
0x5e: {  	_ =	shalt  }
0x5f: {  	_ =	shalt  }
0x60: {  	_ =	shalt  }
0x61: {  	_ =	shalt  }
0x62: {  	_ =	shalt  }
0x63: {  	_ =	shalt  }
0x64: {  	_ =	shalt  }
0x65: {  	_ =	shalt  }
0x66: {  	_ =	shalt  }
0x67: {  	_ =	shalt  }
0x68: {  	_ =	shalt  }
0x69: {  	_ =	shalt  }
0x6a: {  	_ =	shalt  }
0x6b: {  	_ =	shalt  }
0x6c: {  	_ =	shalt  }
0x6d: {  	_ =	shalt  }
0x6e: {  	_ =	shalt  }
0x6f: {  	_ =	shalt  }
0x70: {  	_ =	shalt  }
0x71: {  	_ =	shalt  }
0x72: {  	_ =	shalt  }
0x73: {  	_ =	shalt  }
0x74: {  	_ =	shalt  }
0x75: {  	_ =	shalt  }
0x76: {  	_ =	shalt  }
0x77: {  	_ =	shalt  }
0x78: {  	_ =	shalt  }
0x79: {  	_ =	shalt  }
0x7a: {  	_ =	shalt  }
0x7b: {  	_ =	shalt  }
0x7c: {  	_ =	shalt  }
0x7d: {  	_ =	shalt  }
0x7e: {  	_ =	shalt  }
0x7f: {  	_ =	shalt  }
0x80: {  	_ =	shalt  }
0x81: {  	_ =	shalt  }
0x82: {  	_ =	shalt  }
0x83: {  	_ =	shalt  }
0x84: {  	_ =	shalt  }
0x85: {  	_ =	shalt  }
0x86: {  	_ =	shalt  }
0x87: {  	_ =	shalt  }
.Lfunc_end0:
.L_simem_size_0:
called_computation.3_lowered:
.L_overlay_start_0:
0x88: {  	s2 =	sld [smem:$0x3FD9]  }
0x89: {  	s3 =	sld [smem:$0x3FFE];
	_ =	sdelay $0x1  }
0x8a: {  	s1 =	srdreg.scid  }
0x8b: {  	s0 =	sand.u32 $0x1, s1  }
0x8c: {  	s16 =	sshll.u32 s0, $0xA;
	s2 =	sadd.s32 s3, s2  }
0x8d: {  	s2 =	sadd.s32 s2, s16  }
0x8e: {  	[smem:$0x3FBD] =	sst s2  }
0x8f: {  	_ = 	snop  }
0x90: {  	(tm) =	ssettm $0x1  }
0x91: {  	s17 =	sld [smem:$0x3FFB];
	_ =	sdelay $0x3  }
0x92: {  	_ =	strace s17  }
0x93: {  	s2 =	sld [smem:$0x3FFC];
	_ =	sdelay $0x3  }
0x94: {  	_ =	strace s2  }
0x95: {  	s2 =	sld [smem:$0x3FFD];
	_ =	sdelay $0x3  }
0x96: {  	_ =	strace s2  }
0x97: {  	_ =	strace $0x8FFFFFFF  }
0x98: {  	s18 =	sld [smem:$0x3FDB];
	_ =	sdelay $0x1  }
0x99: {  	s19 =	simm.s32 $_scs_section_size  }
0x9a: {  	s4 =	simm.s32 $_size__tile_overlayer_lowered;
	s5 =	simm.s32 $_tile_overlayer_lowered  }
0x9b: {  	s22 =	simm.s32 $0x1BFF;
	s21 =	sshll.u32 s5, $0x1;
	s2 =	sadd.s32 s19, s18  }
0x9c: {  	s6 =	simm.s32 $0x0;
	s20 =	sshll.u32 s4, $0x1;
	s4 =	sadd.s32 s21, s2  }
0x9d: {  	[timem:s6], [sflag:s22] =	dma.local [hbm:s4], s20  }
0x9e: {  	_ =	swait.ge [sflag:s22], s20  }
0x9f: {  	s3 =	ssub.s32 $0x0, s20;
	[sflag:s22] =	ssyncset.done $0x0  }
0xa0: {  	[sflag:s22] =	ssyncadd.s32 s3;
	_ =	sdelay $0x1  }
0xa1: {  	s23 =	simm.s32 $0x1B8B  }
0xa2: {  	_ =	swait.ge [sflag:s23], $0x1  }
0xa3: {  	[sflag:s23] =	ssyncset.done $0x0  }
0xa4: {  	s25 =	simm.s32 $0x1B8E;
	s24 =	sld [smem:$0x3FFE];
	[sflag:s23] =	ssyncadd.s32 $0xFFFFFFFF  }
0xa5: {  	s26 =	simm.s32 $execute0_lowered;
	[smem:$0x3FD2] =	sst s25  }
0xa6: {  	s4 =	sshll.u32 s26, $0x1;
	_ =	strace $0x8000004F;
	[dreg:$0x1] =	wrdreg $0xFFFFFFFF  }
0xa7: {  	s28 =	simm.s32 $_size_execute0_lowered;
	s2 =	sadd.s32 s2, s4;
	[dreg:$0x0] =	wrdreg $0x0  }
0xa8: {  	s4 =	sshll.u32 s28, $0x1;
	[dreg:$0x2] =	wrdreg s2  }
0xa9: {  	[dreg:$0x3] =	wrdreg s4  }
0xaa: {  	[dreg:$0x4] =	wrdreg $0xC0  }
0xab: {  	_ =	task [dreg:s6], $0x5FFFF  }
0xac: {  	[dreg:$0x1] =	wrdreg $0xFFFFFFFF  }
0xad: {  	[dreg:$0x0] =	wrdreg $0x60  }
0xae: {  	[dreg:$0x2] =	wrdreg s24  }
0xaf: {  	[dreg:$0x3] =	wrdreg $0xC6200  }
0xb0: {  	[dreg:$0x4] =	wrdreg $0x9  }
0xb1: {  	_ =	task.clear_ibuf [dreg:s6], $0x5FFFF;
	_ =	strace $0x9000004F  }
0xb2: {  	s29 =	simm.s32 $0x9;
	_ =	strace $0x80000051  }
0xb3: {  	_ =	swait.ge [sflag:s29], $0x1  }
0xb4: {  	[sflag:s29] =	ssyncadd.s32 $0xFFFFFFFF  }
0xb5: {  	_ =	strace $0x90000051  }
0xb6: {  	_ =	sfence  }
0xb7: {  	s30 =	sld [smem:$0x0];
	_ =	sdelay $0x2  }
0xb8: {  	s31 =	sshll.u32 s1, $0xD;
	s1 =	sshrl.u32 s1, $0x2  }
0xb9: {  	s3 =	sand.u32 $0x4000, s31;
	s1 =	sadd.s32 s1, s30  }
0xba: {  	s0 =	sor.u32 s3, s0;
	s1 =	sshll.u32 s1, $0x11  }
0xbb: {  	s0 =	sor.u32 s1, s0  }
0xbc: {  	s0 =	sadd.s32 $0x8F2B, s0  }
0xbd: {  	[sflag:s0] =	ssyncadd.remote.s32 $0x1  }
0xbe: {  	_ =	sfence.sel $0xFFFF  }
0xbf: {  	[dreg:$0x0] =	wrdreg $0xFFFFFFFF;
	(pc) =	sbr.abs _section_cstart, $3  }
0xc0: {  	[dreg:$0x1] =	wrdreg $0xFFFFFFFF  }
0xc1: {  	_ =	task.clear_ibuf [dreg:s6], $0x2FFFF;
	_ =	strace $0x9FFFFFFF  }
0xc2: {  	(tm) =	ssettm $0x7FFFFFFF  }
0xc3: {  	_ =	shalt  }
tec
execute0_lowered:
.L_overlay_start_1:
0x0: {  	(tag) =	ssettag $0x1  }
0x1: {  	s1 =	rddreg [dreg:$0x0]  }
0x2: {  	s0 =	srdreg.scid;
	s2 =	rddreg [dreg:$0x1]  }
0x3: {  	s10 =	stileid.u32;
	s4 =	simm.s32 $0x0;
	s20 =	simm.s32 $0x7  }
0x4: {  	s21 =	simm.s32 $0x50;
	s28 =	simm.s32 $0x5;
	s29 =	simm.s32 $0x6  }
0x5: {  	s30 =	simm.s32 $0x0;
	s0 =	sand.u32 $0x1, s0;
	s5 =	smul.u32 $0x4E000, s10  }
0x6: {  	[smem:$0x7FF] =	sst s4;
	s4 =	sadd.s32 $0x17400, s1;
	s9 =	smul.u32 $0x13800, s10  }
0x7: {  	s8 =	sadd.s32 $0x138000, s2;
	p0 =	sne.s32 s10, $0xF;
	s3 =	sshll.u32 s0, $0x4  }
0x8: {  	_ =	strace $0x80000050;
	s6 =	ssub.s32 $0x2, s0;
	s0 =	smul.u32 $0x138800, s0  }
0x9: {  	s3 =	sor.u32 s10, s3;
	s7 =	sshrl.u32 s6, $0x1;
	s5 =	sshrl.u32 s5, $0x2  }
0xa: {  	s25 =	sadd.s32 s9, s2;
	s3 =	smul.u32 $0x4E2, s3;
	s6 =	ssub.s32 s6, s7  }
0xb: {  	s5 =	sadd.s32 s5, s2;
	s24 =	sadd.s32 s9, s0;
	s0 =	sshrl.u32 s0, $0x3  }
0xc: {  	s25 =	sshrl.u32 s25, $0x3;
	s23 =	sadd.s32 $0x11800, s5;
	s26 =	smax.u32 s6, $0x1  }
0xd: {  	s31 =	sadd.s32 $0x2800, s5;
	s13 =	sadd.s32 $0x5000, s5;
	s14 =	sadd.s32 $0x7800, s5  }
0xe: {  	s15 =	sadd.s32 $0xA000, s5;
	s16 =	sadd.s32 $0xC800, s5;
	[dreg:$0x4] =	wrdreg s23  }
0xf: {  	s3 =	sadd.s32 s3, s1;
	s1 =	sadd.s32 $0x3E600, s1;
	[dreg:$0x7] =	wrdreg s26  }
0x10: {  	[dreg:$0x8] =	wrdreg s31;
	s3 =	sadd.s32 $0x3A00, s3;
	s0 =	sadd.s32 s1, s0  }
0x11: {  	[dreg:$0x3] =	wrdreg s3;
	s3 =	sshrl.u32 s24, $0x3;
	s0 =	sadd.s32 $0x27000, s0  }
0x12: {  	s17 =	sadd.s32 $0xF000, s5;
	s3 =	sadd.s32 s1, s3;
	[dreg:$0x6] =	wrdreg s0  }
0x13: {  	v0 =	vimm.f32 $0.0e+00;
	s26 =	simm.s32 $0x4;
	s24 =	simm.s32 $0x9E20;
	[dreg:$0x5] =	wrdreg s3  }
.LBB2_1:
0x14: {  	s0 =	simm.s32 $0x0  }
0x15: {  	s1 =	rddreg [dreg:$0x3];
	s3 =	simm.s32 $0x2710;
	s6 =	simm.s32 $0x4E200  }
0x16: {  	[tilespmem:s0], [sflag:$0x7] =	stream.strided.gather [hbm4b:s1+s3], $0x4E20, s6, s3, $0x38;
	[tilespmem:$0x1FEA0] =	vst v63  }
0x17: {  	_ =	swait.ge [sflag:s20], $0x4E20  }
0x18: {  	[sflag:s20] =	ssyncset.done $0x0  }
0x19: {  	s23 =	simm.s32 $0x4E20;
	[sflag:s20] =	ssyncadd.s32 $0xFFFFB1E0  }
0x1a: {  	[tilespmem:s23], [sflag:$0x1] =	stream.indirect.gather [hbm4b:s4+s21], $0x80, s0, s21, $0xb8;
	[tilespmem:$0x1FEA0] =	vst v63  }
0x1b: {  	s31 =	simm.s32 $0x7620;
	s1 =	simm.s32 $0x200;
	s0 =	simm.s32 $0x0  }
0x1c: {  	[tilespmem:s31], [sflag:$0x2] =	stream.indirect.gather [hbm4b:s4+s21], $0x80, s21, s21, $0xb8;
	[tilespmem:$0x1FEA0] =	vst v63  }
.LBB2_2:
0x1d: {  	p1 =	sne.s32 s1, $0x9E00;
	[tilespmem:s0+$0x9E90] =	vst v0  }
0x1e: {  	[tilespmem:s0+$0x9E20] =	vst v0  }
0x1f: {  	[tilespmem:s0+$0x9E30] =	vst v0  }
.Ltmp0:
0x20: {  	[tilespmem:s0+$0x9E40] =	vst v0;
	(pc) =	sbr.rel @p1 .LBB2_2-.Ltmp0, $4  }
0x21: {  	[tilespmem:s0+$0x9E50] =	vst v0  }
0x22: {  	[tilespmem:s0+$0x9E60] =	vst v0  }
0x23: {  	[tilespmem:s0+$0x9E70] =	vst v0  }
0x24: {  	[tilespmem:s0+$0x9E80] =	vst v0;
	s0 =	sshra.s32 s1, $0x2;
	s1 =	sadd.s32 $0x200, s1  }
0x25: {  	[tilespmem:s0+$0x9E90] =	vst v0  }
0x26: {  	[tilespmem:s0+$0x9E20] =	vst v0  }
0x27: {  	[tilespmem:s0+$0x9E30] =	vst v0  }
0x28: {  	[tilespmem:s0+$0x9E40] =	vst v0  }
0x29: {  	[tilespmem:s0+$0x9E50] =	vst v0  }
0x2a: {  	[tilespmem:s0+$0x9E60] =	vst v0  }
0x2b: {  	[tilespmem:s0+$0x9E70] =	vst v0  }
0x2c: {  	[tilespmem:s0+$0x9E80] =	vst v0  }
0x2d: {  	[spmem:s5] =	stream.linear.scatter [tilespmem:s24], [sflag:$0x7], $0x2800, $0x38;
	[tilespmem:$0x1FEA0] =	vst v63  }
0x2e: {  	_ =	swait.ge [sflag:s20], $0x2800  }
0x2f: {  	[sflag:s20] =	ssyncset.done $0x0  }
0x30: {  	s1 =	rddreg [dreg:$0x8];
	[sflag:s20] =	ssyncadd.s32 $0xFFFFD800  }
0x31: {  	[spmem:s1] =	stream.linear.scatter [tilespmem:s24], [sflag:$0x7], $0x2800, $0x38;
	[tilespmem:$0x1FEA0] =	vst v63  }
0x32: {  	_ =	swait.ge [sflag:s20], $0x2800  }
0x33: {  	[sflag:s20] =	ssyncset.done $0x0  }
0x34: {  	[sflag:s20] =	ssyncadd.s32 $0xFFFFD800  }
0x35: {  	[spmem:s13] =	stream.linear.scatter [tilespmem:s24], [sflag:$0x7], $0x2800, $0x38;
	[tilespmem:$0x1FEA0] =	vst v63  }
0x36: {  	_ =	swait.ge [sflag:s20], $0x2800  }
0x37: {  	[sflag:s20] =	ssyncset.done $0x0  }
0x38: {  	[sflag:s20] =	ssyncadd.s32 $0xFFFFD800  }
0x39: {  	[spmem:s14] =	stream.linear.scatter [tilespmem:s24], [sflag:$0x7], $0x2800, $0x38;
	[tilespmem:$0x1FEA0] =	vst v63  }
0x3a: {  	_ =	swait.ge [sflag:s20], $0x2800  }
0x3b: {  	[sflag:s20] =	ssyncset.done $0x0  }
0x3c: {  	[sflag:s20] =	ssyncadd.s32 $0xFFFFD800  }
0x3d: {  	[spmem:s15] =	stream.linear.scatter [tilespmem:s24], [sflag:$0x7], $0x2800, $0x38;
	[tilespmem:$0x1FEA0] =	vst v63  }
0x3e: {  	s3 =	simm.s32 $0x0;
	_ =	swait.ge [sflag:s20], $0x2800  }
0x3f: {  	p1 =	por $0x0, $0x0;
	s31 =	simm.s32 $0x1;
	[sflag:s20] =	ssyncset.done $0x0  }
0x40: {  	p2 =	por $0x0, $0x0;
	s0 =	smul.u32 $0xAB, s3;
	[sflag:s20] =	ssyncadd.s32 $0xFFFFD800  }
0x41: {  	[spmem:s16] =	stream.linear.scatter [tilespmem:s24], [sflag:$0x7], $0x2800, $0x38;
	[tilespmem:$0x1FEA0] =	vst v63  }
0x42: {  	s3 =	simm.s32 @!p0 $0x9E20;
	s18 =	smul.u32 $0xAB, s31;
	_ =	swait.ge [sflag:s20], $0x2800  }
0x43: {  	s6 =	sadd.s32 $0x156, s0;
	s0 =	sshrl.u32 s0, $0x9;
	[sflag:s20] =	ssyncset.done $0x0  }
0x44: {  	s7 =	sadd.s32 $0x156, s18;
	s0 =	sand.u32 $0x7F, s0;
	[sflag:s20] =	ssyncadd.s32 $0xFFFFD800  }
0x45: {  	[spmem:s17] =	stream.linear.scatter [tilespmem:s24], [sflag:$0x7], $0x2800, $0x38;
	[tilespmem:$0x1FEA0] =	vst v63  }
0x46: {  	s7 =	sshrl.u32 s7, $0x9;
	s22 =	smul.u32 $0x3, s0;
	_ =	swait.ge [sflag:s20], $0x2800  }
0x47: {  	s7 =	sand.u32 $0x7F, s7;
	s0 =	simm.s32 $0x2760;
	[sflag:s20] =	ssyncset.done $0x0  }
0x48: {  	s7 =	smul.u32 $0x3, s7;
	s1 =	rddreg [dreg:$0x4];
	[sflag:s20] =	ssyncadd.s32 $0xFFFFD800  }
0x49: {  	[spmem:s1] =	stream.linear.scatter [tilespmem:s24], [sflag:$0x7], $0x2000, $0x38;
	[tilespmem:$0x1FEA0] =	vst v63  }
0x4a: {  	s22 =	ssub.s32 $0x0, s22;
	s1 =	sshrl.u32 s6, $0x9;
	_ =	swait.ge [sflag:s20], $0x2000  }
0x4b: {  	s23 =	sand.u32 $0xFF, s22;
	s1 =	sand.u32 $0x7F, s1;
	[sflag:s20] =	ssyncset.done $0x0  }
0x4c: {  	s7 =	ssub.s32 $0x1, s7;
	s1 =	smul.u32 $0x3, s1;
	[sflag:s20] =	ssyncadd.s32 $0xFFFFE000  }
0x4d: {  	[spmem:s8] =	stream.linear.scatter @!p0 [tilespmem:s3], [sflag:$0x7], $0x800, $0x38;
	[tilespmem:$0x1FEA0] =	vst v63  }
0x4e: {  	s10 =	smul.u32 $0xA000, s23;
	s11 =	sadd.s32 $0x1, s23;
	s1 =	ssub.s32 $0x0, s1  }
0x4f: {  	s7 =	sadd.s32 $0x2, s7;
	s3 =	simm.s32 @!p0 $0x7;
	s1 =	sadd.s32 $0x2, s1  }
0x50: {  	s23 =	sor.u32 $0x4, s23;
	_ =	swait.ge @!p0 [sflag:s3], $0x800;
	s6 =	sand.u32 $0xFF, s1  }
0x51: {  	s22 =	sand.u32 $0xFF, s7;
	[sflag:s3] =	ssyncset.done @!p0 $0x0;
	s1 =	smul.u32 @!p1 $0xA000, s6  }
0x52: {  	s10 =	sshrl.u32 s10, $0x2;
	[sflag:s3] =	ssyncadd.s32 @!p0 $0xFFFFF800;
	s19 =	sadd.s32 @!p1 $0x1, s6  }
0x53: {  	[bflag:$0x0] =	sbarrier.arrive $0xFFFF;
	s9 =	sshrl.u32 @!p1 s1, $0x2;
	p1 =	por p1, p1  }
0x54: {  	s3 =	simm.s32 $0x2710;
	_ =	swait.ge [sflag:s11], $0x2800;
	p3 =	por @!p1 $0x1, $0x1  }
0x55: {  	s1 =	simm.s32 $0x2;
	[sflag:s11] =	ssyncset.done $0x0;
	p3 =	por p3, p1  }
0x56: {  	[sflag:s11] =	ssyncadd.s32 $0xFFFFD800;
	s12 =	sadd.s32 @!p3 $0x4, s6;
	s6 =	sadd.s32 $0x4E20, s10  }
0x57: {  	[spmem:s2] =	stream.indirect.scatter.add.f32 [tilespmem:s6], [sflag:s23], $0x80, s3, s21, $0xb8;
	[tilespmem:$0x1FEA0] =	vst v63  }
0x58: {  	s7 =	simm.s32 @!p1 $0x50;
	s10 =	smul.u32 @!p2 $0xA000, s22;
	_ =	swait.ge @!p3 [sflag:s12], $0x2800  }
0x59: {  	s9 =	sadd.s32 @!p1 $0x4E20, s9;
	s3 =	sadd.s32 @!p2 $0x1, s22;
	[sflag:s12] =	ssyncset.done @!p3 $0x0  }
0x5a: {  	s6 =	simm.s32 @!p1 $0xA0;
	s23 =	sshrl.u32 @!p2 s10, $0x2;
	[sflag:s12] =	ssyncadd.s32 @!p3 $0xFFFFD800  }
.LBB2_4:
0x5b: {  	[tilespmem:s9], [sflag:s19] =	stream.indirect.gather @!p1 [hbm4b:s4+s7], $0x80, s6, s7, $0xb8;
	[tilespmem:$0x1FEA0] =	vst v63  }
0x5c: {  	s6 =	smov.u32 s31  }
0x5d: {  	s31 =	smov.u32 s1;
	s7 =	smov.u32 s0;
	p1 =	por p2, p2  }
0x5e: {  	s1 =	sadd.s32 $0x1, s1;
	s19 =	smov.u32 s3;
	s9 =	smul.u32 $0xAB, s31  }
0x5f: {  	s3 =	sshrl.u32 s18, $0x9;
	p3 =	sne.s32 s1, $0x7D  }
0x60: {  	s3 =	sand.u32 $0x7F, s3;
	s10 =	sadd.s32 $0x156, s9;
	s18 =	smov.u32 s9  }
0x61: {  	s3 =	smul.u32 $0x3, s3;
	s9 =	sshrl.u32 s10, $0x9  }
0x62: {  	s0 =	sadd.s32 $0x50, s0;
	p4 =	seq.s32 @!p1 s6, $0x0;
	s9 =	sand.u32 $0x7F, s9  }
0x63: {  	p4 =	por p4, p1;
	s3 =	ssub.s32 s6, s3;
	s9 =	smul.u32 $0x3, s9  }
0x64: {  	p2 =	sgt.u32 s31, $0x7A;
	s11 =	sadd.s32 @!p4 $0x4, s22;
	s3 =	sand.u32 $0xFF, s3  }
0x65: {  	s10 =	sadd.s32 $0x1, s3;
	s6 =	ssub.s32 s31, s9;
	s9 =	smul.u32 $0xA000, s3  }
0x66: {  	s3 =	sor.u32 $0x4, s3;
	s6 =	sadd.s32 $0x2, s6;
	_ =	swait.ge [sflag:s10], $0x2800  }
0x67: {  	s22 =	sand.u32 $0xFF, s6;
	s6 =	sshrl.u32 s9, $0x2;
	[sflag:s10] =	ssyncset.done $0x0  }
.Ltmp1:
0x68: {  	s6 =	sadd.s32 $0x4E20, s6;
	[sflag:s10] =	ssyncadd.s32 $0xFFFFD800;
	(pc) =	sbr.rel @p3 .LBB2_4-.Ltmp1, $4  }
0x69: {  	[spmem:s2] =	stream.indirect.scatter.add.f32 [tilespmem:s6], [sflag:s3], $0x80, s7, s21, $0xb8;
	[tilespmem:$0x1FEA0] =	vst v63  }
0x6a: {  	s10 =	smul.u32 @!p2 $0xA000, s22;
	s3 =	sadd.s32 @!p2 $0x1, s22;
	_ =	swait.ge @!p4 [sflag:s11], $0x2800  }
0x6b: {  	s6 =	sadd.s32 @!p1 $0xFFFFD990, s7;
	s7 =	simm.s32 @!p1 $0x50;
	[sflag:s11] =	ssyncset.done @!p4 $0x0  }
0x6c: {  	s9 =	sadd.s32 @!p1 $0x4E20, s23;
	s23 =	sshrl.u32 @!p2 s10, $0x2;
	[sflag:s11] =	ssyncadd.s32 @!p4 $0xFFFFD800  }
0x6d: {  	s1 =	sshrl.u32 s18, $0x9  }
0x6e: {  	s1 =	sand.u32 $0x7F, s1  }
0x6f: {  	s1 =	smul.u32 $0x3, s1  }
0x70: {  	[tilespmem:s9], [sflag:s19] =	stream.indirect.gather @!p1 [hbm4b:s4+s7], $0x80, s6, s7, $0xb8;
	[tilespmem:$0x1FEA0] =	vst v63  }
0x71: {  	s1 =	ssub.s32 s31, s1  }
0x72: {  	p1 =	por p2, p2;
	s1 =	sand.u32 $0xFF, s1  }
0x73: {  	p2 =	seq.s32 @!p1 s31, $0x0;
	s18 =	smul.u32 $0xA000, s1;
	s19 =	sadd.s32 $0x1, s1  }
0x74: {  	p2 =	por p2, p1;
	_ =	swait.ge [sflag:s19], $0x2800  }
0x75: {  	s9 =	sadd.s32 @!p2 $0x4, s22;
	s6 =	sshrl.u32 s18, $0x2;
	[sflag:s19] =	ssyncset.done $0x0  }
0x76: {  	s1 =	sor.u32 $0x4, s1;
	s6 =	sadd.s32 $0x4E20, s6;
	[sflag:s19] =	ssyncadd.s32 $0xFFFFD800  }
0x77: {  	[spmem:s2] =	stream.indirect.scatter.add.f32 [tilespmem:s6], [sflag:s1], $0x80, s0, s21, $0xb8;
	[tilespmem:$0x1FEA0] =	vst v63  }
0x78: {  	_ =	swait.ge @!p2 [sflag:s9], $0x2800  }
0x79: {  	s0 =	sadd.s32 @!p1 $0xFFFFD990, s0;
	[sflag:s9] =	ssyncset.done @!p2 $0x0  }
0x7a: {  	s1 =	simm.s32 @!p1 $0x50;
	s6 =	sadd.s32 @!p1 $0x4E20, s23;
	[sflag:s9] =	ssyncadd.s32 @!p2 $0xFFFFD800  }
0x7b: {  	[tilespmem:s6], [sflag:s3] =	stream.indirect.gather @!p1 [hbm4b:s4+s1], $0x80, s0, s1, $0xb8;
	[tilespmem:$0x1FEA0] =	vst v63  }
0x7c: {  	_ =	swait.ge [sflag:s26], $0x2800  }
0x7d: {  	[sflag:s26] =	ssyncset.done $0x0  }
0x7e: {  	[sflag:s26] =	ssyncadd.s32 $0xFFFFD800  }
0x7f: {  	_ =	swait.ge [sflag:s28], $0x2800  }
0x80: {  	[sflag:s28] =	ssyncset.done $0x0  }
0x81: {  	[sflag:s28] =	ssyncadd.s32 $0xFFFFD800  }
0x82: {  	_ =	swait.ge [sflag:s29], $0x2800  }
0x83: {  	[sflag:s29] =	ssyncset.done $0x0  }
0x84: {  	s22 =	stileid.u32;
	[sflag:s29] =	ssyncadd.s32 $0xFFFFD800  }
0x85: {  	s0 =	sshll.u32 s22, $0x6;
	[bflag:$0x0] =	sbarrier.arrive $0xFFFF  }
0x86: {  	s0 =	sor.u32 $0x1C07, s0;
	s23 =	rddreg [dreg:$0x5]  }
0x87: {  	[hbm:s23], [sflag:s0] =	dma.local [spmem:s25], $0x2700  }
0x88: {  	_ =	swait.ge [sflag:s20], $0x2700  }
0x89: {  	[sflag:s20] =	ssyncset.done $0x0  }
0x8a: {  	s1 =	sshrl.u32 @!p0 s8, $0x3;
	s3 =	rddreg [dreg:$0x6];
	[sflag:s20] =	ssyncadd.s32 $0xFFFFD900  }
0x8b: {  	[hbm:s3], [sflag:s0] =	dma.local @!p0 [spmem:s1], $0x100  }
0x8c: {  	s0 =	simm.s32 @!p0 $0x7  }
0x8d: {  	_ =	swait.ge @!p0 [sflag:s0], $0x100  }
0x8e: {  	s30 =	sadd.s32 $0x1, s30;
	s31 =	rddreg [dreg:$0x7]  }
0x8f: {  	p1 =	sne.s32 s30, s31  }
.Ltmp2:
0x90: {  	_ = 	snop;
	(pc) =	sbr.rel @p1 .LBB2_1-.Ltmp2, $3  }
0x91: {  	_ =	sdelay $0x1  }
0x92: {  	[sflag:s0] =	ssyncset.done @!p0 $0x0  }
0x93: {  	[sflag:s0] =	ssyncadd.s32 @!p0 $0xFFFFFF00  }
0x94: {  	_ =	sfence.sel $0x180000  }
0x95: {  	[bflag:$0x0] =	sbarrier.arrive $0xFFFF  }
0x96: {  	_ =	strace $0x90000050  }
0x97: {  	s0 =	stileid.u32;
	[bflag:$0x2] =	sbarrier.arrive $0xFFFF  }
0x98: {  	p0 =	sne.s32 s0, $0x0;
	s0 =	rddreg [dreg:$0x2]  }
0x99: {  	s0 =	sadd.s32 @!p0 $0x100000, s0  }
0x9a: {  	[sflag:s0] =	ssyncadd.tile.s32 @!p0 $0x1;
	_ =	shalt  }
.Lfunc_end2:
_tile_overlayer_lowered:
.L_overlay_start_2:
0x9b: {  	(tag) =	ssettag $0x2  }
0x9c: {  	s0 =	rddreg [dreg:$0x0];
	s2 =	stileid.u32  }
0x9d: {  	s1 =	rddreg [dreg:$0x1];
	p0 =	sne.s32 s2, $0x0  }
0x9e: {  	s3 =	rddreg [dreg:$0x2];
	[bflag:$0x3] =	sbarrier.arrive $0xFFFF;
	s2 =	simm.s32 @!p0 $0x1C07  }
0x9f: {  	[timem:s3], [sflag:s2] =	dma.local @!p0 [hbm:s0], s1  }
0xa0: {  	s0 =	simm.s32 @!p0 $0x7  }
0xa1: {  	_ =	swait.ge @!p0 [sflag:s0], s1  }
0xa2: {  	s1 =	ssub.s32 @!p0 $0x0, s1;
	[sflag:s0] =	ssyncset.done @!p0 $0x0  }
0xa3: {  	[sflag:s0] =	ssyncadd.s32 @!p0 s1  }
0xa4: {  	[bflag:$0x3] =	sbarrier.arrive $0xFFFF  }
0xa5: {  	_ =	shalt  }

</sc_bundles>
